<compile_context>
chip_gen: v7x
topology: tpu7x:2x2x1
jax: 0.10.2.dev20260603
libtpu: 0.0.44.dev20260713+nightly
codegen_flags: <defaults>
</compile_context>

<pallas_src>
import jax
import jax.numpy as jnp
from jax import lax
from jax.experimental import pallas as pl
from jax.experimental.pallas import tpu as pltpu
from jax.experimental.pallas import tpu_sc as plsc

B = 4
N = 512
DEG = 16
H = 768
NH = 12
HD = 64
R = 64
E = B * N * DEG
M = B * N
NW = 32
NPW = M // NW
G = 8
NGRP = NPW // G

_f32 = jnp.float32
_i32 = jnp.int32


def _dot(a, b, dims=(((1,), (0,)), ((), ()))):
    return lax.dot_general(a, b, dims, preferred_element_type=_f32)


def _tc_proj_body(x_ref, wqt_ref, wkt_ref, wvt_ref, bias_ref, kehat_ref,
                  qs_ref, k_ref, p_ref, v_ref):
    x = x_ref[...]
    qs = (_dot(x, wqt_ref[...]) + bias_ref[0:1, :]) * _f32(0.125)
    qs_ref[...] = qs
    k_ref[...] = _dot(x, wkt_ref[...]) + bias_ref[1:2, :]
    p_ref[...] = _dot(qs, kehat_ref[...])
    v_ref[...] = _dot(x, wvt_ref[...]) + bias_ref[2:3, :]


def _tc_projections(x, wqt, wkt, wvt, bias, kehat):
    blk = 256
    grid = (M // blk,)
    full = pl.BlockSpec((H, H), lambda i: (0, 0))
    row = pl.BlockSpec((blk, H), lambda i: (i, 0))
    return pl.pallas_call(
        _tc_proj_body,
        grid=grid,
        in_specs=[row, full, full, full,
                  pl.BlockSpec((3, H), lambda i: (0, 0)), full],
        out_specs=[row, row, row, row],
        out_shape=[jax.ShapeDtypeStruct((M, H), _f32)] * 4,
    )(x, wqt, wkt, wvt, bias, kehat)


def _tc_qkt_body(qs_ref, k_ref, l_ref):
    h = pl.program_id(1)
    qh = qs_ref[0, :, h, :]
    kh = k_ref[0, :, h, :]
    l_ref[0, 0] = _dot(qh, kh, (((1,), (1,)), ((), ())))


def _tc_qkt(qs, k):
    qblk = pl.BlockSpec((1, N, NH, HD), lambda b, h: (b, 0, 0, 0))
    return pl.pallas_call(
        _tc_qkt_body,
        grid=(B, NH),
        in_specs=[qblk, qblk],
        out_specs=pl.BlockSpec((1, 1, N, N), lambda b, h: (b, h, 0, 0)),
        out_shape=jax.ShapeDtypeStruct((B, NH, N, N), _f32),
    )(qs.reshape(B, N, NH, HD), k.reshape(B, N, NH, HD))


def _sc_body(p_hbm, v_hbm, l_hbm, dst_hbm, rel_hbm, vet_hbm, out_hbm,
             vet_v, p_v, out_v, dsti_v, reli_v,
             lrows0, vrows0, lrows1, vrows1, at_v,
             seml0, semv0, seml1, semv1):
    cid = lax.axis_index("c")
    sid = lax.axis_index("s")
    wid = sid * 2 + cid
    base = wid * NPW
    pltpu.sync_copy(vet_hbm, vet_v)
    pltpu.sync_copy(dst_hbm.at[pl.ds(base * DEG, NPW * DEG)], dsti_v)
    pltpu.sync_copy(rel_hbm.at[pl.ds(base * DEG, NPW * DEG)], reli_v)
    iota16 = lax.iota(_i32, DEG)
    hsel = lax.rem(iota16, jnp.full((DEG,), NH, _i32))
    bufs = ((lrows0, vrows0, seml0, semv0), (lrows1, vrows1, seml1, semv1))

    def lrow_idx(lnode):
        g = base + lnode
        b = g // N
        src = g - b * N
        return (b * (NH * N) + src) + N * hsel

    def issue(lnode, lbuf, vbuf, seml, semv):
        d16 = dsti_v[pl.ds(lnode * DEG, DEG)]
        pltpu.async_copy(l_hbm.at[lrow_idx(lnode)], lbuf, seml)
        pltpu.async_copy(v_hbm.at[d16], vbuf, semv)

    issue(0, *bufs[0])
    issue(1, *bufs[1])

    def compute(n, la, rel16, lbuf, vbuf):
        nfull = jnp.full((DEG,), n, _i32)
        g = base + la
        dl16 = dsti_v[pl.ds(la * DEG, DEG)] - (g // N) * N

        for h in range(NH):
            n2n = plsc.load_gather(lbuf, [jnp.full((DEG,), h, _i32), dl16])
            n2e = plsc.load_gather(p_v, [nfull, h * R + rel16])
            logit = n2n + n2e
            mx = jnp.max(logit)
            ex = jnp.exp(logit - mx)
            at_v[pl.ds(h * DEG, DEG)] = ex / jnp.sum(ex)

        def _outs(q, carry3):
            c0 = q * DEG
            attn_h = at_v[pl.ds((q // 4) * DEG, DEG)]
            acc = jnp.zeros((DEG,), _f32)
            for j in range(DEG):
                vrow = vbuf[j, pl.ds(c0, DEG)]
                vev = plsc.load_gather(
                    vet_v, [jnp.full((DEG,), rel16[j], _i32),
                            c0 + iota16])
                acc = acc + attn_h[j] * (vrow + vev)
            out_v[pl.ds(n * H + c0, DEG)] = acc
            return carry3

        lax.fori_loop(0, NH * 4, _outs, 0)

    def grp_body(grp, carry):
        g0 = base + grp * G
        pltpu.sync_copy(p_hbm.at[pl.ds(g0, G)], p_v)

        def pair_body(u, carry2):
            for off, (lbuf, vbuf, seml, semv) in enumerate(bufs):
                n = 2 * u + off
                la = grp * G + n
                pltpu.make_async_copy(
                    l_hbm.at[lrow_idx(la)], lbuf, seml).wait()
                d16 = dsti_v[pl.ds(la * DEG, DEG)]
                pltpu.make_async_copy(v_hbm.at[d16], vbuf, semv).wait()
                rel16 = reli_v[pl.ds(la * DEG, DEG)]
                compute(n, la, rel16, lbuf, vbuf)
                nxt = la + 2

                @pl.when(nxt < NPW)
                def _():
                    issue(nxt, lbuf, vbuf, seml, semv)
            return carry2

        lax.fori_loop(0, G // 2, pair_body, 0)
        pltpu.sync_copy(out_v, out_hbm.at[pl.ds(g0 * H, G * H)])
        return carry

    lax.fori_loop(0, NGRP, grp_body, 0)


def _sc_attention(p, v, l, dst_g, rel, vet):
    mesh = plsc.VectorSubcoreMesh(core_axis_name="c", subcore_axis_name="s")
    kern = pl.kernel(
        _sc_body,
        out_type=jax.ShapeDtypeStruct((M * H,), _f32),
        mesh=mesh,
        compiler_params=pltpu.CompilerParams(needs_layout_passes=False),
        scratch_types=[
            pltpu.VMEM((R, H), _f32),
            pltpu.VMEM((G, H), _f32),
            pltpu.VMEM((G * H,), _f32),
            pltpu.VMEM((NPW * DEG,), _i32),
            pltpu.VMEM((NPW * DEG,), _i32),
            pltpu.VMEM((DEG, N), _f32),
            pltpu.VMEM((DEG, H), _f32),
            pltpu.VMEM((DEG, N), _f32),
            pltpu.VMEM((DEG, H), _f32),
            pltpu.VMEM((NH * DEG,), _f32),
            pltpu.SemaphoreType.DMA,
            pltpu.SemaphoreType.DMA,
            pltpu.SemaphoreType.DMA,
            pltpu.SemaphoreType.DMA,
        ],
    )
    return kern(p, v, l.reshape(B * NH * N, N), dst_g, rel, vet)


def kernel(node_states, edge_indices, Wq, bq, Wk, bk, Wv, bv,
           key_edge_table, value_edge_table):
    x = node_states.reshape(M, H)
    bias = jnp.stack([bq, bk, bv])
    ke3 = key_edge_table.reshape(R, NH, HD)
    blocks = jnp.transpose(ke3, (1, 2, 0))
    eye = jnp.eye(NH, dtype=_f32)
    kehat = (eye[:, None, :, None] * blocks[:, :, None, :]).reshape(H, NH * R)

    qs, k, p, v = _tc_projections(x, Wq.T, Wk.T, Wv.T, bias, kehat)
    l = _tc_qkt(qs, k)

    dst_g = (edge_indices[0] * N + edge_indices[2]).astype(_i32)
    rel = edge_indices[3].astype(_i32)
    out = _sc_attention(p, v, l, dst_g, rel, value_edge_table)
    return out.reshape(B, N, H)

# --- scband reference (transcript-rebuilt; emitter-appended) ---
"""Pipeline reference for scband-gatbert-self-attention-28879360099203 (READ-ONLY COPY).

The authoritative reference and input builder live on the scoring server;
editing this copy changes nothing except your own understanding.
"""

import jax, jax.numpy as jnp
import numpy as np

B = 4
N = 512
DEG = 16
H = 768
NH = 12
HD = H // NH
R = 64
E = B * N * DEG


def _build_edge_indices(key):
    # unique, lexicographically sorted (batch, src, dst) triples so that
    # torch's sparse coalesce() is an identity re-ordering
    bb = jnp.arange(B)[:, None, None]
    ii = jnp.arange(N)[None, :, None]
    jj = jnp.arange(DEG)[None, None, :]
    dst = (ii + 37 * jj + 11 * bb) % N
    dst = jnp.sort(dst, axis=-1)
    b_idx = jnp.broadcast_to(bb, (B, N, DEG)).reshape(-1)
    src = jnp.broadcast_to(ii, (B, N, DEG)).reshape(-1)
    dst = dst.reshape(-1)
    rel = jax.random.randint(key, (E,), 0, R)
    return jnp.stack([b_idx, src, dst, rel])


def setup_inputs(seed: int = 0):
    key = jax.random.key(seed)
    k = jax.random.split(key, 8)
    s = 0.02
    node_states = jax.random.normal(k[0], (B, N, H), jnp.float32)
    edge_indices = _build_edge_indices(k[1])
    Wq = jax.random.normal(k[2], (H, H), jnp.float32) * s
    bq = jnp.zeros((H,), jnp.float32)
    Wk = jax.random.normal(k[3], (H, H), jnp.float32) * s
    bk = jnp.zeros((H,), jnp.float32)
    Wv = jax.random.normal(k[4], (H, H), jnp.float32) * s
    bv = jnp.zeros((H,), jnp.float32)
    # EdgeEmbeddings tables; row TOKEN_TO_TOKEN_RELATION_ID (=0) zeroed
    key_edge_table = (jax.random.normal(k[5], (R, H), jnp.float32) * s).at[0].set(0.0)
    value_edge_table = (jax.random.normal(k[6], (R, H), jnp.float32) * s).at[0].set(0.0)
    return {
        'node_states': node_states,
        'edge_indices': edge_indices,
        'Wq': Wq, 'bq': bq,
        'Wk': Wk, 'bk': bk,
        'Wv': Wv, 'bv': bv,
        'key_edge_table': key_edge_table,
        'value_edge_table': value_edge_table,
    }


def reference(node_states, edge_indices, Wq, bq, Wk, bk, Wv, bv, key_edge_table, value_edge_table):
    b_idx = edge_indices[0]
    src = edge_indices[1]
    dst = edge_indices[2]
    rel = edge_indices[3]

    Q = node_states @ Wq.T + bq
    K = node_states @ Wk.T + bk
    V = node_states @ Wv.T + bv

    def t(x):
        return x.reshape(x.shape[:-1] + (NH, HD))

    # edge embeddings (coalesce is identity: indices unique & pre-sorted)
    K_edge = t(jnp.take(key_edge_table, rel, axis=0))
    V_edge = t(jnp.take(value_edge_table, rel, axis=0))

    Qt = t(Q[b_idx, src])
    Kt = t(K[b_idx, dst])
    scale = jnp.sqrt(jnp.float32(HD))
    node2node = jnp.sum(Qt * Kt, axis=-1) / scale
    node2edge = jnp.sum(Qt * K_edge, axis=-1) / scale
    logits = node2node + node2edge  # (E, NH)

    # sparse softmax over dst dim (-2): segment softmax per (batch, src)
    seg = b_idx * N + src
    nseg = B * N
    m = jax.ops.segment_max(logits, seg, num_segments=nseg)
    ex = jnp.exp(logits - m[seg])
    den = jax.ops.segment_sum(ex, seg, num_segments=nseg)
    attn = ex / den[seg]  # dropout is identity in eval mode

    Vt = t(V[b_idx, dst]) + V_edge
    elwise = (attn[..., None] * Vt).reshape(E, H)
    # sparse.mm(edge_mask, elwise) == scatter-add of edge rows into (b*N+src)
    flat = jax.ops.segment_sum(elwise, seg, num_segments=nseg)
    return flat.reshape(B, N, H)

if __name__ == "__main__":
    import jax
    _d = setup_inputs()
    print(jax.jit(kernel)(*tuple(_d.values())))

</pallas_src>

<mosaic_0001>
#map = affine_map<(d0, d1) -> (0, 0)>
#map1 = affine_map<(d0, d1) -> (0)>
module attributes {stable_mosaic.version = 14 : i64} {
  func.func @_sc_body(%arg0: i32, %arg1: i32, %arg2: memref<2048x768xf32, #tpu.memory_space<hbm>>, %arg3: memref<2048x768xf32, #tpu.memory_space<hbm>>, %arg4: memref<24576x512xf32, #tpu.memory_space<hbm>>, %arg5: memref<32768xi32, #tpu.memory_space<hbm>>, %arg6: memref<32768xi32, #tpu.memory_space<hbm>>, %arg7: memref<64x768xf32, #tpu.memory_space<hbm>>, %arg8: memref<1572864xf32, #tpu.memory_space<hbm>>, %arg9: memref<64x768xf32, #tpu.memory_space<vmem>>, %arg10: memref<8x768xf32, #tpu.memory_space<vmem>>, %arg11: memref<6144xf32, #tpu.memory_space<vmem>>, %arg12: memref<1024xi32, #tpu.memory_space<vmem>>, %arg13: memref<1024xi32, #tpu.memory_space<vmem>>, %arg14: memref<16x512xf32, #tpu.memory_space<vmem>>, %arg15: memref<16x768xf32, #tpu.memory_space<vmem>>, %arg16: memref<16x512xf32, #tpu.memory_space<vmem>>, %arg17: memref<16x768xf32, #tpu.memory_space<vmem>>, %arg18: memref<192xf32, #tpu.memory_space<vmem>>, %arg19: memref<!tpu.dma_semaphore, #tpu.memory_space<semaphore_mem>>, %arg20: memref<!tpu.dma_semaphore, #tpu.memory_space<semaphore_mem>>, %arg21: memref<!tpu.dma_semaphore, #tpu.memory_space<semaphore_mem>>, %arg22: memref<!tpu.dma_semaphore, #tpu.memory_space<semaphore_mem>>) attributes {dimension_semantics = [#tpu.dimension_semantics<core_parallel>, #tpu.dimension_semantics<subcore_parallel>], iteration_bounds = array<i64: 2, 16>, scalar_prefetch = 0 : i64, scratch_operands = 14 : i64, tpu.core_type = #tpu.core_type<sc_vector_subcore>, window_params = [{transform_indices = #map}, {transform_indices = #map}, {transform_indices = #map}, {transform_indices = #map1}, {transform_indices = #map1}, {transform_indices = #map}, {transform_indices = #map1}]} {
    %mul3A = arith.constant 2 : i32
    %mul3A_0 = arith.muli %arg1, %mul3A : i32
    %add3A = arith.addi %mul3A_0, %arg0 : i32
    %mul3A_1 = arith.constant 64 : i32
    %mul3A_2 = arith.muli %add3A, %mul3A_1 : i32
    "tpu.region"() ({
      %run_scoped3A = tpu.sem_alloc : memref<!tpu.dma_semaphore, #tpu.memory_space<semaphore_mem>>
      tpu.enqueue_dma source(%arg7 : memref<64x768xf32, #tpu.memory_space<hbm>>) target(%arg9 : memref<64x768xf32, #tpu.memory_space<vmem>>) target_semaphore(%run_scoped3A : memref<!tpu.dma_semaphore, #tpu.memory_space<semaphore_mem>>)
      tpu.wait_dma2 semaphore(%run_scoped3A : memref<!tpu.dma_semaphore, #tpu.memory_space<semaphore_mem>>) src(%arg7 : memref<64x768xf32, #tpu.memory_space<hbm>>) dst(%arg9 : memref<64x768xf32, #tpu.memory_space<vmem>>)
      tpu.yield
    }) : () -> ()
    %mul3A_3 = arith.constant 16 : i32
    %mul3A_4 = arith.muli %mul3A_2, %mul3A_3 : i32
    "tpu.region"() ({
      %run_scoped3A = tpu.sem_alloc : memref<!tpu.dma_semaphore, #tpu.memory_space<semaphore_mem>>
      %dma_start3A_94 = tpu.memref_slice %arg5[%mul3A_4] : memref<32768xi32, #tpu.memory_space<hbm>> -> memref<1024xi32, #tpu.memory_space<hbm>>
      %dma_start3A_95 = tpu.memref_slice %arg5[%mul3A_4] : memref<32768xi32, #tpu.memory_space<hbm>> -> memref<1024xi32, #tpu.memory_space<hbm>>
      tpu.enqueue_dma source(%dma_start3A_95 : memref<1024xi32, #tpu.memory_space<hbm>>) target(%arg12 : memref<1024xi32, #tpu.memory_space<vmem>>) target_semaphore(%run_scoped3A : memref<!tpu.dma_semaphore, #tpu.memory_space<semaphore_mem>>)
      %dma_wait3A = tpu.memref_slice %arg5[%mul3A_4] : memref<32768xi32, #tpu.memory_space<hbm>> -> memref<1024xi32, #tpu.memory_space<hbm>>
      %dma_wait3A_96 = tpu.memref_slice %arg5[%mul3A_4] : memref<32768xi32, #tpu.memory_space<hbm>> -> memref<1024xi32, #tpu.memory_space<hbm>>
      tpu.wait_dma2 semaphore(%run_scoped3A : memref<!tpu.dma_semaphore, #tpu.memory_space<semaphore_mem>>) src(%dma_wait3A_96 : memref<1024xi32, #tpu.memory_space<hbm>>) dst(%arg12 : memref<1024xi32, #tpu.memory_space<vmem>>)
      tpu.yield
    }) : () -> ()
    %mul3A_5 = arith.constant 16 : i32
    %mul3A_6 = arith.muli %mul3A_2, %mul3A_5 : i32
    "tpu.region"() ({
      %run_scoped3A = tpu.sem_alloc : memref<!tpu.dma_semaphore, #tpu.memory_space<semaphore_mem>>
      %dma_start3A_94 = tpu.memref_slice %arg6[%mul3A_6] : memref<32768xi32, #tpu.memory_space<hbm>> -> memref<1024xi32, #tpu.memory_space<hbm>>
      %dma_start3A_95 = tpu.memref_slice %arg6[%mul3A_6] : memref<32768xi32, #tpu.memory_space<hbm>> -> memref<1024xi32, #tpu.memory_space<hbm>>
      tpu.enqueue_dma source(%dma_start3A_95 : memref<1024xi32, #tpu.memory_space<hbm>>) target(%arg13 : memref<1024xi32, #tpu.memory_space<vmem>>) target_semaphore(%run_scoped3A : memref<!tpu.dma_semaphore, #tpu.memory_space<semaphore_mem>>)
      %dma_wait3A = tpu.memref_slice %arg6[%mul3A_6] : memref<32768xi32, #tpu.memory_space<hbm>> -> memref<1024xi32, #tpu.memory_space<hbm>>
      %dma_wait3A_96 = tpu.memref_slice %arg6[%mul3A_6] : memref<32768xi32, #tpu.memory_space<hbm>> -> memref<1024xi32, #tpu.memory_space<hbm>>
      tpu.wait_dma2 semaphore(%run_scoped3A : memref<!tpu.dma_semaphore, #tpu.memory_space<semaphore_mem>>) src(%dma_wait3A_96 : memref<1024xi32, #tpu.memory_space<hbm>>) dst(%arg13 : memref<1024xi32, #tpu.memory_space<vmem>>)
      tpu.yield
    }) : () -> ()
    %iota3A = tpu.iota {dimensions = array<i32: 0>} : vector<16xi32>
    %broadcast_in_dim3A = arith.constant 12 : i32
    %broadcast_in_dim3A_7 = vector.broadcast %broadcast_in_dim3A : i32 to vector<16xi32>
    %rem3A = arith.remsi %iota3A, %broadcast_in_dim3A_7 : vector<16xi32>
    %get3A = arith.constant 0 : index
    %get3A_8 = tpu.vector_load %arg12[%get3A] {strides = array<i32>} : memref<1024xi32, #tpu.memory_space<vmem>>, vector<16xi32>,
    %add3A_9 = arith.constant 0 : i32
    %add3A_10 = arith.addi %mul3A_2, %add3A_9 : i32
    %jit3A = arith.constant 512 : i32
    %div3A = arith.divsi %add3A_10, %jit3A : i32
    %sign3A = arith.constant 0 : i32
    %sign3A_11 = arith.cmpi sgt, %add3A_10, %sign3A : i32
    %sign3A_12 = arith.extui %sign3A_11 : i1 to i32
    %sign3A_13 = arith.constant 0 : i32
    %sign3A_14 = arith.cmpi slt, %add3A_10, %sign3A_13 : i32
    %sign3A_15 = arith.extui %sign3A_14 : i1 to i32
    %sign3A_16 = arith.subi %sign3A_12, %sign3A_15 : i32
    %sign3A_17 = arith.constant 0 : i32
    %sign3A_18 = arith.cmpi sgt, %jit3A, %sign3A_17 : i32
    %sign3A_19 = arith.extui %sign3A_18 : i1 to i32
    %sign3A_20 = arith.constant 0 : i32
    %sign3A_21 = arith.cmpi slt, %jit3A, %sign3A_20 : i32
    %sign3A_22 = arith.extui %sign3A_21 : i1 to i32
    %sign3A_23 = arith.subi %sign3A_19, %sign3A_22 : i32
    %ne3A = arith.cmpi ne, %sign3A_16, %sign3A_23 : i32
    %rem3A_24 = arith.remsi %add3A_10, %jit3A : i32
    %ne3A_25 = arith.constant 0 : i32
    %ne3A_26 = arith.cmpi ne, %rem3A_24, %ne3A_25 : i32
    %and3A = arith.andi %ne3A, %ne3A_26 : i1
    %sub3A = arith.constant 1 : i32
    %sub3A_27 = arith.subi %div3A, %sub3A : i32
    %select_n3A = arith.select %and3A, %sub3A_27, %div3A : i32
    %mul3A_28 = arith.constant 512 : i32
    %mul3A_29 = arith.muli %select_n3A, %mul3A_28 : i32
    %sub3A_30 = arith.subi %add3A_10, %mul3A_29 : i32
    %mul3A_31 = arith.constant 6144 : i32
    %mul3A_32 = arith.muli %select_n3A, %mul3A_31 : i32
    %add3A_33 = arith.addi %mul3A_32, %sub3A_30 : i32
    %mul3A_34 = arith.constant 512 : i32
    %mul3A_35 = vector.broadcast %mul3A_34 : i32 to vector<16xi32>
    %mul3A_36 = arith.muli %mul3A_35, %rem3A : vector<16xi32>
    %add3A_37 = vector.broadcast %add3A_33 : i32 to vector<16xi32>
    %add3A_38 = arith.addi %add3A_37, %mul3A_36 : vector<16xi32>
    %dma_start3A = arith.constant 0 : i32
    %dma_start3A_39 = arith.constant 0 : i32
    %dma_start3A_40 = tpu.memref_slice %arg4[%dma_start3A, %dma_start3A_39] : memref<24576x512xf32, #tpu.memory_space<hbm>> -> memref<24576x512xf32, #tpu.memory_space<hbm>>
    tpu.enqueue_indirect_dma source(%dma_start3A_40 : memref<24576x512xf32, #tpu.memory_space<hbm>>) target(%arg14 : memref<16x512xf32, #tpu.memory_space<vmem>>) offsets(%add3A_38 : vector<16xi32>) semaphore(%arg19 : memref<!tpu.dma_semaphore, #tpu.memory_space<semaphore_mem>>)
    %dma_start3A_41 = arith.constant 0 : i32
    %dma_start3A_42 = arith.constant 0 : i32
    %dma_start3A_43 = tpu.memref_slice %arg3[%dma_start3A_41, %dma_start3A_42] : memref<2048x768xf32, #tpu.memory_space<hbm>> -> memref<2048x768xf32, #tpu.memory_space<hbm>>
    tpu.enqueue_indirect_dma source(%dma_start3A_43 : memref<2048x768xf32, #tpu.memory_space<hbm>>) target(%arg15 : memref<16x768xf32, #tpu.memory_space<vmem>>) offsets(%get3A_8 : vector<16xi32>) semaphore(%arg20 : memref<!tpu.dma_semaphore, #tpu.memory_space<semaphore_mem>>)
    %get3A_44 = arith.constant 16 : index
    %get3A_45 = tpu.vector_load %arg12[%get3A_44] {strides = array<i32>} : memref<1024xi32, #tpu.memory_space<vmem>>, vector<16xi32>,
    %add3A_46 = arith.constant 1 : i32
    %add3A_47 = arith.addi %mul3A_2, %add3A_46 : i32
    %jit3A_48 = arith.constant 512 : i32
    %div3A_49 = arith.divsi %add3A_47, %jit3A_48 : i32
    %sign3A_50 = arith.constant 0 : i32
    %sign3A_51 = arith.cmpi sgt, %add3A_47, %sign3A_50 : i32
    %sign3A_52 = arith.extui %sign3A_51 : i1 to i32
    %sign3A_53 = arith.constant 0 : i32
    %sign3A_54 = arith.cmpi slt, %add3A_47, %sign3A_53 : i32
    %sign3A_55 = arith.extui %sign3A_54 : i1 to i32
    %sign3A_56 = arith.subi %sign3A_52, %sign3A_55 : i32
    %sign3A_57 = arith.constant 0 : i32
    %sign3A_58 = arith.cmpi sgt, %jit3A_48, %sign3A_57 : i32
    %sign3A_59 = arith.extui %sign3A_58 : i1 to i32
    %sign3A_60 = arith.constant 0 : i32
    %sign3A_61 = arith.cmpi slt, %jit3A_48, %sign3A_60 : i32
    %sign3A_62 = arith.extui %sign3A_61 : i1 to i32
    %sign3A_63 = arith.subi %sign3A_59, %sign3A_62 : i32
    %ne3A_64 = arith.cmpi ne, %sign3A_56, %sign3A_63 : i32
    %rem3A_65 = arith.remsi %add3A_47, %jit3A_48 : i32
    %ne3A_66 = arith.constant 0 : i32
    %ne3A_67 = arith.cmpi ne, %rem3A_65, %ne3A_66 : i32
    %and3A_68 = arith.andi %ne3A_64, %ne3A_67 : i1
    %sub3A_69 = arith.constant 1 : i32
    %sub3A_70 = arith.subi %div3A_49, %sub3A_69 : i32
    %select_n3A_71 = arith.select %and3A_68, %sub3A_70, %div3A_49 : i32
    %mul3A_72 = arith.constant 512 : i32
    %mul3A_73 = arith.muli %select_n3A_71, %mul3A_72 : i32
    %sub3A_74 = arith.subi %add3A_47, %mul3A_73 : i32
    %mul3A_75 = arith.constant 6144 : i32
    %mul3A_76 = arith.muli %select_n3A_71, %mul3A_75 : i32
    %add3A_77 = arith.addi %mul3A_76, %sub3A_74 : i32
    %mul3A_78 = arith.constant 512 : i32
    %mul3A_79 = vector.broadcast %mul3A_78 : i32 to vector<16xi32>
    %mul3A_80 = arith.muli %mul3A_79, %rem3A : vector<16xi32>
    %add3A_81 = vector.broadcast %add3A_77 : i32 to vector<16xi32>
    %add3A_82 = arith.addi %add3A_81, %mul3A_80 : vector<16xi32>
    %dma_start3A_83 = arith.constant 0 : i32
    %dma_start3A_84 = arith.constant 0 : i32
    %dma_start3A_85 = tpu.memref_slice %arg4[%dma_start3A_83, %dma_start3A_84] : memref<24576x512xf32, #tpu.memory_space<hbm>> -> memref<24576x512xf32, #tpu.memory_space<hbm>>
    tpu.enqueue_indirect_dma source(%dma_start3A_85 : memref<24576x512xf32, #tpu.memory_space<hbm>>) target(%arg16 : memref<16x512xf32, #tpu.memory_space<vmem>>) offsets(%add3A_82 : vector<16xi32>) semaphore(%arg21 : memref<!tpu.dma_semaphore, #tpu.memory_space<semaphore_mem>>)
    %dma_start3A_86 = arith.constant 0 : i32
    %dma_start3A_87 = arith.constant 0 : i32
    %dma_start3A_88 = tpu.memref_slice %arg3[%dma_start3A_86, %dma_start3A_87] : memref<2048x768xf32, #tpu.memory_space<hbm>> -> memref<2048x768xf32, #tpu.memory_space<hbm>>
    tpu.enqueue_indirect_dma source(%dma_start3A_88 : memref<2048x768xf32, #tpu.memory_space<hbm>>) target(%arg17 : memref<16x768xf32, #tpu.memory_space<vmem>>) offsets(%get3A_45 : vector<16xi32>) semaphore(%arg22 : memref<!tpu.dma_semaphore, #tpu.memory_space<semaphore_mem>>)
    %scan3A = arith.constant 0 : i32
    %scan3A_89 = arith.constant 0 : i32
    %scan3A_90 = arith.constant 8 : i32
    %scan3A_91 = arith.addi %scan3A_89, %scan3A_90 : i32
    %scan3A_92 = arith.constant 1 : i32
    scf.for %scan3A_94 = %scan3A_89 to %scan3A_91 step %scan3A_92  : i32 {
      %mul3A_95 = arith.constant 8 : i32
      %mul3A_96 = arith.muli %scan3A_94, %mul3A_95 : i32
      %add3A_97 = arith.addi %mul3A_2, %mul3A_96 : i32
      "tpu.region"() ({
        %run_scoped3A = tpu.sem_alloc : memref<!tpu.dma_semaphore, #tpu.memory_space<semaphore_mem>>
        %dma_start3A_106 = arith.constant 0 : i32
        %dma_start3A_107 = tpu.memref_slice %arg2[%add3A_97, %dma_start3A_106] : memref<2048x768xf32, #tpu.memory_space<hbm>> -> memref<8x768xf32, #tpu.memory_space<hbm>>
        %dma_start3A_108 = arith.constant 0 : i32
        %dma_start3A_109 = tpu.memref_slice %arg2[%add3A_97, %dma_start3A_108] : memref<2048x768xf32, #tpu.memory_space<hbm>> -> memref<8x768xf32, #tpu.memory_space<hbm>>
        tpu.enqueue_dma source(%dma_start3A_109 : memref<8x768xf32, #tpu.memory_space<hbm>>) target(%arg10 : memref<8x768xf32, #tpu.memory_space<vmem>>) target_semaphore(%run_scoped3A : memref<!tpu.dma_semaphore, #tpu.memory_space<semaphore_mem>>)
        %dma_wait3A = arith.constant 0 : i32
        %dma_wait3A_110 = tpu.memref_slice %arg2[%add3A_97, %dma_wait3A] : memref<2048x768xf32, #tpu.memory_space<hbm>> -> memref<8x768xf32, #tpu.memory_space<hbm>>
        %dma_wait3A_111 = arith.constant 0 : i32
        %dma_wait3A_112 = tpu.memref_slice %arg2[%add3A_97, %dma_wait3A_111] : memref<2048x768xf32, #tpu.memory_space<hbm>> -> memref<8x768xf32, #tpu.memory_space<hbm>>
        tpu.wait_dma2 semaphore(%run_scoped3A : memref<!tpu.dma_semaphore, #tpu.memory_space<semaphore_mem>>) src(%dma_wait3A_112 : memref<8x768xf32, #tpu.memory_space<hbm>>) dst(%arg10 : memref<8x768xf32, #tpu.memory_space<vmem>>)
        tpu.yield
      }) : () -> ()
      %scan3A_98 = arith.constant 0 : i32
      %scan3A_99 = arith.constant 0 : i32
      %scan3A_100 = arith.constant 4 : i32
      %scan3A_101 = arith.addi %scan3A_99, %scan3A_100 : i32
      %scan3A_102 = arith.constant 1 : i32
      scf.for %scan3A_106 = %scan3A_99 to %scan3A_101 step %scan3A_102  : i32 {
        %mul3A_107 = arith.constant 2 : i32
        %mul3A_108 = arith.muli %mul3A_107, %scan3A_106 : i32
        %add3A_109 = arith.constant 0 : i32
        %add3A_110 = arith.addi %mul3A_108, %add3A_109 : i32
        %mul3A_111 = arith.constant 8 : i32
        %mul3A_112 = arith.muli %scan3A_94, %mul3A_111 : i32
        %add3A_113 = arith.addi %mul3A_112, %add3A_110 : i32
        %add3A_114 = arith.addi %mul3A_2, %add3A_113 : i32
        %jit3A_115 = arith.constant 512 : i32
        %div3A_116 = arith.divsi %add3A_114, %jit3A_115 : i32
        %sign3A_117 = arith.constant 0 : i32
        %sign3A_118 = arith.cmpi sgt, %add3A_114, %sign3A_117 : i32
        %sign3A_119 = arith.extui %sign3A_118 : i1 to i32
        %sign3A_120 = arith.constant 0 : i32
        %sign3A_121 = arith.cmpi slt, %add3A_114, %sign3A_120 : i32
        %sign3A_122 = arith.extui %sign3A_121 : i1 to i32
        %sign3A_123 = arith.subi %sign3A_119, %sign3A_122 : i32
        %sign3A_124 = arith.constant 0 : i32
        %sign3A_125 = arith.cmpi sgt, %jit3A_115, %sign3A_124 : i32
        %sign3A_126 = arith.extui %sign3A_125 : i1 to i32
        %sign3A_127 = arith.constant 0 : i32
        %sign3A_128 = arith.cmpi slt, %jit3A_115, %sign3A_127 : i32
        %sign3A_129 = arith.extui %sign3A_128 : i1 to i32
        %sign3A_130 = arith.subi %sign3A_126, %sign3A_129 : i32
        %ne3A_131 = arith.cmpi ne, %sign3A_123, %sign3A_130 : i32
        %rem3A_132 = arith.remsi %add3A_114, %jit3A_115 : i32
        %ne3A_133 = arith.constant 0 : i32
        %ne3A_134 = arith.cmpi ne, %rem3A_132, %ne3A_133 : i32
        %and3A_135 = arith.andi %ne3A_131, %ne3A_134 : i1
        %sub3A_136 = arith.constant 1 : i32
        %sub3A_137 = arith.subi %div3A_116, %sub3A_136 : i32
        %select_n3A_138 = arith.select %and3A_135, %sub3A_137, %div3A_116 : i32
        %mul3A_139 = arith.constant 512 : i32
        %mul3A_140 = arith.muli %select_n3A_138, %mul3A_139 : i32
        %sub3A_141 = arith.subi %add3A_114, %mul3A_140 : i32
        %mul3A_142 = arith.constant 6144 : i32
        %mul3A_143 = arith.muli %select_n3A_138, %mul3A_142 : i32
        %add3A_144 = arith.addi %mul3A_143, %sub3A_141 : i32
        %mul3A_145 = arith.constant 512 : i32
        %mul3A_146 = vector.broadcast %mul3A_145 : i32 to vector<16xi32>
        %mul3A_147 = arith.muli %mul3A_146, %rem3A : vector<16xi32>
        %add3A_148 = vector.broadcast %add3A_144 : i32 to vector<16xi32>
        %add3A_149 = arith.addi %add3A_148, %mul3A_147 : vector<16xi32>
        %dma_wait3A = arith.constant 0 : i32
        %dma_wait3A_150 = arith.constant 0 : i32
        %dma_wait3A_151 = tpu.memref_slice %arg4[%dma_wait3A, %dma_wait3A_150] : memref<24576x512xf32, #tpu.memory_space<hbm>> -> memref<24576x512xf32, #tpu.memory_space<hbm>>
        tpu.wait_indirect_dma semaphore(%arg19 : memref<!tpu.dma_semaphore, #tpu.memory_space<semaphore_mem>>) src(%dma_wait3A_151 : memref<24576x512xf32, #tpu.memory_space<hbm>>) dst(%arg14 : memref<16x512xf32, #tpu.memory_space<vmem>>)
        %mul3A_152 = arith.constant 16 : i32
        %mul3A_153 = arith.muli %add3A_113, %mul3A_152 : i32
        %get3A_154 = arith.index_cast %mul3A_153 : i32 to index
        %get3A_155 = tpu.vector_load %arg12[%get3A_154] {strides = array<i32>} : memref<1024xi32, #tpu.memory_space<vmem>>, vector<16xi32>,
        %dma_wait3A_156 = arith.constant 0 : i32
        %dma_wait3A_157 = arith.constant 0 : i32
        %dma_wait3A_158 = tpu.memref_slice %arg3[%dma_wait3A_156, %dma_wait3A_157] : memref<2048x768xf32, #tpu.memory_space<hbm>> -> memref<2048x768xf32, #tpu.memory_space<hbm>>
        tpu.wait_indirect_dma semaphore(%arg20 : memref<!tpu.dma_semaphore, #tpu.memory_space<semaphore_mem>>) src(%dma_wait3A_158 : memref<2048x768xf32, #tpu.memory_space<hbm>>) dst(%arg15 : memref<16x768xf32, #tpu.memory_space<vmem>>)
        %mul3A_159 = arith.constant 16 : i32
        %mul3A_160 = arith.muli %add3A_113, %mul3A_159 : i32
        %get3A_161 = arith.index_cast %mul3A_160 : i32 to index
        %get3A_162 = tpu.vector_load %arg13[%get3A_161] {strides = array<i32>} : memref<1024xi32, #tpu.memory_space<vmem>>, vector<16xi32>,
        %broadcast_in_dim3A_163 = vector.broadcast %add3A_110 : i32 to vector<16xi32>
        %add3A_164 = arith.addi %mul3A_2, %add3A_113 : i32
        %mul3A_165 = arith.constant 16 : i32
        %mul3A_166 = arith.muli %add3A_113, %mul3A_165 : i32
        %get3A_167 = arith.index_cast %mul3A_166 : i32 to index
        %get3A_168 = tpu.vector_load %arg12[%get3A_167] {strides = array<i32>} : memref<1024xi32, #tpu.memory_space<vmem>>, vector<16xi32>,
        %jit3A_169 = arith.constant 512 : i32
        %div3A_170 = arith.divsi %add3A_164, %jit3A_169 : i32
        %sign3A_171 = arith.constant 0 : i32
        %sign3A_172 = arith.cmpi sgt, %add3A_164, %sign3A_171 : i32
        %sign3A_173 = arith.extui %sign3A_172 : i1 to i32
        %sign3A_174 = arith.constant 0 : i32
        %sign3A_175 = arith.cmpi slt, %add3A_164, %sign3A_174 : i32
        %sign3A_176 = arith.extui %sign3A_175 : i1 to i32
        %sign3A_177 = arith.subi %sign3A_173, %sign3A_176 : i32
        %sign3A_178 = arith.constant 0 : i32
        %sign3A_179 = arith.cmpi sgt, %jit3A_169, %sign3A_178 : i32
        %sign3A_180 = arith.extui %sign3A_179 : i1 to i32
        %sign3A_181 = arith.constant 0 : i32
        %sign3A_182 = arith.cmpi slt, %jit3A_169, %sign3A_181 : i32
        %sign3A_183 = arith.extui %sign3A_182 : i1 to i32
        %sign3A_184 = arith.subi %sign3A_180, %sign3A_183 : i32
        %ne3A_185 = arith.cmpi ne, %sign3A_177, %sign3A_184 : i32
        %rem3A_186 = arith.remsi %add3A_164, %jit3A_169 : i32
        %ne3A_187 = arith.constant 0 : i32
        %ne3A_188 = arith.cmpi ne, %rem3A_186, %ne3A_187 : i32
        %and3A_189 = arith.andi %ne3A_185, %ne3A_188 : i1
        %sub3A_190 = arith.constant 1 : i32
        %sub3A_191 = arith.subi %div3A_170, %sub3A_190 : i32
        %select_n3A_192 = arith.select %and3A_189, %sub3A_191, %div3A_170 : i32
        %mul3A_193 = arith.constant 512 : i32
        %mul3A_194 = arith.muli %select_n3A_192, %mul3A_193 : i32
        %sub3A_195 = vector.broadcast %mul3A_194 : i32 to vector<16xi32>
        %sub3A_196 = arith.subi %get3A_168, %sub3A_195 : vector<16xi32>
        %broadcast_in_dim3A_197 = arith.constant 0 : i32
        %broadcast_in_dim3A_198 = vector.broadcast %broadcast_in_dim3A_197 : i32 to vector<16xi32>
        %gather3A = tpu.vector_load_idx %arg14[%broadcast_in_dim3A_198, %sub3A_196] : memref<16x512xf32, #tpu.memory_space<vmem>>[vector<16xi32>, vector<16xi32>], vector<16xf32>,
        %add3A_199 = arith.constant 0 : i32
        %add3A_200 = vector.broadcast %add3A_199 : i32 to vector<16xi32>
        %add3A_201 = arith.addi %add3A_200, %get3A_162 : vector<16xi32>
        %gather3A_202 = tpu.vector_load_idx %arg10[%broadcast_in_dim3A_163, %add3A_201] : memref<8x768xf32, #tpu.memory_space<vmem>>[vector<16xi32>, vector<16xi32>], vector<16xf32>,
        %add3A_203 = arith.addf %gather3A, %gather3A_202 : vector<16xf32>
        %reduce_max3A = arith.constant true
        %reduce_max3A_204 = vector.broadcast %reduce_max3A : i1 to vector<16xi1>
        %reduce_max3A_205 = tpu.scan <max>, %add3A_203 masked %reduce_max3A_204 : vector<16xf32>, vector<16xi1> -> vector<16xf32>
        %reduce_max3A_206 = vector.extract %reduce_max3A_205[15] : f32 from vector<16xf32>
        %sub3A_207 = vector.broadcast %reduce_max3A_206 : f32 to vector<16xf32>
        %sub3A_208 = arith.subf %add3A_203, %sub3A_207 : vector<16xf32>
        %exp3A = math.exp %sub3A_208 : vector<16xf32>
        %reduce_sum3A = arith.constant true
        %reduce_sum3A_209 = vector.broadcast %reduce_sum3A : i1 to vector<16xi1>
        %reduce_sum3A_210 = tpu.scan <sum>, %exp3A masked %reduce_sum3A_209 : vector<16xf32>, vector<16xi1> -> vector<16xf32>
        %reduce_sum3A_211 = vector.extract %reduce_sum3A_210[15] : f32 from vector<16xf32>
        %div3A_212 = vector.broadcast %reduce_sum3A_211 : f32 to vector<16xf32>
        %div3A_213 = arith.divf %exp3A, %div3A_212 : vector<16xf32>
        %swap3A = arith.constant 0 : index
        %swap3A_214 = tpu.vector_load %arg18[%swap3A] {strides = array<i32>} : memref<192xf32, #tpu.memory_space<vmem>>, vector<16xf32>,
        tpu.vector_store %arg18[%swap3A], %div3A_213 {strides = array<i32>} : memref<192xf32, #tpu.memory_space<vmem>>, vector<16xf32>,
        %broadcast_in_dim3A_215 = arith.constant 1 : i32
        %broadcast_in_dim3A_216 = vector.broadcast %broadcast_in_dim3A_215 : i32 to vector<16xi32>
        %gather3A_217 = tpu.vector_load_idx %arg14[%broadcast_in_dim3A_216, %sub3A_196] : memref<16x512xf32, #tpu.memory_space<vmem>>[vector<16xi32>, vector<16xi32>], vector<16xf32>,
        %add3A_218 = arith.constant 64 : i32
        %add3A_219 = vector.broadcast %add3A_218 : i32 to vector<16xi32>
        %add3A_220 = arith.addi %add3A_219, %get3A_162 : vector<16xi32>
        %gather3A_221 = tpu.vector_load_idx %arg10[%broadcast_in_dim3A_163, %add3A_220] : memref<8x768xf32, #tpu.memory_space<vmem>>[vector<16xi32>, vector<16xi32>], vector<16xf32>,
        %add3A_222 = arith.addf %gather3A_217, %gather3A_221 : vector<16xf32>
        %reduce_max3A_223 = arith.constant true
        %reduce_max3A_224 = vector.broadcast %reduce_max3A_223 : i1 to vector<16xi1>
        %reduce_max3A_225 = tpu.scan <max>, %add3A_222 masked %reduce_max3A_224 : vector<16xf32>, vector<16xi1> -> vector<16xf32>
        %reduce_max3A_226 = vector.extract %reduce_max3A_225[15] : f32 from vector<16xf32>
        %sub3A_227 = vector.broadcast %reduce_max3A_226 : f32 to vector<16xf32>
        %sub3A_228 = arith.subf %add3A_222, %sub3A_227 : vector<16xf32>
        %exp3A_229 = math.exp %sub3A_228 : vector<16xf32>
        %reduce_sum3A_230 = arith.constant true
        %reduce_sum3A_231 = vector.broadcast %reduce_sum3A_230 : i1 to vector<16xi1>
        %reduce_sum3A_232 = tpu.scan <sum>, %exp3A_229 masked %reduce_sum3A_231 : vector<16xf32>, vector<16xi1> -> vector<16xf32>
        %reduce_sum3A_233 = vector.extract %reduce_sum3A_232[15] : f32 from vector<16xf32>
        %div3A_234 = vector.broadcast %reduce_sum3A_233 : f32 to vector<16xf32>
        %div3A_235 = arith.divf %exp3A_229, %div3A_234 : vector<16xf32>
        %swap3A_236 = arith.constant 16 : index
        %swap3A_237 = tpu.vector_load %arg18[%swap3A_236] {strides = array<i32>} : memref<192xf32, #tpu.memory_space<vmem>>, vector<16xf32>,
        tpu.vector_store %arg18[%swap3A_236], %div3A_235 {strides = array<i32>} : memref<192xf32, #tpu.memory_space<vmem>>, vector<16xf32>,
        %broadcast_in_dim3A_238 = arith.constant 2 : i32
        %broadcast_in_dim3A_239 = vector.broadcast %broadcast_in_dim3A_238 : i32 to vector<16xi32>
        %gather3A_240 = tpu.vector_load_idx %arg14[%broadcast_in_dim3A_239, %sub3A_196] : memref<16x512xf32, #tpu.memory_space<vmem>>[vector<16xi32>, vector<16xi32>], vector<16xf32>,
        %add3A_241 = arith.constant 128 : i32
        %add3A_242 = vector.broadcast %add3A_241 : i32 to vector<16xi32>
        %add3A_243 = arith.addi %add3A_242, %get3A_162 : vector<16xi32>
        %gather3A_244 = tpu.vector_load_idx %arg10[%broadcast_in_dim3A_163, %add3A_243] : memref<8x768xf32, #tpu.memory_space<vmem>>[vector<16xi32>, vector<16xi32>], vector<16xf32>,
        %add3A_245 = arith.addf %gather3A_240, %gather3A_244 : vector<16xf32>
        %reduce_max3A_246 = arith.constant true
        %reduce_max3A_247 = vector.broadcast %reduce_max3A_246 : i1 to vector<16xi1>
        %reduce_max3A_248 = tpu.scan <max>, %add3A_245 masked %reduce_max3A_247 : vector<16xf32>, vector<16xi1> -> vector<16xf32>
        %reduce_max3A_249 = vector.extract %reduce_max3A_248[15] : f32 from vector<16xf32>
        %sub3A_250 = vector.broadcast %reduce_max3A_249 : f32 to vector<16xf32>
        %sub3A_251 = arith.subf %add3A_245, %sub3A_250 : vector<16xf32>
        %exp3A_252 = math.exp %sub3A_251 : vector<16xf32>
        %reduce_sum3A_253 = arith.constant true
        %reduce_sum3A_254 = vector.broadcast %reduce_sum3A_253 : i1 to vector<16xi1>
        %reduce_sum3A_255 = tpu.scan <sum>, %exp3A_252 masked %reduce_sum3A_254 : vector<16xf32>, vector<16xi1> -> vector<16xf32>
        %reduce_sum3A_256 = vector.extract %reduce_sum3A_255[15] : f32 from vector<16xf32>
        %div3A_257 = vector.broadcast %reduce_sum3A_256 : f32 to vector<16xf32>
        %div3A_258 = arith.divf %exp3A_252, %div3A_257 : vector<16xf32>
        %swap3A_259 = arith.constant 32 : index
        %swap3A_260 = tpu.vector_load %arg18[%swap3A_259] {strides = array<i32>} : memref<192xf32, #tpu.memory_space<vmem>>, vector<16xf32>,
        tpu.vector_store %arg18[%swap3A_259], %div3A_258 {strides = array<i32>} : memref<192xf32, #tpu.memory_space<vmem>>, vector<16xf32>,
        %broadcast_in_dim3A_261 = arith.constant 3 : i32
        %broadcast_in_dim3A_262 = vector.broadcast %broadcast_in_dim3A_261 : i32 to vector<16xi32>
        %gather3A_263 = tpu.vector_load_idx %arg14[%broadcast_in_dim3A_262, %sub3A_196] : memref<16x512xf32, #tpu.memory_space<vmem>>[vector<16xi32>, vector<16xi32>], vector<16xf32>,
        %add3A_264 = arith.constant 192 : i32
        %add3A_265 = vector.broadcast %add3A_264 : i32 to vector<16xi32>
        %add3A_266 = arith.addi %add3A_265, %get3A_162 : vector<16xi32>
        %gather3A_267 = tpu.vector_load_idx %arg10[%broadcast_in_dim3A_163, %add3A_266] : memref<8x768xf32, #tpu.memory_space<vmem>>[vector<16xi32>, vector<16xi32>], vector<16xf32>,
        %add3A_268 = arith.addf %gather3A_263, %gather3A_267 : vector<16xf32>
        %reduce_max3A_269 = arith.constant true
        %reduce_max3A_270 = vector.broadcast %reduce_max3A_269 : i1 to vector<16xi1>
        %reduce_max3A_271 = tpu.scan <max>, %add3A_268 masked %reduce_max3A_270 : vector<16xf32>, vector<16xi1> -> vector<16xf32>
        %reduce_max3A_272 = vector.extract %reduce_max3A_271[15] : f32 from vector<16xf32>
        %sub3A_273 = vector.broadcast %reduce_max3A_272 : f32 to vector<16xf32>
        %sub3A_274 = arith.subf %add3A_268, %sub3A_273 : vector<16xf32>
        %exp3A_275 = math.exp %sub3A_274 : vector<16xf32>
        %reduce_sum3A_276 = arith.constant true
        %reduce_sum3A_277 = vector.broadcast %reduce_sum3A_276 : i1 to vector<16xi1>
        %reduce_sum3A_278 = tpu.scan <sum>, %exp3A_275 masked %reduce_sum3A_277 : vector<16xf32>, vector<16xi1> -> vector<16xf32>
        %reduce_sum3A_279 = vector.extract %reduce_sum3A_278[15] : f32 from vector<16xf32>
        %div3A_280 = vector.broadcast %reduce_sum3A_279 : f32 to vector<16xf32>
        %div3A_281 = arith.divf %exp3A_275, %div3A_280 : vector<16xf32>
        %swap3A_282 = arith.constant 48 : index
        %swap3A_283 = tpu.vector_load %arg18[%swap3A_282] {strides = array<i32>} : memref<192xf32, #tpu.memory_space<vmem>>, vector<16xf32>,
        tpu.vector_store %arg18[%swap3A_282], %div3A_281 {strides = array<i32>} : memref<192xf32, #tpu.memory_space<vmem>>, vector<16xf32>,
        %broadcast_in_dim3A_284 = arith.constant 4 : i32
        %broadcast_in_dim3A_285 = vector.broadcast %broadcast_in_dim3A_284 : i32 to vector<16xi32>
        %gather3A_286 = tpu.vector_load_idx %arg14[%broadcast_in_dim3A_285, %sub3A_196] : memref<16x512xf32, #tpu.memory_space<vmem>>[vector<16xi32>, vector<16xi32>], vector<16xf32>,
        %add3A_287 = arith.constant 256 : i32
        %add3A_288 = vector.broadcast %add3A_287 : i32 to vector<16xi32>
        %add3A_289 = arith.addi %add3A_288, %get3A_162 : vector<16xi32>
        %gather3A_290 = tpu.vector_load_idx %arg10[%broadcast_in_dim3A_163, %add3A_289] : memref<8x768xf32, #tpu.memory_space<vmem>>[vector<16xi32>, vector<16xi32>], vector<16xf32>,
        %add3A_291 = arith.addf %gather3A_286, %gather3A_290 : vector<16xf32>
        %reduce_max3A_292 = arith.constant true
        %reduce_max3A_293 = vector.broadcast %reduce_max3A_292 : i1 to vector<16xi1>
        %reduce_max3A_294 = tpu.scan <max>, %add3A_291 masked %reduce_max3A_293 : vector<16xf32>, vector<16xi1> -> vector<16xf32>
        %reduce_max3A_295 = vector.extract %reduce_max3A_294[15] : f32 from vector<16xf32>
        %sub3A_296 = vector.broadcast %reduce_max3A_295 : f32 to vector<16xf32>
        %sub3A_297 = arith.subf %add3A_291, %sub3A_296 : vector<16xf32>
        %exp3A_298 = math.exp %sub3A_297 : vector<16xf32>
        %reduce_sum3A_299 = arith.constant true
        %reduce_sum3A_300 = vector.broadcast %reduce_sum3A_299 : i1 to vector<16xi1>
        %reduce_sum3A_301 = tpu.scan <sum>, %exp3A_298 masked %reduce_sum3A_300 : vector<16xf32>, vector<16xi1> -> vector<16xf32>
        %reduce_sum3A_302 = vector.extract %reduce_sum3A_301[15] : f32 from vector<16xf32>
        %div3A_303 = vector.broadcast %reduce_sum3A_302 : f32 to vector<16xf32>
        %div3A_304 = arith.divf %exp3A_298, %div3A_303 : vector<16xf32>
        %swap3A_305 = arith.constant 64 : index
        %swap3A_306 = tpu.vector_load %arg18[%swap3A_305] {strides = array<i32>} : memref<192xf32, #tpu.memory_space<vmem>>, vector<16xf32>,
        tpu.vector_store %arg18[%swap3A_305], %div3A_304 {strides = array<i32>} : memref<192xf32, #tpu.memory_space<vmem>>, vector<16xf32>,
        %broadcast_in_dim3A_307 = arith.constant 5 : i32
        %broadcast_in_dim3A_308 = vector.broadcast %broadcast_in_dim3A_307 : i32 to vector<16xi32>
        %gather3A_309 = tpu.vector_load_idx %arg14[%broadcast_in_dim3A_308, %sub3A_196] : memref<16x512xf32, #tpu.memory_space<vmem>>[vector<16xi32>, vector<16xi32>], vector<16xf32>,
        %add3A_310 = arith.constant 320 : i32
        %add3A_311 = vector.broadcast %add3A_310 : i32 to vector<16xi32>
        %add3A_312 = arith.addi %add3A_311, %get3A_162 : vector<16xi32>
        %gather3A_313 = tpu.vector_load_idx %arg10[%broadcast_in_dim3A_163, %add3A_312] : memref<8x768xf32, #tpu.memory_space<vmem>>[vector<16xi32>, vector<16xi32>], vector<16xf32>,
        %add3A_314 = arith.addf %gather3A_309, %gather3A_313 : vector<16xf32>
        %reduce_max3A_315 = arith.constant true
        %reduce_max3A_316 = vector.broadcast %reduce_max3A_315 : i1 to vector<16xi1>
        %reduce_max3A_317 = tpu.scan <max>, %add3A_314 masked %reduce_max3A_316 : vector<16xf32>, vector<16xi1> -> vector<16xf32>
        %reduce_max3A_318 = vector.extract %reduce_max3A_317[15] : f32 from vector<16xf32>
        %sub3A_319 = vector.broadcast %reduce_max3A_318 : f32 to vector<16xf32>
        %sub3A_320 = arith.subf %add3A_314, %sub3A_319 : vector<16xf32>
        %exp3A_321 = math.exp %sub3A_320 : vector<16xf32>
        %reduce_sum3A_322 = arith.constant true
        %reduce_sum3A_323 = vector.broadcast %reduce_sum3A_322 : i1 to vector<16xi1>
        %reduce_sum3A_324 = tpu.scan <sum>, %exp3A_321 masked %reduce_sum3A_323 : vector<16xf32>, vector<16xi1> -> vector<16xf32>
        %reduce_sum3A_325 = vector.extract %reduce_sum3A_324[15] : f32 from vector<16xf32>
        %div3A_326 = vector.broadcast %reduce_sum3A_325 : f32 to vector<16xf32>
        %div3A_327 = arith.divf %exp3A_321, %div3A_326 : vector<16xf32>
        %swap3A_328 = arith.constant 80 : index
        %swap3A_329 = tpu.vector_load %arg18[%swap3A_328] {strides = array<i32>} : memref<192xf32, #tpu.memory_space<vmem>>, vector<16xf32>,
        tpu.vector_store %arg18[%swap3A_328], %div3A_327 {strides = array<i32>} : memref<192xf32, #tpu.memory_space<vmem>>, vector<16xf32>,
        %broadcast_in_dim3A_330 = arith.constant 6 : i32
        %broadcast_in_dim3A_331 = vector.broadcast %broadcast_in_dim3A_330 : i32 to vector<16xi32>
        %gather3A_332 = tpu.vector_load_idx %arg14[%broadcast_in_dim3A_331, %sub3A_196] : memref<16x512xf32, #tpu.memory_space<vmem>>[vector<16xi32>, vector<16xi32>], vector<16xf32>,
        %add3A_333 = arith.constant 384 : i32
        %add3A_334 = vector.broadcast %add3A_333 : i32 to vector<16xi32>
        %add3A_335 = arith.addi %add3A_334, %get3A_162 : vector<16xi32>
        %gather3A_336 = tpu.vector_load_idx %arg10[%broadcast_in_dim3A_163, %add3A_335] : memref<8x768xf32, #tpu.memory_space<vmem>>[vector<16xi32>, vector<16xi32>], vector<16xf32>,
        %add3A_337 = arith.addf %gather3A_332, %gather3A_336 : vector<16xf32>
        %reduce_max3A_338 = arith.constant true
        %reduce_max3A_339 = vector.broadcast %reduce_max3A_338 : i1 to vector<16xi1>
        %reduce_max3A_340 = tpu.scan <max>, %add3A_337 masked %reduce_max3A_339 : vector<16xf32>, vector<16xi1> -> vector<16xf32>
        %reduce_max3A_341 = vector.extract %reduce_max3A_340[15] : f32 from vector<16xf32>
        %sub3A_342 = vector.broadcast %reduce_max3A_341 : f32 to vector<16xf32>
        %sub3A_343 = arith.subf %add3A_337, %sub3A_342 : vector<16xf32>
        %exp3A_344 = math.exp %sub3A_343 : vector<16xf32>
        %reduce_sum3A_345 = arith.constant true
        %reduce_sum3A_346 = vector.broadcast %reduce_sum3A_345 : i1 to vector<16xi1>
        %reduce_sum3A_347 = tpu.scan <sum>, %exp3A_344 masked %reduce_sum3A_346 : vector<16xf32>, vector<16xi1> -> vector<16xf32>
        %reduce_sum3A_348 = vector.extract %reduce_sum3A_347[15] : f32 from vector<16xf32>
        %div3A_349 = vector.broadcast %reduce_sum3A_348 : f32 to vector<16xf32>
        %div3A_350 = arith.divf %exp3A_344, %div3A_349 : vector<16xf32>
        %swap3A_351 = arith.constant 96 : index
        %swap3A_352 = tpu.vector_load %arg18[%swap3A_351] {strides = array<i32>} : memref<192xf32, #tpu.memory_space<vmem>>, vector<16xf32>,
        tpu.vector_store %arg18[%swap3A_351], %div3A_350 {strides = array<i32>} : memref<192xf32, #tpu.memory_space<vmem>>, vector<16xf32>,
        %broadcast_in_dim3A_353 = arith.constant 7 : i32
        %broadcast_in_dim3A_354 = vector.broadcast %broadcast_in_dim3A_353 : i32 to vector<16xi32>
        %gather3A_355 = tpu.vector_load_idx %arg14[%broadcast_in_dim3A_354, %sub3A_196] : memref<16x512xf32, #tpu.memory_space<vmem>>[vector<16xi32>, vector<16xi32>], vector<16xf32>,
        %add3A_356 = arith.constant 448 : i32
        %add3A_357 = vector.broadcast %add3A_356 : i32 to vector<16xi32>
        %add3A_358 = arith.addi %add3A_357, %get3A_162 : vector<16xi32>
        %gather3A_359 = tpu.vector_load_idx %arg10[%broadcast_in_dim3A_163, %add3A_358] : memref<8x768xf32, #tpu.memory_space<vmem>>[vector<16xi32>, vector<16xi32>], vector<16xf32>,
        %add3A_360 = arith.addf %gather3A_355, %gather3A_359 : vector<16xf32>
        %reduce_max3A_361 = arith.constant true
        %reduce_max3A_362 = vector.broadcast %reduce_max3A_361 : i1 to vector<16xi1>
        %reduce_max3A_363 = tpu.scan <max>, %add3A_360 masked %reduce_max3A_362 : vector<16xf32>, vector<16xi1> -> vector<16xf32>
        %reduce_max3A_364 = vector.extract %reduce_max3A_363[15] : f32 from vector<16xf32>
        %sub3A_365 = vector.broadcast %reduce_max3A_364 : f32 to vector<16xf32>
        %sub3A_366 = arith.subf %add3A_360, %sub3A_365 : vector<16xf32>
        %exp3A_367 = math.exp %sub3A_366 : vector<16xf32>
        %reduce_sum3A_368 = arith.constant true
        %reduce_sum3A_369 = vector.broadcast %reduce_sum3A_368 : i1 to vector<16xi1>
        %reduce_sum3A_370 = tpu.scan <sum>, %exp3A_367 masked %reduce_sum3A_369 : vector<16xf32>, vector<16xi1> -> vector<16xf32>
        %reduce_sum3A_371 = vector.extract %reduce_sum3A_370[15] : f32 from vector<16xf32>
        %div3A_372 = vector.broadcast %reduce_sum3A_371 : f32 to vector<16xf32>
        %div3A_373 = arith.divf %exp3A_367, %div3A_372 : vector<16xf32>
        %swap3A_374 = arith.constant 112 : index
        %swap3A_375 = tpu.vector_load %arg18[%swap3A_374] {strides = array<i32>} : memref<192xf32, #tpu.memory_space<vmem>>, vector<16xf32>,
        tpu.vector_store %arg18[%swap3A_374], %div3A_373 {strides = array<i32>} : memref<192xf32, #tpu.memory_space<vmem>>, vector<16xf32>,
        %broadcast_in_dim3A_376 = arith.constant 8 : i32
        %broadcast_in_dim3A_377 = vector.broadcast %broadcast_in_dim3A_376 : i32 to vector<16xi32>
        %gather3A_378 = tpu.vector_load_idx %arg14[%broadcast_in_dim3A_377, %sub3A_196] : memref<16x512xf32, #tpu.memory_space<vmem>>[vector<16xi32>, vector<16xi32>], vector<16xf32>,
        %add3A_379 = arith.constant 512 : i32
        %add3A_380 = vector.broadcast %add3A_379 : i32 to vector<16xi32>
        %add3A_381 = arith.addi %add3A_380, %get3A_162 : vector<16xi32>
        %gather3A_382 = tpu.vector_load_idx %arg10[%broadcast_in_dim3A_163, %add3A_381] : memref<8x768xf32, #tpu.memory_space<vmem>>[vector<16xi32>, vector<16xi32>], vector<16xf32>,
        %add3A_383 = arith.addf %gather3A_378, %gather3A_382 : vector<16xf32>
        %reduce_max3A_384 = arith.constant true
        %reduce_max3A_385 = vector.broadcast %reduce_max3A_384 : i1 to vector<16xi1>
        %reduce_max3A_386 = tpu.scan <max>, %add3A_383 masked %reduce_max3A_385 : vector<16xf32>, vector<16xi1> -> vector<16xf32>
        %reduce_max3A_387 = vector.extract %reduce_max3A_386[15] : f32 from vector<16xf32>
        %sub3A_388 = vector.broadcast %reduce_max3A_387 : f32 to vector<16xf32>
        %sub3A_389 = arith.subf %add3A_383, %sub3A_388 : vector<16xf32>
        %exp3A_390 = math.exp %sub3A_389 : vector<16xf32>
        %reduce_sum3A_391 = arith.constant true
        %reduce_sum3A_392 = vector.broadcast %reduce_sum3A_391 : i1 to vector<16xi1>
        %reduce_sum3A_393 = tpu.scan <sum>, %exp3A_390 masked %reduce_sum3A_392 : vector<16xf32>, vector<16xi1> -> vector<16xf32>
        %reduce_sum3A_394 = vector.extract %reduce_sum3A_393[15] : f32 from vector<16xf32>
        %div3A_395 = vector.broadcast %reduce_sum3A_394 : f32 to vector<16xf32>
        %div3A_396 = arith.divf %exp3A_390, %div3A_395 : vector<16xf32>
        %swap3A_397 = arith.constant 128 : index
        %swap3A_398 = tpu.vector_load %arg18[%swap3A_397] {strides = array<i32>} : memref<192xf32, #tpu.memory_space<vmem>>, vector<16xf32>,
        tpu.vector_store %arg18[%swap3A_397], %div3A_396 {strides = array<i32>} : memref<192xf32, #tpu.memory_space<vmem>>, vector<16xf32>,
        %broadcast_in_dim3A_399 = arith.constant 9 : i32
        %broadcast_in_dim3A_400 = vector.broadcast %broadcast_in_dim3A_399 : i32 to vector<16xi32>
        %gather3A_401 = tpu.vector_load_idx %arg14[%broadcast_in_dim3A_400, %sub3A_196] : memref<16x512xf32, #tpu.memory_space<vmem>>[vector<16xi32>, vector<16xi32>], vector<16xf32>,
        %add3A_402 = arith.constant 576 : i32
        %add3A_403 = vector.broadcast %add3A_402 : i32 to vector<16xi32>
        %add3A_404 = arith.addi %add3A_403, %get3A_162 : vector<16xi32>
        %gather3A_405 = tpu.vector_load_idx %arg10[%broadcast_in_dim3A_163, %add3A_404] : memref<8x768xf32, #tpu.memory_space<vmem>>[vector<16xi32>, vector<16xi32>], vector<16xf32>,
        %add3A_406 = arith.addf %gather3A_401, %gather3A_405 : vector<16xf32>
        %reduce_max3A_407 = arith.constant true
        %reduce_max3A_408 = vector.broadcast %reduce_max3A_407 : i1 to vector<16xi1>
        %reduce_max3A_409 = tpu.scan <max>, %add3A_406 masked %reduce_max3A_408 : vector<16xf32>, vector<16xi1> -> vector<16xf32>
        %reduce_max3A_410 = vector.extract %reduce_max3A_409[15] : f32 from vector<16xf32>
        %sub3A_411 = vector.broadcast %reduce_max3A_410 : f32 to vector<16xf32>
        %sub3A_412 = arith.subf %add3A_406, %sub3A_411 : vector<16xf32>
        %exp3A_413 = math.exp %sub3A_412 : vector<16xf32>
        %reduce_sum3A_414 = arith.constant true
        %reduce_sum3A_415 = vector.broadcast %reduce_sum3A_414 : i1 to vector<16xi1>
        %reduce_sum3A_416 = tpu.scan <sum>, %exp3A_413 masked %reduce_sum3A_415 : vector<16xf32>, vector<16xi1> -> vector<16xf32>
        %reduce_sum3A_417 = vector.extract %reduce_sum3A_416[15] : f32 from vector<16xf32>
        %div3A_418 = vector.broadcast %reduce_sum3A_417 : f32 to vector<16xf32>
        %div3A_419 = arith.divf %exp3A_413, %div3A_418 : vector<16xf32>
        %swap3A_420 = arith.constant 144 : index
        %swap3A_421 = tpu.vector_load %arg18[%swap3A_420] {strides = array<i32>} : memref<192xf32, #tpu.memory_space<vmem>>, vector<16xf32>,
        tpu.vector_store %arg18[%swap3A_420], %div3A_419 {strides = array<i32>} : memref<192xf32, #tpu.memory_space<vmem>>, vector<16xf32>,
        %broadcast_in_dim3A_422 = arith.constant 10 : i32
        %broadcast_in_dim3A_423 = vector.broadcast %broadcast_in_dim3A_422 : i32 to vector<16xi32>
        %gather3A_424 = tpu.vector_load_idx %arg14[%broadcast_in_dim3A_423, %sub3A_196] : memref<16x512xf32, #tpu.memory_space<vmem>>[vector<16xi32>, vector<16xi32>], vector<16xf32>,
        %add3A_425 = arith.constant 640 : i32
        %add3A_426 = vector.broadcast %add3A_425 : i32 to vector<16xi32>
        %add3A_427 = arith.addi %add3A_426, %get3A_162 : vector<16xi32>
        %gather3A_428 = tpu.vector_load_idx %arg10[%broadcast_in_dim3A_163, %add3A_427] : memref<8x768xf32, #tpu.memory_space<vmem>>[vector<16xi32>, vector<16xi32>], vector<16xf32>,
        %add3A_429 = arith.addf %gather3A_424, %gather3A_428 : vector<16xf32>
        %reduce_max3A_430 = arith.constant true
        %reduce_max3A_431 = vector.broadcast %reduce_max3A_430 : i1 to vector<16xi1>
        %reduce_max3A_432 = tpu.scan <max>, %add3A_429 masked %reduce_max3A_431 : vector<16xf32>, vector<16xi1> -> vector<16xf32>
        %reduce_max3A_433 = vector.extract %reduce_max3A_432[15] : f32 from vector<16xf32>
        %sub3A_434 = vector.broadcast %reduce_max3A_433 : f32 to vector<16xf32>
        %sub3A_435 = arith.subf %add3A_429, %sub3A_434 : vector<16xf32>
        %exp3A_436 = math.exp %sub3A_435 : vector<16xf32>
        %reduce_sum3A_437 = arith.constant true
        %reduce_sum3A_438 = vector.broadcast %reduce_sum3A_437 : i1 to vector<16xi1>
        %reduce_sum3A_439 = tpu.scan <sum>, %exp3A_436 masked %reduce_sum3A_438 : vector<16xf32>, vector<16xi1> -> vector<16xf32>
        %reduce_sum3A_440 = vector.extract %reduce_sum3A_439[15] : f32 from vector<16xf32>
        %div3A_441 = vector.broadcast %reduce_sum3A_440 : f32 to vector<16xf32>
        %div3A_442 = arith.divf %exp3A_436, %div3A_441 : vector<16xf32>
        %swap3A_443 = arith.constant 160 : index
        %swap3A_444 = tpu.vector_load %arg18[%swap3A_443] {strides = array<i32>} : memref<192xf32, #tpu.memory_space<vmem>>, vector<16xf32>,
        tpu.vector_store %arg18[%swap3A_443], %div3A_442 {strides = array<i32>} : memref<192xf32, #tpu.memory_space<vmem>>, vector<16xf32>,
        %broadcast_in_dim3A_445 = arith.constant 11 : i32
        %broadcast_in_dim3A_446 = vector.broadcast %broadcast_in_dim3A_445 : i32 to vector<16xi32>
        %gather3A_447 = tpu.vector_load_idx %arg14[%broadcast_in_dim3A_446, %sub3A_196] : memref<16x512xf32, #tpu.memory_space<vmem>>[vector<16xi32>, vector<16xi32>], vector<16xf32>,
        %add3A_448 = arith.constant 704 : i32
        %add3A_449 = vector.broadcast %add3A_448 : i32 to vector<16xi32>
        %add3A_450 = arith.addi %add3A_449, %get3A_162 : vector<16xi32>
        %gather3A_451 = tpu.vector_load_idx %arg10[%broadcast_in_dim3A_163, %add3A_450] : memref<8x768xf32, #tpu.memory_space<vmem>>[vector<16xi32>, vector<16xi32>], vector<16xf32>,
        %add3A_452 = arith.addf %gather3A_447, %gather3A_451 : vector<16xf32>
        %reduce_max3A_453 = arith.constant true
        %reduce_max3A_454 = vector.broadcast %reduce_max3A_453 : i1 to vector<16xi1>
        %reduce_max3A_455 = tpu.scan <max>, %add3A_452 masked %reduce_max3A_454 : vector<16xf32>, vector<16xi1> -> vector<16xf32>
        %reduce_max3A_456 = vector.extract %reduce_max3A_455[15] : f32 from vector<16xf32>
        %sub3A_457 = vector.broadcast %reduce_max3A_456 : f32 to vector<16xf32>
        %sub3A_458 = arith.subf %add3A_452, %sub3A_457 : vector<16xf32>
        %exp3A_459 = math.exp %sub3A_458 : vector<16xf32>
        %reduce_sum3A_460 = arith.constant true
        %reduce_sum3A_461 = vector.broadcast %reduce_sum3A_460 : i1 to vector<16xi1>
        %reduce_sum3A_462 = tpu.scan <sum>, %exp3A_459 masked %reduce_sum3A_461 : vector<16xf32>, vector<16xi1> -> vector<16xf32>
        %reduce_sum3A_463 = vector.extract %reduce_sum3A_462[15] : f32 from vector<16xf32>
        %div3A_464 = vector.broadcast %reduce_sum3A_463 : f32 to vector<16xf32>
        %div3A_465 = arith.divf %exp3A_459, %div3A_464 : vector<16xf32>
        %swap3A_466 = arith.constant 176 : index
        %swap3A_467 = tpu.vector_load %arg18[%swap3A_466] {strides = array<i32>} : memref<192xf32, #tpu.memory_space<vmem>>, vector<16xf32>,
        tpu.vector_store %arg18[%swap3A_466], %div3A_465 {strides = array<i32>} : memref<192xf32, #tpu.memory_space<vmem>>, vector<16xf32>,
        %scan3A_468 = arith.constant 0 : i32
        %scan3A_469 = arith.constant 0 : i32
        %scan3A_470 = arith.constant 48 : i32
        %scan3A_471 = arith.addi %scan3A_469, %scan3A_470 : i32
        %scan3A_472 = arith.constant 1 : i32
        scf.for %scan3A_858 = %scan3A_469 to %scan3A_471 step %scan3A_472  : i32 {
          %mul3A_859 = arith.constant 16 : i32
          %mul3A_860 = arith.muli %scan3A_858, %mul3A_859 : i32
          %jit3A_861 = arith.constant 4 : i32
          %div3A_862 = arith.divsi %scan3A_858, %jit3A_861 : i32
          %sign3A_863 = arith.constant 0 : i32
          %sign3A_864 = arith.cmpi sgt, %scan3A_858, %sign3A_863 : i32
          %sign3A_865 = arith.extui %sign3A_864 : i1 to i32
          %sign3A_866 = arith.constant 0 : i32
          %sign3A_867 = arith.cmpi slt, %scan3A_858, %sign3A_866 : i32
          %sign3A_868 = arith.extui %sign3A_867 : i1 to i32
          %sign3A_869 = arith.subi %sign3A_865, %sign3A_868 : i32
          %sign3A_870 = arith.constant 0 : i32
          %sign3A_871 = arith.cmpi sgt, %jit3A_861, %sign3A_870 : i32
          %sign3A_872 = arith.extui %sign3A_871 : i1 to i32
          %sign3A_873 = arith.constant 0 : i32
          %sign3A_874 = arith.cmpi slt, %jit3A_861, %sign3A_873 : i32
          %sign3A_875 = arith.extui %sign3A_874 : i1 to i32
          %sign3A_876 = arith.subi %sign3A_872, %sign3A_875 : i32
          %ne3A_877 = arith.cmpi ne, %sign3A_869, %sign3A_876 : i32
          %rem3A_878 = arith.remsi %scan3A_858, %jit3A_861 : i32
          %ne3A_879 = arith.constant 0 : i32
          %ne3A_880 = arith.cmpi ne, %rem3A_878, %ne3A_879 : i32
          %and3A_881 = arith.andi %ne3A_877, %ne3A_880 : i1
          %sub3A_882 = arith.constant 1 : i32
          %sub3A_883 = arith.subi %div3A_862, %sub3A_882 : i32
          %select_n3A_884 = arith.select %and3A_881, %sub3A_883, %div3A_862 : i32
          %mul3A_885 = arith.constant 16 : i32
          %mul3A_886 = arith.muli %select_n3A_884, %mul3A_885 : i32
          %get3A_887 = arith.index_cast %mul3A_886 : i32 to index
          %get3A_888 = tpu.vector_load %arg18[%get3A_887] {strides = array<i32>} : memref<192xf32, #tpu.memory_space<vmem>>, vector<16xf32>,
          %broadcast_in_dim3A_889 = arith.constant 0.000000e+00 : f32
          %broadcast_in_dim3A_890 = vector.broadcast %broadcast_in_dim3A_889 : f32 to vector<16xf32>
          %get3A_891 = arith.constant 0 : i32
          %get3A_892 = arith.index_cast %get3A_891 : i32 to index
          %get3A_893 = arith.index_cast %mul3A_860 : i32 to index
          %get3A_894 = tpu.vector_load %arg15[%get3A_892, %get3A_893] {strides = array<i32>} : memref<16x768xf32, #tpu.memory_space<vmem>>, vector<16xf32>,
          %slice3A = vector.extract_strided_slice %get3A_162 {offsets = [0], sizes = [1], strides = [1]} : vector<16xi32> to vector<1xi32>
          %squeeze3A = vector.extract %slice3A[0] : i32 from vector<1xi32>
          %broadcast_in_dim3A_895 = vector.broadcast %squeeze3A : i32 to vector<16xi32>
          %add3A_896 = vector.broadcast %mul3A_860 : i32 to vector<16xi32>
          %add3A_897 = arith.addi %add3A_896, %iota3A : vector<16xi32>
          %gather3A_898 = tpu.vector_load_idx %arg9[%broadcast_in_dim3A_895, %add3A_897] : memref<64x768xf32, #tpu.memory_space<vmem>>[vector<16xi32>, vector<16xi32>], vector<16xf32>,
          %slice3A_899 = vector.extract_strided_slice %get3A_888 {offsets = [0], sizes = [1], strides = [1]} : vector<16xf32> to vector<1xf32>
          %squeeze3A_900 = vector.extract %slice3A_899[0] : f32 from vector<1xf32>
          %add3A_901 = arith.addf %get3A_894, %gather3A_898 : vector<16xf32>
          %mul3A_902 = vector.broadcast %squeeze3A_900 : f32 to vector<16xf32>
          %mul3A_903 = arith.mulf %mul3A_902, %add3A_901 : vector<16xf32>
          %add3A_904 = arith.addf %broadcast_in_dim3A_890, %mul3A_903 : vector<16xf32>
          %get3A_905 = arith.constant 1 : i32
          %get3A_906 = arith.index_cast %get3A_905 : i32 to index
          %get3A_907 = arith.index_cast %mul3A_860 : i32 to index
          %get3A_908 = tpu.vector_load %arg15[%get3A_906, %get3A_907] {strides = array<i32>} : memref<16x768xf32, #tpu.memory_space<vmem>>, vector<16xf32>,
          %slice3A_909 = vector.extract_strided_slice %get3A_162 {offsets = [1], sizes = [1], strides = [1]} : vector<16xi32> to vector<1xi32>
          %squeeze3A_910 = vector.extract %slice3A_909[0] : i32 from vector<1xi32>
          %broadcast_in_dim3A_911 = vector.broadcast %squeeze3A_910 : i32 to vector<16xi32>
          %add3A_912 = vector.broadcast %mul3A_860 : i32 to vector<16xi32>
          %add3A_913 = arith.addi %add3A_912, %iota3A : vector<16xi32>
          %gather3A_914 = tpu.vector_load_idx %arg9[%broadcast_in_dim3A_911, %add3A_913] : memref<64x768xf32, #tpu.memory_space<vmem>>[vector<16xi32>, vector<16xi32>], vector<16xf32>,
          %slice3A_915 = vector.extract_strided_slice %get3A_888 {offsets = [1], sizes = [1], strides = [1]} : vector<16xf32> to vector<1xf32>
          %squeeze3A_916 = vector.extract %slice3A_915[0] : f32 from vector<1xf32>
          %add3A_917 = arith.addf %get3A_908, %gather3A_914 : vector<16xf32>
          %mul3A_918 = vector.broadcast %squeeze3A_916 : f32 to vector<16xf32>
          %mul3A_919 = arith.mulf %mul3A_918, %add3A_917 : vector<16xf32>
          %add3A_920 = arith.addf %add3A_904, %mul3A_919 : vector<16xf32>
          %get3A_921 = arith.constant 2 : i32
          %get3A_922 = arith.index_cast %get3A_921 : i32 to index
          %get3A_923 = arith.index_cast %mul3A_860 : i32 to index
          %get3A_924 = tpu.vector_load %arg15[%get3A_922, %get3A_923] {strides = array<i32>} : memref<16x768xf32, #tpu.memory_space<vmem>>, vector<16xf32>,
          %slice3A_925 = vector.extract_strided_slice %get3A_162 {offsets = [2], sizes = [1], strides = [1]} : vector<16xi32> to vector<1xi32>
          %squeeze3A_926 = vector.extract %slice3A_925[0] : i32 from vector<1xi32>
          %broadcast_in_dim3A_927 = vector.broadcast %squeeze3A_926 : i32 to vector<16xi32>
          %add3A_928 = vector.broadcast %mul3A_860 : i32 to vector<16xi32>
          %add3A_929 = arith.addi %add3A_928, %iota3A : vector<16xi32>
          %gather3A_930 = tpu.vector_load_idx %arg9[%broadcast_in_dim3A_927, %add3A_929] : memref<64x768xf32, #tpu.memory_space<vmem>>[vector<16xi32>, vector<16xi32>], vector<16xf32>,
          %slice3A_931 = vector.extract_strided_slice %get3A_888 {offsets = [2], sizes = [1], strides = [1]} : vector<16xf32> to vector<1xf32>
          %squeeze3A_932 = vector.extract %slice3A_931[0] : f32 from vector<1xf32>
          %add3A_933 = arith.addf %get3A_924, %gather3A_930 : vector<16xf32>
          %mul3A_934 = vector.broadcast %squeeze3A_932 : f32 to vector<16xf32>
          %mul3A_935 = arith.mulf %mul3A_934, %add3A_933 : vector<16xf32>
          %add3A_936 = arith.addf %add3A_920, %mul3A_935 : vector<16xf32>
          %get3A_937 = arith.constant 3 : i32
          %get3A_938 = arith.index_cast %get3A_937 : i32 to index
          %get3A_939 = arith.index_cast %mul3A_860 : i32 to index
          %get3A_940 = tpu.vector_load %arg15[%get3A_938, %get3A_939] {strides = array<i32>} : memref<16x768xf32, #tpu.memory_space<vmem>>, vector<16xf32>,
          %slice3A_941 = vector.extract_strided_slice %get3A_162 {offsets = [3], sizes = [1], strides = [1]} : vector<16xi32> to vector<1xi32>
          %squeeze3A_942 = vector.extract %slice3A_941[0] : i32 from vector<1xi32>
          %broadcast_in_dim3A_943 = vector.broadcast %squeeze3A_942 : i32 to vector<16xi32>
          %add3A_944 = vector.broadcast %mul3A_860 : i32 to vector<16xi32>
          %add3A_945 = arith.addi %add3A_944, %iota3A : vector<16xi32>
          %gather3A_946 = tpu.vector_load_idx %arg9[%broadcast_in_dim3A_943, %add3A_945] : memref<64x768xf32, #tpu.memory_space<vmem>>[vector<16xi32>, vector<16xi32>], vector<16xf32>,
          %slice3A_947 = vector.extract_strided_slice %get3A_888 {offsets = [3], sizes = [1], strides = [1]} : vector<16xf32> to vector<1xf32>
          %squeeze3A_948 = vector.extract %slice3A_947[0] : f32 from vector<1xf32>
          %add3A_949 = arith.addf %get3A_940, %gather3A_946 : vector<16xf32>
          %mul3A_950 = vector.broadcast %squeeze3A_948 : f32 to vector<16xf32>
          %mul3A_951 = arith.mulf %mul3A_950, %add3A_949 : vector<16xf32>
          %add3A_952 = arith.addf %add3A_936, %mul3A_951 : vector<16xf32>
          %get3A_953 = arith.constant 4 : i32
          %get3A_954 = arith.index_cast %get3A_953 : i32 to index
          %get3A_955 = arith.index_cast %mul3A_860 : i32 to index
          %get3A_956 = tpu.vector_load %arg15[%get3A_954, %get3A_955] {strides = array<i32>} : memref<16x768xf32, #tpu.memory_space<vmem>>, vector<16xf32>,
          %slice3A_957 = vector.extract_strided_slice %get3A_162 {offsets = [4], sizes = [1], strides = [1]} : vector<16xi32> to vector<1xi32>
          %squeeze3A_958 = vector.extract %slice3A_957[0] : i32 from vector<1xi32>
          %broadcast_in_dim3A_959 = vector.broadcast %squeeze3A_958 : i32 to vector<16xi32>
          %add3A_960 = vector.broadcast %mul3A_860 : i32 to vector<16xi32>
          %add3A_961 = arith.addi %add3A_960, %iota3A : vector<16xi32>
          %gather3A_962 = tpu.vector_load_idx %arg9[%broadcast_in_dim3A_959, %add3A_961] : memref<64x768xf32, #tpu.memory_space<vmem>>[vector<16xi32>, vector<16xi32>], vector<16xf32>,
          %slice3A_963 = vector.extract_strided_slice %get3A_888 {offsets = [4], sizes = [1], strides = [1]} : vector<16xf32> to vector<1xf32>
          %squeeze3A_964 = vector.extract %slice3A_963[0] : f32 from vector<1xf32>
          %add3A_965 = arith.addf %get3A_956, %gather3A_962 : vector<16xf32>
          %mul3A_966 = vector.broadcast %squeeze3A_964 : f32 to vector<16xf32>
          %mul3A_967 = arith.mulf %mul3A_966, %add3A_965 : vector<16xf32>
          %add3A_968 = arith.addf %add3A_952, %mul3A_967 : vector<16xf32>
          %get3A_969 = arith.constant 5 : i32
          %get3A_970 = arith.index_cast %get3A_969 : i32 to index
          %get3A_971 = arith.index_cast %mul3A_860 : i32 to index
          %get3A_972 = tpu.vector_load %arg15[%get3A_970, %get3A_971] {strides = array<i32>} : memref<16x768xf32, #tpu.memory_space<vmem>>, vector<16xf32>,
          %slice3A_973 = vector.extract_strided_slice %get3A_162 {offsets = [5], sizes = [1], strides = [1]} : vector<16xi32> to vector<1xi32>
          %squeeze3A_974 = vector.extract %slice3A_973[0] : i32 from vector<1xi32>
          %broadcast_in_dim3A_975 = vector.broadcast %squeeze3A_974 : i32 to vector<16xi32>
          %add3A_976 = vector.broadcast %mul3A_860 : i32 to vector<16xi32>
          %add3A_977 = arith.addi %add3A_976, %iota3A : vector<16xi32>
          %gather3A_978 = tpu.vector_load_idx %arg9[%broadcast_in_dim3A_975, %add3A_977] : memref<64x768xf32, #tpu.memory_space<vmem>>[vector<16xi32>, vector<16xi32>], vector<16xf32>,
          %slice3A_979 = vector.extract_strided_slice %get3A_888 {offsets = [5], sizes = [1], strides = [1]} : vector<16xf32> to vector<1xf32>
          %squeeze3A_980 = vector.extract %slice3A_979[0] : f32 from vector<1xf32>
          %add3A_981 = arith.addf %get3A_972, %gather3A_978 : vector<16xf32>
          %mul3A_982 = vector.broadcast %squeeze3A_980 : f32 to vector<16xf32>
          %mul3A_983 = arith.mulf %mul3A_982, %add3A_981 : vector<16xf32>
          %add3A_984 = arith.addf %add3A_968, %mul3A_983 : vector<16xf32>
          %get3A_985 = arith.constant 6 : i32
          %get3A_986 = arith.index_cast %get3A_985 : i32 to index
          %get3A_987 = arith.index_cast %mul3A_860 : i32 to index
          %get3A_988 = tpu.vector_load %arg15[%get3A_986, %get3A_987] {strides = array<i32>} : memref<16x768xf32, #tpu.memory_space<vmem>>, vector<16xf32>,
          %slice3A_989 = vector.extract_strided_slice %get3A_162 {offsets = [6], sizes = [1], strides = [1]} : vector<16xi32> to vector<1xi32>
          %squeeze3A_990 = vector.extract %slice3A_989[0] : i32 from vector<1xi32>
          %broadcast_in_dim3A_991 = vector.broadcast %squeeze3A_990 : i32 to vector<16xi32>
          %add3A_992 = vector.broadcast %mul3A_860 : i32 to vector<16xi32>
          %add3A_993 = arith.addi %add3A_992, %iota3A : vector<16xi32>
          %gather3A_994 = tpu.vector_load_idx %arg9[%broadcast_in_dim3A_991, %add3A_993] : memref<64x768xf32, #tpu.memory_space<vmem>>[vector<16xi32>, vector<16xi32>], vector<16xf32>,
          %slice3A_995 = vector.extract_strided_slice %get3A_888 {offsets = [6], sizes = [1], strides = [1]} : vector<16xf32> to vector<1xf32>
          %squeeze3A_996 = vector.extract %slice3A_995[0] : f32 from vector<1xf32>
          %add3A_997 = arith.addf %get3A_988, %gather3A_994 : vector<16xf32>
          %mul3A_998 = vector.broadcast %squeeze3A_996 : f32 to vector<16xf32>
          %mul3A_999 = arith.mulf %mul3A_998, %add3A_997 : vector<16xf32>
          %add3A_1000 = arith.addf %add3A_984, %mul3A_999 : vector<16xf32>
          %get3A_1001 = arith.constant 7 : i32
          %get3A_1002 = arith.index_cast %get3A_1001 : i32 to index
          %get3A_1003 = arith.index_cast %mul3A_860 : i32 to index
          %get3A_1004 = tpu.vector_load %arg15[%get3A_1002, %get3A_1003] {strides = array<i32>} : memref<16x768xf32, #tpu.memory_space<vmem>>, vector<16xf32>,
          %slice3A_1005 = vector.extract_strided_slice %get3A_162 {offsets = [7], sizes = [1], strides = [1]} : vector<16xi32> to vector<1xi32>
          %squeeze3A_1006 = vector.extract %slice3A_1005[0] : i32 from vector<1xi32>
          %broadcast_in_dim3A_1007 = vector.broadcast %squeeze3A_1006 : i32 to vector<16xi32>
          %add3A_1008 = vector.broadcast %mul3A_860 : i32 to vector<16xi32>
          %add3A_1009 = arith.addi %add3A_1008, %iota3A : vector<16xi32>
          %gather3A_1010 = tpu.vector_load_idx %arg9[%broadcast_in_dim3A_1007, %add3A_1009] : memref<64x768xf32, #tpu.memory_space<vmem>>[vector<16xi32>, vector<16xi32>], vector<16xf32>,
          %slice3A_1011 = vector.extract_strided_slice %get3A_888 {offsets = [7], sizes = [1], strides = [1]} : vector<16xf32> to vector<1xf32>
          %squeeze3A_1012 = vector.extract %slice3A_1011[0] : f32 from vector<1xf32>
          %add3A_1013 = arith.addf %get3A_1004, %gather3A_1010 : vector<16xf32>
          %mul3A_1014 = vector.broadcast %squeeze3A_1012 : f32 to vector<16xf32>
          %mul3A_1015 = arith.mulf %mul3A_1014, %add3A_1013 : vector<16xf32>
          %add3A_1016 = arith.addf %add3A_1000, %mul3A_1015 : vector<16xf32>
          %get3A_1017 = arith.constant 8 : i32
          %get3A_1018 = arith.index_cast %get3A_1017 : i32 to index
          %get3A_1019 = arith.index_cast %mul3A_860 : i32 to index
          %get3A_1020 = tpu.vector_load %arg15[%get3A_1018, %get3A_1019] {strides = array<i32>} : memref<16x768xf32, #tpu.memory_space<vmem>>, vector<16xf32>,
          %slice3A_1021 = vector.extract_strided_slice %get3A_162 {offsets = [8], sizes = [1], strides = [1]} : vector<16xi32> to vector<1xi32>
          %squeeze3A_1022 = vector.extract %slice3A_1021[0] : i32 from vector<1xi32>
          %broadcast_in_dim3A_1023 = vector.broadcast %squeeze3A_1022 : i32 to vector<16xi32>
          %add3A_1024 = vector.broadcast %mul3A_860 : i32 to vector<16xi32>
          %add3A_1025 = arith.addi %add3A_1024, %iota3A : vector<16xi32>
          %gather3A_1026 = tpu.vector_load_idx %arg9[%broadcast_in_dim3A_1023, %add3A_1025] : memref<64x768xf32, #tpu.memory_space<vmem>>[vector<16xi32>, vector<16xi32>], vector<16xf32>,
          %slice3A_1027 = vector.extract_strided_slice %get3A_888 {offsets = [8], sizes = [1], strides = [1]} : vector<16xf32> to vector<1xf32>
          %squeeze3A_1028 = vector.extract %slice3A_1027[0] : f32 from vector<1xf32>
          %add3A_1029 = arith.addf %get3A_1020, %gather3A_1026 : vector<16xf32>
          %mul3A_1030 = vector.broadcast %squeeze3A_1028 : f32 to vector<16xf32>
          %mul3A_1031 = arith.mulf %mul3A_1030, %add3A_1029 : vector<16xf32>
          %add3A_1032 = arith.addf %add3A_1016, %mul3A_1031 : vector<16xf32>
          %get3A_1033 = arith.constant 9 : i32
          %get3A_1034 = arith.index_cast %get3A_1033 : i32 to index
          %get3A_1035 = arith.index_cast %mul3A_860 : i32 to index
          %get3A_1036 = tpu.vector_load %arg15[%get3A_1034, %get3A_1035] {strides = array<i32>} : memref<16x768xf32, #tpu.memory_space<vmem>>, vector<16xf32>,
          %slice3A_1037 = vector.extract_strided_slice %get3A_162 {offsets = [9], sizes = [1], strides = [1]} : vector<16xi32> to vector<1xi32>
          %squeeze3A_1038 = vector.extract %slice3A_1037[0] : i32 from vector<1xi32>
          %broadcast_in_dim3A_1039 = vector.broadcast %squeeze3A_1038 : i32 to vector<16xi32>
          %add3A_1040 = vector.broadcast %mul3A_860 : i32 to vector<16xi32>
          %add3A_1041 = arith.addi %add3A_1040, %iota3A : vector<16xi32>
          %gather3A_1042 = tpu.vector_load_idx %arg9[%broadcast_in_dim3A_1039, %add3A_1041] : memref<64x768xf32, #tpu.memory_space<vmem>>[vector<16xi32>, vector<16xi32>], vector<16xf32>,
          %slice3A_1043 = vector.extract_strided_slice %get3A_888 {offsets = [9], sizes = [1], strides = [1]} : vector<16xf32> to vector<1xf32>
          %squeeze3A_1044 = vector.extract %slice3A_1043[0] : f32 from vector<1xf32>
          %add3A_1045 = arith.addf %get3A_1036, %gather3A_1042 : vector<16xf32>
          %mul3A_1046 = vector.broadcast %squeeze3A_1044 : f32 to vector<16xf32>
          %mul3A_1047 = arith.mulf %mul3A_1046, %add3A_1045 : vector<16xf32>
          %add3A_1048 = arith.addf %add3A_1032, %mul3A_1047 : vector<16xf32>
          %get3A_1049 = arith.constant 10 : i32
          %get3A_1050 = arith.index_cast %get3A_1049 : i32 to index
          %get3A_1051 = arith.index_cast %mul3A_860 : i32 to index
          %get3A_1052 = tpu.vector_load %arg15[%get3A_1050, %get3A_1051] {strides = array<i32>} : memref<16x768xf32, #tpu.memory_space<vmem>>, vector<16xf32>,
          %slice3A_1053 = vector.extract_strided_slice %get3A_162 {offsets = [10], sizes = [1], strides = [1]} : vector<16xi32> to vector<1xi32>
          %squeeze3A_1054 = vector.extract %slice3A_1053[0] : i32 from vector<1xi32>
          %broadcast_in_dim3A_1055 = vector.broadcast %squeeze3A_1054 : i32 to vector<16xi32>
          %add3A_1056 = vector.broadcast %mul3A_860 : i32 to vector<16xi32>
          %add3A_1057 = arith.addi %add3A_1056, %iota3A : vector<16xi32>
          %gather3A_1058 = tpu.vector_load_idx %arg9[%broadcast_in_dim3A_1055, %add3A_1057] : memref<64x768xf32, #tpu.memory_space<vmem>>[vector<16xi32>, vector<16xi32>], vector<16xf32>,
          %slice3A_1059 = vector.extract_strided_slice %get3A_888 {offsets = [10], sizes = [1], strides = [1]} : vector<16xf32> to vector<1xf32>
          %squeeze3A_1060 = vector.extract %slice3A_1059[0] : f32 from vector<1xf32>
          %add3A_1061 = arith.addf %get3A_1052, %gather3A_1058 : vector<16xf32>
          %mul3A_1062 = vector.broadcast %squeeze3A_1060 : f32 to vector<16xf32>
          %mul3A_1063 = arith.mulf %mul3A_1062, %add3A_1061 : vector<16xf32>
          %add3A_1064 = arith.addf %add3A_1048, %mul3A_1063 : vector<16xf32>
          %get3A_1065 = arith.constant 11 : i32
          %get3A_1066 = arith.index_cast %get3A_1065 : i32 to index
          %get3A_1067 = arith.index_cast %mul3A_860 : i32 to index
          %get3A_1068 = tpu.vector_load %arg15[%get3A_1066, %get3A_1067] {strides = array<i32>} : memref<16x768xf32, #tpu.memory_space<vmem>>, vector<16xf32>,
          %slice3A_1069 = vector.extract_strided_slice %get3A_162 {offsets = [11], sizes = [1], strides = [1]} : vector<16xi32> to vector<1xi32>
          %squeeze3A_1070 = vector.extract %slice3A_1069[0] : i32 from vector<1xi32>
          %broadcast_in_dim3A_1071 = vector.broadcast %squeeze3A_1070 : i32 to vector<16xi32>
          %add3A_1072 = vector.broadcast %mul3A_860 : i32 to vector<16xi32>
          %add3A_1073 = arith.addi %add3A_1072, %iota3A : vector<16xi32>
          %gather3A_1074 = tpu.vector_load_idx %arg9[%broadcast_in_dim3A_1071, %add3A_1073] : memref<64x768xf32, #tpu.memory_space<vmem>>[vector<16xi32>, vector<16xi32>], vector<16xf32>,
          %slice3A_1075 = vector.extract_strided_slice %get3A_888 {offsets = [11], sizes = [1], strides = [1]} : vector<16xf32> to vector<1xf32>
          %squeeze3A_1076 = vector.extract %slice3A_1075[0] : f32 from vector<1xf32>
          %add3A_1077 = arith.addf %get3A_1068, %gather3A_1074 : vector<16xf32>
          %mul3A_1078 = vector.broadcast %squeeze3A_1076 : f32 to vector<16xf32>
          %mul3A_1079 = arith.mulf %mul3A_1078, %add3A_1077 : vector<16xf32>
          %add3A_1080 = arith.addf %add3A_1064, %mul3A_1079 : vector<16xf32>
          %get3A_1081 = arith.constant 12 : i32
          %get3A_1082 = arith.index_cast %get3A_1081 : i32 to index
          %get3A_1083 = arith.index_cast %mul3A_860 : i32 to index
          %get3A_1084 = tpu.vector_load %arg15[%get3A_1082, %get3A_1083] {strides = array<i32>} : memref<16x768xf32, #tpu.memory_space<vmem>>, vector<16xf32>,
          %slice3A_1085 = vector.extract_strided_slice %get3A_162 {offsets = [12], sizes = [1], strides = [1]} : vector<16xi32> to vector<1xi32>
          %squeeze3A_1086 = vector.extract %slice3A_1085[0] : i32 from vector<1xi32>
          %broadcast_in_dim3A_1087 = vector.broadcast %squeeze3A_1086 : i32 to vector<16xi32>
          %add3A_1088 = vector.broadcast %mul3A_860 : i32 to vector<16xi32>
          %add3A_1089 = arith.addi %add3A_1088, %iota3A : vector<16xi32>
          %gather3A_1090 = tpu.vector_load_idx %arg9[%broadcast_in_dim3A_1087, %add3A_1089] : memref<64x768xf32, #tpu.memory_space<vmem>>[vector<16xi32>, vector<16xi32>], vector<16xf32>,
          %slice3A_1091 = vector.extract_strided_slice %get3A_888 {offsets = [12], sizes = [1], strides = [1]} : vector<16xf32> to vector<1xf32>
          %squeeze3A_1092 = vector.extract %slice3A_1091[0] : f32 from vector<1xf32>
          %add3A_1093 = arith.addf %get3A_1084, %gather3A_1090 : vector<16xf32>
          %mul3A_1094 = vector.broadcast %squeeze3A_1092 : f32 to vector<16xf32>
          %mul3A_1095 = arith.mulf %mul3A_1094, %add3A_1093 : vector<16xf32>
          %add3A_1096 = arith.addf %add3A_1080, %mul3A_1095 : vector<16xf32>
          %get3A_1097 = arith.constant 13 : i32
          %get3A_1098 = arith.index_cast %get3A_1097 : i32 to index
          %get3A_1099 = arith.index_cast %mul3A_860 : i32 to index
          %get3A_1100 = tpu.vector_load %arg15[%get3A_1098, %get3A_1099] {strides = array<i32>} : memref<16x768xf32, #tpu.memory_space<vmem>>, vector<16xf32>,
          %slice3A_1101 = vector.extract_strided_slice %get3A_162 {offsets = [13], sizes = [1], strides = [1]} : vector<16xi32> to vector<1xi32>
          %squeeze3A_1102 = vector.extract %slice3A_1101[0] : i32 from vector<1xi32>
          %broadcast_in_dim3A_1103 = vector.broadcast %squeeze3A_1102 : i32 to vector<16xi32>
          %add3A_1104 = vector.broadcast %mul3A_860 : i32 to vector<16xi32>
          %add3A_1105 = arith.addi %add3A_1104, %iota3A : vector<16xi32>
          %gather3A_1106 = tpu.vector_load_idx %arg9[%broadcast_in_dim3A_1103, %add3A_1105] : memref<64x768xf32, #tpu.memory_space<vmem>>[vector<16xi32>, vector<16xi32>], vector<16xf32>,
          %slice3A_1107 = vector.extract_strided_slice %get3A_888 {offsets = [13], sizes = [1], strides = [1]} : vector<16xf32> to vector<1xf32>
          %squeeze3A_1108 = vector.extract %slice3A_1107[0] : f32 from vector<1xf32>
          %add3A_1109 = arith.addf %get3A_1100, %gather3A_1106 : vector<16xf32>
          %mul3A_1110 = vector.broadcast %squeeze3A_1108 : f32 to vector<16xf32>
          %mul3A_1111 = arith.mulf %mul3A_1110, %add3A_1109 : vector<16xf32>
          %add3A_1112 = arith.addf %add3A_1096, %mul3A_1111 : vector<16xf32>
          %get3A_1113 = arith.constant 14 : i32
          %get3A_1114 = arith.index_cast %get3A_1113 : i32 to index
          %get3A_1115 = arith.index_cast %mul3A_860 : i32 to index
          %get3A_1116 = tpu.vector_load %arg15[%get3A_1114, %get3A_1115] {strides = array<i32>} : memref<16x768xf32, #tpu.memory_space<vmem>>, vector<16xf32>,
          %slice3A_1117 = vector.extract_strided_slice %get3A_162 {offsets = [14], sizes = [1], strides = [1]} : vector<16xi32> to vector<1xi32>
          %squeeze3A_1118 = vector.extract %slice3A_1117[0] : i32 from vector<1xi32>
          %broadcast_in_dim3A_1119 = vector.broadcast %squeeze3A_1118 : i32 to vector<16xi32>
          %add3A_1120 = vector.broadcast %mul3A_860 : i32 to vector<16xi32>
          %add3A_1121 = arith.addi %add3A_1120, %iota3A : vector<16xi32>
          %gather3A_1122 = tpu.vector_load_idx %arg9[%broadcast_in_dim3A_1119, %add3A_1121] : memref<64x768xf32, #tpu.memory_space<vmem>>[vector<16xi32>, vector<16xi32>], vector<16xf32>,
          %slice3A_1123 = vector.extract_strided_slice %get3A_888 {offsets = [14], sizes = [1], strides = [1]} : vector<16xf32> to vector<1xf32>
          %squeeze3A_1124 = vector.extract %slice3A_1123[0] : f32 from vector<1xf32>
          %add3A_1125 = arith.addf %get3A_1116, %gather3A_1122 : vector<16xf32>
          %mul3A_1126 = vector.broadcast %squeeze3A_1124 : f32 to vector<16xf32>
          %mul3A_1127 = arith.mulf %mul3A_1126, %add3A_1125 : vector<16xf32>
          %add3A_1128 = arith.addf %add3A_1112, %mul3A_1127 : vector<16xf32>
          %get3A_1129 = arith.constant 15 : i32
          %get3A_1130 = arith.index_cast %get3A_1129 : i32 to index
          %get3A_1131 = arith.index_cast %mul3A_860 : i32 to index
          %get3A_1132 = tpu.vector_load %arg15[%get3A_1130, %get3A_1131] {strides = array<i32>} : memref<16x768xf32, #tpu.memory_space<vmem>>, vector<16xf32>,
          %slice3A_1133 = vector.extract_strided_slice %get3A_162 {offsets = [15], sizes = [1], strides = [1]} : vector<16xi32> to vector<1xi32>
          %squeeze3A_1134 = vector.extract %slice3A_1133[0] : i32 from vector<1xi32>
          %broadcast_in_dim3A_1135 = vector.broadcast %squeeze3A_1134 : i32 to vector<16xi32>
          %add3A_1136 = vector.broadcast %mul3A_860 : i32 to vector<16xi32>
          %add3A_1137 = arith.addi %add3A_1136, %iota3A : vector<16xi32>
          %gather3A_1138 = tpu.vector_load_idx %arg9[%broadcast_in_dim3A_1135, %add3A_1137] : memref<64x768xf32, #tpu.memory_space<vmem>>[vector<16xi32>, vector<16xi32>], vector<16xf32>,
          %slice3A_1139 = vector.extract_strided_slice %get3A_888 {offsets = [15], sizes = [1], strides = [1]} : vector<16xf32> to vector<1xf32>
          %squeeze3A_1140 = vector.extract %slice3A_1139[0] : f32 from vector<1xf32>
          %add3A_1141 = arith.addf %get3A_1132, %gather3A_1138 : vector<16xf32>
          %mul3A_1142 = vector.broadcast %squeeze3A_1140 : f32 to vector<16xf32>
          %mul3A_1143 = arith.mulf %mul3A_1142, %add3A_1141 : vector<16xf32>
          %add3A_1144 = arith.addf %add3A_1128, %mul3A_1143 : vector<16xf32>
          %mul3A_1145 = arith.constant 768 : i32
          %mul3A_1146 = arith.muli %add3A_110, %mul3A_1145 : i32
          %add3A_1147 = arith.addi %mul3A_1146, %mul3A_860 : i32
          %swap3A_1148 = arith.index_cast %add3A_1147 : i32 to index
          %swap3A_1149 = tpu.vector_load %arg11[%swap3A_1148] {strides = array<i32>} : memref<6144xf32, #tpu.memory_space<vmem>>, vector<16xf32>,
          tpu.vector_store %arg11[%swap3A_1148], %add3A_1144 {strides = array<i32>} : memref<6144xf32, #tpu.memory_space<vmem>>, vector<16xf32>,
        }
        %scan3A_473 = arith.constant 48 : i32
        %add3A_474 = arith.constant 2 : i32
        %add3A_475 = arith.addi %add3A_113, %add3A_474 : i32
        %lt3A = arith.constant 64 : i32
        %lt3A_476 = arith.cmpi slt, %add3A_475, %lt3A : i32
        %convert_element_type3A = arith.extui %lt3A_476 : i1 to i32
        %cond3A = arith.constant 0 : i32
        %cond3A_477 = arith.cmpi ne, %convert_element_type3A, %cond3A : i32
        scf.if %cond3A_477 {
          %mul3A_858 = arith.constant 16 : i32
          %mul3A_859 = arith.muli %add3A_475, %mul3A_858 : i32
          %get3A_860 = arith.index_cast %mul3A_859 : i32 to index
          %get3A_861 = tpu.vector_load %arg12[%get3A_860] {strides = array<i32>} : memref<1024xi32, #tpu.memory_space<vmem>>, vector<16xi32>,
          %add3A_862 = arith.addi %mul3A_2, %add3A_475 : i32
          %jit3A_863 = arith.constant 512 : i32
          %div3A_864 = arith.divsi %add3A_862, %jit3A_863 : i32
          %sign3A_865 = arith.constant 0 : i32
          %sign3A_866 = arith.cmpi sgt, %add3A_862, %sign3A_865 : i32
          %sign3A_867 = arith.extui %sign3A_866 : i1 to i32
          %sign3A_868 = arith.constant 0 : i32
          %sign3A_869 = arith.cmpi slt, %add3A_862, %sign3A_868 : i32
          %sign3A_870 = arith.extui %sign3A_869 : i1 to i32
          %sign3A_871 = arith.subi %sign3A_867, %sign3A_870 : i32
          %sign3A_872 = arith.constant 0 : i32
          %sign3A_873 = arith.cmpi sgt, %jit3A_863, %sign3A_872 : i32
          %sign3A_874 = arith.extui %sign3A_873 : i1 to i32
          %sign3A_875 = arith.constant 0 : i32
          %sign3A_876 = arith.cmpi slt, %jit3A_863, %sign3A_875 : i32
          %sign3A_877 = arith.extui %sign3A_876 : i1 to i32
          %sign3A_878 = arith.subi %sign3A_874, %sign3A_877 : i32
          %ne3A_879 = arith.cmpi ne, %sign3A_871, %sign3A_878 : i32
          %rem3A_880 = arith.remsi %add3A_862, %jit3A_863 : i32
          %ne3A_881 = arith.constant 0 : i32
          %ne3A_882 = arith.cmpi ne, %rem3A_880, %ne3A_881 : i32
          %and3A_883 = arith.andi %ne3A_879, %ne3A_882 : i1
          %sub3A_884 = arith.constant 1 : i32
          %sub3A_885 = arith.subi %div3A_864, %sub3A_884 : i32
          %select_n3A_886 = arith.select %and3A_883, %sub3A_885, %div3A_864 : i32
          %mul3A_887 = arith.constant 512 : i32
          %mul3A_888 = arith.muli %select_n3A_886, %mul3A_887 : i32
          %sub3A_889 = arith.subi %add3A_862, %mul3A_888 : i32
          %mul3A_890 = arith.constant 6144 : i32
          %mul3A_891 = arith.muli %select_n3A_886, %mul3A_890 : i32
          %add3A_892 = arith.addi %mul3A_891, %sub3A_889 : i32
          %mul3A_893 = arith.constant 512 : i32
          %mul3A_894 = vector.broadcast %mul3A_893 : i32 to vector<16xi32>
          %mul3A_895 = arith.muli %mul3A_894, %rem3A : vector<16xi32>
          %add3A_896 = vector.broadcast %add3A_892 : i32 to vector<16xi32>
          %add3A_897 = arith.addi %add3A_896, %mul3A_895 : vector<16xi32>
          %dma_start3A_898 = arith.constant 0 : i32
          %dma_start3A_899 = arith.constant 0 : i32
          %dma_start3A_900 = tpu.memref_slice %arg4[%dma_start3A_898, %dma_start3A_899] : memref<24576x512xf32, #tpu.memory_space<hbm>> -> memref<24576x512xf32, #tpu.memory_space<hbm>>
          tpu.enqueue_indirect_dma source(%dma_start3A_900 : memref<24576x512xf32, #tpu.memory_space<hbm>>) target(%arg14 : memref<16x512xf32, #tpu.memory_space<vmem>>) offsets(%add3A_897 : vector<16xi32>) semaphore(%arg19 : memref<!tpu.dma_semaphore, #tpu.memory_space<semaphore_mem>>)
          %dma_start3A_901 = arith.constant 0 : i32
          %dma_start3A_902 = arith.constant 0 : i32
          %dma_start3A_903 = tpu.memref_slice %arg3[%dma_start3A_901, %dma_start3A_902] : memref<2048x768xf32, #tpu.memory_space<hbm>> -> memref<2048x768xf32, #tpu.memory_space<hbm>>
          tpu.enqueue_indirect_dma source(%dma_start3A_903 : memref<2048x768xf32, #tpu.memory_space<hbm>>) target(%arg15 : memref<16x768xf32, #tpu.memory_space<vmem>>) offsets(%get3A_861 : vector<16xi32>) semaphore(%arg20 : memref<!tpu.dma_semaphore, #tpu.memory_space<semaphore_mem>>)
        } else {
        }
        %mul3A_478 = arith.constant 2 : i32
        %mul3A_479 = arith.muli %mul3A_478, %scan3A_106 : i32
        %add3A_480 = arith.constant 1 : i32
        %add3A_481 = arith.addi %mul3A_479, %add3A_480 : i32
        %mul3A_482 = arith.constant 8 : i32
        %mul3A_483 = arith.muli %scan3A_94, %mul3A_482 : i32
        %add3A_484 = arith.addi %mul3A_483, %add3A_481 : i32
        %add3A_485 = arith.addi %mul3A_2, %add3A_484 : i32
        %jit3A_486 = arith.constant 512 : i32
        %div3A_487 = arith.divsi %add3A_485, %jit3A_486 : i32
        %sign3A_488 = arith.constant 0 : i32
        %sign3A_489 = arith.cmpi sgt, %add3A_485, %sign3A_488 : i32
        %sign3A_490 = arith.extui %sign3A_489 : i1 to i32
        %sign3A_491 = arith.constant 0 : i32
        %sign3A_492 = arith.cmpi slt, %add3A_485, %sign3A_491 : i32
        %sign3A_493 = arith.extui %sign3A_492 : i1 to i32
        %sign3A_494 = arith.subi %sign3A_490, %sign3A_493 : i32
        %sign3A_495 = arith.constant 0 : i32
        %sign3A_496 = arith.cmpi sgt, %jit3A_486, %sign3A_495 : i32
        %sign3A_497 = arith.extui %sign3A_496 : i1 to i32
        %sign3A_498 = arith.constant 0 : i32
        %sign3A_499 = arith.cmpi slt, %jit3A_486, %sign3A_498 : i32
        %sign3A_500 = arith.extui %sign3A_499 : i1 to i32
        %sign3A_501 = arith.subi %sign3A_497, %sign3A_500 : i32
        %ne3A_502 = arith.cmpi ne, %sign3A_494, %sign3A_501 : i32
        %rem3A_503 = arith.remsi %add3A_485, %jit3A_486 : i32
        %ne3A_504 = arith.constant 0 : i32
        %ne3A_505 = arith.cmpi ne, %rem3A_503, %ne3A_504 : i32
        %and3A_506 = arith.andi %ne3A_502, %ne3A_505 : i1
        %sub3A_507 = arith.constant 1 : i32
        %sub3A_508 = arith.subi %div3A_487, %sub3A_507 : i32
        %select_n3A_509 = arith.select %and3A_506, %sub3A_508, %div3A_487 : i32
        %mul3A_510 = arith.constant 512 : i32
        %mul3A_511 = arith.muli %select_n3A_509, %mul3A_510 : i32
        %sub3A_512 = arith.subi %add3A_485, %mul3A_511 : i32
        %mul3A_513 = arith.constant 6144 : i32
        %mul3A_514 = arith.muli %select_n3A_509, %mul3A_513 : i32
        %add3A_515 = arith.addi %mul3A_514, %sub3A_512 : i32
        %mul3A_516 = arith.constant 512 : i32
        %mul3A_517 = vector.broadcast %mul3A_516 : i32 to vector<16xi32>
        %mul3A_518 = arith.muli %mul3A_517, %rem3A : vector<16xi32>
        %add3A_519 = vector.broadcast %add3A_515 : i32 to vector<16xi32>
        %add3A_520 = arith.addi %add3A_519, %mul3A_518 : vector<16xi32>
        %dma_wait3A_521 = arith.constant 0 : i32
        %dma_wait3A_522 = arith.constant 0 : i32
        %dma_wait3A_523 = tpu.memref_slice %arg4[%dma_wait3A_521, %dma_wait3A_522] : memref<24576x512xf32, #tpu.memory_space<hbm>> -> memref<24576x512xf32, #tpu.memory_space<hbm>>
        tpu.wait_indirect_dma semaphore(%arg21 : memref<!tpu.dma_semaphore, #tpu.memory_space<semaphore_mem>>) src(%dma_wait3A_523 : memref<24576x512xf32, #tpu.memory_space<hbm>>) dst(%arg16 : memref<16x512xf32, #tpu.memory_space<vmem>>)
        %mul3A_524 = arith.constant 16 : i32
        %mul3A_525 = arith.muli %add3A_484, %mul3A_524 : i32
        %get3A_526 = arith.index_cast %mul3A_525 : i32 to index
        %get3A_527 = tpu.vector_load %arg12[%get3A_526] {strides = array<i32>} : memref<1024xi32, #tpu.memory_space<vmem>>, vector<16xi32>,
        %dma_wait3A_528 = arith.constant 0 : i32
        %dma_wait3A_529 = arith.constant 0 : i32
        %dma_wait3A_530 = tpu.memref_slice %arg3[%dma_wait3A_528, %dma_wait3A_529] : memref<2048x768xf32, #tpu.memory_space<hbm>> -> memref<2048x768xf32, #tpu.memory_space<hbm>>
        tpu.wait_indirect_dma semaphore(%arg22 : memref<!tpu.dma_semaphore, #tpu.memory_space<semaphore_mem>>) src(%dma_wait3A_530 : memref<2048x768xf32, #tpu.memory_space<hbm>>) dst(%arg17 : memref<16x768xf32, #tpu.memory_space<vmem>>)
        %mul3A_531 = arith.constant 16 : i32
        %mul3A_532 = arith.muli %add3A_484, %mul3A_531 : i32
        %get3A_533 = arith.index_cast %mul3A_532 : i32 to index
        %get3A_534 = tpu.vector_load %arg13[%get3A_533] {strides = array<i32>} : memref<1024xi32, #tpu.memory_space<vmem>>, vector<16xi32>,
        %broadcast_in_dim3A_535 = vector.broadcast %add3A_481 : i32 to vector<16xi32>
        %add3A_536 = arith.addi %mul3A_2, %add3A_484 : i32
        %mul3A_537 = arith.constant 16 : i32
        %mul3A_538 = arith.muli %add3A_484, %mul3A_537 : i32
        %get3A_539 = arith.index_cast %mul3A_538 : i32 to index
        %get3A_540 = tpu.vector_load %arg12[%get3A_539] {strides = array<i32>} : memref<1024xi32, #tpu.memory_space<vmem>>, vector<16xi32>,
        %jit3A_541 = arith.constant 512 : i32
        %div3A_542 = arith.divsi %add3A_536, %jit3A_541 : i32
        %sign3A_543 = arith.constant 0 : i32
        %sign3A_544 = arith.cmpi sgt, %add3A_536, %sign3A_543 : i32
        %sign3A_545 = arith.extui %sign3A_544 : i1 to i32
        %sign3A_546 = arith.constant 0 : i32
        %sign3A_547 = arith.cmpi slt, %add3A_536, %sign3A_546 : i32
        %sign3A_548 = arith.extui %sign3A_547 : i1 to i32
        %sign3A_549 = arith.subi %sign3A_545, %sign3A_548 : i32
        %sign3A_550 = arith.constant 0 : i32
        %sign3A_551 = arith.cmpi sgt, %jit3A_541, %sign3A_550 : i32
        %sign3A_552 = arith.extui %sign3A_551 : i1 to i32
        %sign3A_553 = arith.constant 0 : i32
        %sign3A_554 = arith.cmpi slt, %jit3A_541, %sign3A_553 : i32
        %sign3A_555 = arith.extui %sign3A_554 : i1 to i32
        %sign3A_556 = arith.subi %sign3A_552, %sign3A_555 : i32
        %ne3A_557 = arith.cmpi ne, %sign3A_549, %sign3A_556 : i32
        %rem3A_558 = arith.remsi %add3A_536, %jit3A_541 : i32
        %ne3A_559 = arith.constant 0 : i32
        %ne3A_560 = arith.cmpi ne, %rem3A_558, %ne3A_559 : i32
        %and3A_561 = arith.andi %ne3A_557, %ne3A_560 : i1
        %sub3A_562 = arith.constant 1 : i32
        %sub3A_563 = arith.subi %div3A_542, %sub3A_562 : i32
        %select_n3A_564 = arith.select %and3A_561, %sub3A_563, %div3A_542 : i32
        %mul3A_565 = arith.constant 512 : i32
        %mul3A_566 = arith.muli %select_n3A_564, %mul3A_565 : i32
        %sub3A_567 = vector.broadcast %mul3A_566 : i32 to vector<16xi32>
        %sub3A_568 = arith.subi %get3A_540, %sub3A_567 : vector<16xi32>
        %broadcast_in_dim3A_569 = arith.constant 0 : i32
        %broadcast_in_dim3A_570 = vector.broadcast %broadcast_in_dim3A_569 : i32 to vector<16xi32>
        %gather3A_571 = tpu.vector_load_idx %arg16[%broadcast_in_dim3A_570, %sub3A_568] : memref<16x512xf32, #tpu.memory_space<vmem>>[vector<16xi32>, vector<16xi32>], vector<16xf32>,
        %add3A_572 = arith.constant 0 : i32
        %add3A_573 = vector.broadcast %add3A_572 : i32 to vector<16xi32>
        %add3A_574 = arith.addi %add3A_573, %get3A_534 : vector<16xi32>
        %gather3A_575 = tpu.vector_load_idx %arg10[%broadcast_in_dim3A_535, %add3A_574] : memref<8x768xf32, #tpu.memory_space<vmem>>[vector<16xi32>, vector<16xi32>], vector<16xf32>,
        %add3A_576 = arith.addf %gather3A_571, %gather3A_575 : vector<16xf32>
        %reduce_max3A_577 = arith.constant true
        %reduce_max3A_578 = vector.broadcast %reduce_max3A_577 : i1 to vector<16xi1>
        %reduce_max3A_579 = tpu.scan <max>, %add3A_576 masked %reduce_max3A_578 : vector<16xf32>, vector<16xi1> -> vector<16xf32>
        %reduce_max3A_580 = vector.extract %reduce_max3A_579[15] : f32 from vector<16xf32>
        %sub3A_581 = vector.broadcast %reduce_max3A_580 : f32 to vector<16xf32>
        %sub3A_582 = arith.subf %add3A_576, %sub3A_581 : vector<16xf32>
        %exp3A_583 = math.exp %sub3A_582 : vector<16xf32>
        %reduce_sum3A_584 = arith.constant true
        %reduce_sum3A_585 = vector.broadcast %reduce_sum3A_584 : i1 to vector<16xi1>
        %reduce_sum3A_586 = tpu.scan <sum>, %exp3A_583 masked %reduce_sum3A_585 : vector<16xf32>, vector<16xi1> -> vector<16xf32>
        %reduce_sum3A_587 = vector.extract %reduce_sum3A_586[15] : f32 from vector<16xf32>
        %div3A_588 = vector.broadcast %reduce_sum3A_587 : f32 to vector<16xf32>
        %div3A_589 = arith.divf %exp3A_583, %div3A_588 : vector<16xf32>
        %swap3A_590 = arith.constant 0 : index
        %swap3A_591 = tpu.vector_load %arg18[%swap3A_590] {strides = array<i32>} : memref<192xf32, #tpu.memory_space<vmem>>, vector<16xf32>,
        tpu.vector_store %arg18[%swap3A_590], %div3A_589 {strides = array<i32>} : memref<192xf32, #tpu.memory_space<vmem>>, vector<16xf32>,
        %broadcast_in_dim3A_592 = arith.constant 1 : i32
        %broadcast_in_dim3A_593 = vector.broadcast %broadcast_in_dim3A_592 : i32 to vector<16xi32>
        %gather3A_594 = tpu.vector_load_idx %arg16[%broadcast_in_dim3A_593, %sub3A_568] : memref<16x512xf32, #tpu.memory_space<vmem>>[vector<16xi32>, vector<16xi32>], vector<16xf32>,
        %add3A_595 = arith.constant 64 : i32
        %add3A_596 = vector.broadcast %add3A_595 : i32 to vector<16xi32>
        %add3A_597 = arith.addi %add3A_596, %get3A_534 : vector<16xi32>
        %gather3A_598 = tpu.vector_load_idx %arg10[%broadcast_in_dim3A_535, %add3A_597] : memref<8x768xf32, #tpu.memory_space<vmem>>[vector<16xi32>, vector<16xi32>], vector<16xf32>,
        %add3A_599 = arith.addf %gather3A_594, %gather3A_598 : vector<16xf32>
        %reduce_max3A_600 = arith.constant true
        %reduce_max3A_601 = vector.broadcast %reduce_max3A_600 : i1 to vector<16xi1>
        %reduce_max3A_602 = tpu.scan <max>, %add3A_599 masked %reduce_max3A_601 : vector<16xf32>, vector<16xi1> -> vector<16xf32>
        %reduce_max3A_603 = vector.extract %reduce_max3A_602[15] : f32 from vector<16xf32>
        %sub3A_604 = vector.broadcast %reduce_max3A_603 : f32 to vector<16xf32>
        %sub3A_605 = arith.subf %add3A_599, %sub3A_604 : vector<16xf32>
        %exp3A_606 = math.exp %sub3A_605 : vector<16xf32>
        %reduce_sum3A_607 = arith.constant true
        %reduce_sum3A_608 = vector.broadcast %reduce_sum3A_607 : i1 to vector<16xi1>
        %reduce_sum3A_609 = tpu.scan <sum>, %exp3A_606 masked %reduce_sum3A_608 : vector<16xf32>, vector<16xi1> -> vector<16xf32>
        %reduce_sum3A_610 = vector.extract %reduce_sum3A_609[15] : f32 from vector<16xf32>
        %div3A_611 = vector.broadcast %reduce_sum3A_610 : f32 to vector<16xf32>
        %div3A_612 = arith.divf %exp3A_606, %div3A_611 : vector<16xf32>
        %swap3A_613 = arith.constant 16 : index
        %swap3A_614 = tpu.vector_load %arg18[%swap3A_613] {strides = array<i32>} : memref<192xf32, #tpu.memory_space<vmem>>, vector<16xf32>,
        tpu.vector_store %arg18[%swap3A_613], %div3A_612 {strides = array<i32>} : memref<192xf32, #tpu.memory_space<vmem>>, vector<16xf32>,
        %broadcast_in_dim3A_615 = arith.constant 2 : i32
        %broadcast_in_dim3A_616 = vector.broadcast %broadcast_in_dim3A_615 : i32 to vector<16xi32>
        %gather3A_617 = tpu.vector_load_idx %arg16[%broadcast_in_dim3A_616, %sub3A_568] : memref<16x512xf32, #tpu.memory_space<vmem>>[vector<16xi32>, vector<16xi32>], vector<16xf32>,
        %add3A_618 = arith.constant 128 : i32
        %add3A_619 = vector.broadcast %add3A_618 : i32 to vector<16xi32>
        %add3A_620 = arith.addi %add3A_619, %get3A_534 : vector<16xi32>
        %gather3A_621 = tpu.vector_load_idx %arg10[%broadcast_in_dim3A_535, %add3A_620] : memref<8x768xf32, #tpu.memory_space<vmem>>[vector<16xi32>, vector<16xi32>], vector<16xf32>,
        %add3A_622 = arith.addf %gather3A_617, %gather3A_621 : vector<16xf32>
        %reduce_max3A_623 = arith.constant true
        %reduce_max3A_624 = vector.broadcast %reduce_max3A_623 : i1 to vector<16xi1>
        %reduce_max3A_625 = tpu.scan <max>, %add3A_622 masked %reduce_max3A_624 : vector<16xf32>, vector<16xi1> -> vector<16xf32>
        %reduce_max3A_626 = vector.extract %reduce_max3A_625[15] : f32 from vector<16xf32>
        %sub3A_627 = vector.broadcast %reduce_max3A_626 : f32 to vector<16xf32>
        %sub3A_628 = arith.subf %add3A_622, %sub3A_627 : vector<16xf32>
        %exp3A_629 = math.exp %sub3A_628 : vector<16xf32>
        %reduce_sum3A_630 = arith.constant true
        %reduce_sum3A_631 = vector.broadcast %reduce_sum3A_630 : i1 to vector<16xi1>
        %reduce_sum3A_632 = tpu.scan <sum>, %exp3A_629 masked %reduce_sum3A_631 : vector<16xf32>, vector<16xi1> -> vector<16xf32>
        %reduce_sum3A_633 = vector.extract %reduce_sum3A_632[15] : f32 from vector<16xf32>
        %div3A_634 = vector.broadcast %reduce_sum3A_633 : f32 to vector<16xf32>
        %div3A_635 = arith.divf %exp3A_629, %div3A_634 : vector<16xf32>
        %swap3A_636 = arith.constant 32 : index
        %swap3A_637 = tpu.vector_load %arg18[%swap3A_636] {strides = array<i32>} : memref<192xf32, #tpu.memory_space<vmem>>, vector<16xf32>,
        tpu.vector_store %arg18[%swap3A_636], %div3A_635 {strides = array<i32>} : memref<192xf32, #tpu.memory_space<vmem>>, vector<16xf32>,
        %broadcast_in_dim3A_638 = arith.constant 3 : i32
        %broadcast_in_dim3A_639 = vector.broadcast %broadcast_in_dim3A_638 : i32 to vector<16xi32>
        %gather3A_640 = tpu.vector_load_idx %arg16[%broadcast_in_dim3A_639, %sub3A_568] : memref<16x512xf32, #tpu.memory_space<vmem>>[vector<16xi32>, vector<16xi32>], vector<16xf32>,
        %add3A_641 = arith.constant 192 : i32
        %add3A_642 = vector.broadcast %add3A_641 : i32 to vector<16xi32>
        %add3A_643 = arith.addi %add3A_642, %get3A_534 : vector<16xi32>
        %gather3A_644 = tpu.vector_load_idx %arg10[%broadcast_in_dim3A_535, %add3A_643] : memref<8x768xf32, #tpu.memory_space<vmem>>[vector<16xi32>, vector<16xi32>], vector<16xf32>,
        %add3A_645 = arith.addf %gather3A_640, %gather3A_644 : vector<16xf32>
        %reduce_max3A_646 = arith.constant true
        %reduce_max3A_647 = vector.broadcast %reduce_max3A_646 : i1 to vector<16xi1>
        %reduce_max3A_648 = tpu.scan <max>, %add3A_645 masked %reduce_max3A_647 : vector<16xf32>, vector<16xi1> -> vector<16xf32>
        %reduce_max3A_649 = vector.extract %reduce_max3A_648[15] : f32 from vector<16xf32>
        %sub3A_650 = vector.broadcast %reduce_max3A_649 : f32 to vector<16xf32>
        %sub3A_651 = arith.subf %add3A_645, %sub3A_650 : vector<16xf32>
        %exp3A_652 = math.exp %sub3A_651 : vector<16xf32>
        %reduce_sum3A_653 = arith.constant true
        %reduce_sum3A_654 = vector.broadcast %reduce_sum3A_653 : i1 to vector<16xi1>
        %reduce_sum3A_655 = tpu.scan <sum>, %exp3A_652 masked %reduce_sum3A_654 : vector<16xf32>, vector<16xi1> -> vector<16xf32>
        %reduce_sum3A_656 = vector.extract %reduce_sum3A_655[15] : f32 from vector<16xf32>
        %div3A_657 = vector.broadcast %reduce_sum3A_656 : f32 to vector<16xf32>
        %div3A_658 = arith.divf %exp3A_652, %div3A_657 : vector<16xf32>
        %swap3A_659 = arith.constant 48 : index
        %swap3A_660 = tpu.vector_load %arg18[%swap3A_659] {strides = array<i32>} : memref<192xf32, #tpu.memory_space<vmem>>, vector<16xf32>,
        tpu.vector_store %arg18[%swap3A_659], %div3A_658 {strides = array<i32>} : memref<192xf32, #tpu.memory_space<vmem>>, vector<16xf32>,
        %broadcast_in_dim3A_661 = arith.constant 4 : i32
        %broadcast_in_dim3A_662 = vector.broadcast %broadcast_in_dim3A_661 : i32 to vector<16xi32>
        %gather3A_663 = tpu.vector_load_idx %arg16[%broadcast_in_dim3A_662, %sub3A_568] : memref<16x512xf32, #tpu.memory_space<vmem>>[vector<16xi32>, vector<16xi32>], vector<16xf32>,
        %add3A_664 = arith.constant 256 : i32
        %add3A_665 = vector.broadcast %add3A_664 : i32 to vector<16xi32>
        %add3A_666 = arith.addi %add3A_665, %get3A_534 : vector<16xi32>
        %gather3A_667 = tpu.vector_load_idx %arg10[%broadcast_in_dim3A_535, %add3A_666] : memref<8x768xf32, #tpu.memory_space<vmem>>[vector<16xi32>, vector<16xi32>], vector<16xf32>,
        %add3A_668 = arith.addf %gather3A_663, %gather3A_667 : vector<16xf32>
        %reduce_max3A_669 = arith.constant true
        %reduce_max3A_670 = vector.broadcast %reduce_max3A_669 : i1 to vector<16xi1>
        %reduce_max3A_671 = tpu.scan <max>, %add3A_668 masked %reduce_max3A_670 : vector<16xf32>, vector<16xi1> -> vector<16xf32>
        %reduce_max3A_672 = vector.extract %reduce_max3A_671[15] : f32 from vector<16xf32>
        %sub3A_673 = vector.broadcast %reduce_max3A_672 : f32 to vector<16xf32>
        %sub3A_674 = arith.subf %add3A_668, %sub3A_673 : vector<16xf32>
        %exp3A_675 = math.exp %sub3A_674 : vector<16xf32>
        %reduce_sum3A_676 = arith.constant true
        %reduce_sum3A_677 = vector.broadcast %reduce_sum3A_676 : i1 to vector<16xi1>
        %reduce_sum3A_678 = tpu.scan <sum>, %exp3A_675 masked %reduce_sum3A_677 : vector<16xf32>, vector<16xi1> -> vector<16xf32>
        %reduce_sum3A_679 = vector.extract %reduce_sum3A_678[15] : f32 from vector<16xf32>
        %div3A_680 = vector.broadcast %reduce_sum3A_679 : f32 to vector<16xf32>
        %div3A_681 = arith.divf %exp3A_675, %div3A_680 : vector<16xf32>
        %swap3A_682 = arith.constant 64 : index
        %swap3A_683 = tpu.vector_load %arg18[%swap3A_682] {strides = array<i32>} : memref<192xf32, #tpu.memory_space<vmem>>, vector<16xf32>,
        tpu.vector_store %arg18[%swap3A_682], %div3A_681 {strides = array<i32>} : memref<192xf32, #tpu.memory_space<vmem>>, vector<16xf32>,
        %broadcast_in_dim3A_684 = arith.constant 5 : i32
        %broadcast_in_dim3A_685 = vector.broadcast %broadcast_in_dim3A_684 : i32 to vector<16xi32>
        %gather3A_686 = tpu.vector_load_idx %arg16[%broadcast_in_dim3A_685, %sub3A_568] : memref<16x512xf32, #tpu.memory_space<vmem>>[vector<16xi32>, vector<16xi32>], vector<16xf32>,
        %add3A_687 = arith.constant 320 : i32
        %add3A_688 = vector.broadcast %add3A_687 : i32 to vector<16xi32>
        %add3A_689 = arith.addi %add3A_688, %get3A_534 : vector<16xi32>
        %gather3A_690 = tpu.vector_load_idx %arg10[%broadcast_in_dim3A_535, %add3A_689] : memref<8x768xf32, #tpu.memory_space<vmem>>[vector<16xi32>, vector<16xi32>], vector<16xf32>,
        %add3A_691 = arith.addf %gather3A_686, %gather3A_690 : vector<16xf32>
        %reduce_max3A_692 = arith.constant true
        %reduce_max3A_693 = vector.broadcast %reduce_max3A_692 : i1 to vector<16xi1>
        %reduce_max3A_694 = tpu.scan <max>, %add3A_691 masked %reduce_max3A_693 : vector<16xf32>, vector<16xi1> -> vector<16xf32>
        %reduce_max3A_695 = vector.extract %reduce_max3A_694[15] : f32 from vector<16xf32>
        %sub3A_696 = vector.broadcast %reduce_max3A_695 : f32 to vector<16xf32>
        %sub3A_697 = arith.subf %add3A_691, %sub3A_696 : vector<16xf32>
        %exp3A_698 = math.exp %sub3A_697 : vector<16xf32>
        %reduce_sum3A_699 = arith.constant true
        %reduce_sum3A_700 = vector.broadcast %reduce_sum3A_699 : i1 to vector<16xi1>
        %reduce_sum3A_701 = tpu.scan <sum>, %exp3A_698 masked %reduce_sum3A_700 : vector<16xf32>, vector<16xi1> -> vector<16xf32>
        %reduce_sum3A_702 = vector.extract %reduce_sum3A_701[15] : f32 from vector<16xf32>
        %div3A_703 = vector.broadcast %reduce_sum3A_702 : f32 to vector<16xf32>
        %div3A_704 = arith.divf %exp3A_698, %div3A_703 : vector<16xf32>
        %swap3A_705 = arith.constant 80 : index
        %swap3A_706 = tpu.vector_load %arg18[%swap3A_705] {strides = array<i32>} : memref<192xf32, #tpu.memory_space<vmem>>, vector<16xf32>,
        tpu.vector_store %arg18[%swap3A_705], %div3A_704 {strides = array<i32>} : memref<192xf32, #tpu.memory_space<vmem>>, vector<16xf32>,
        %broadcast_in_dim3A_707 = arith.constant 6 : i32
        %broadcast_in_dim3A_708 = vector.broadcast %broadcast_in_dim3A_707 : i32 to vector<16xi32>
        %gather3A_709 = tpu.vector_load_idx %arg16[%broadcast_in_dim3A_708, %sub3A_568] : memref<16x512xf32, #tpu.memory_space<vmem>>[vector<16xi32>, vector<16xi32>], vector<16xf32>,
        %add3A_710 = arith.constant 384 : i32
        %add3A_711 = vector.broadcast %add3A_710 : i32 to vector<16xi32>
        %add3A_712 = arith.addi %add3A_711, %get3A_534 : vector<16xi32>
        %gather3A_713 = tpu.vector_load_idx %arg10[%broadcast_in_dim3A_535, %add3A_712] : memref<8x768xf32, #tpu.memory_space<vmem>>[vector<16xi32>, vector<16xi32>], vector<16xf32>,
        %add3A_714 = arith.addf %gather3A_709, %gather3A_713 : vector<16xf32>
        %reduce_max3A_715 = arith.constant true
        %reduce_max3A_716 = vector.broadcast %reduce_max3A_715 : i1 to vector<16xi1>
        %reduce_max3A_717 = tpu.scan <max>, %add3A_714 masked %reduce_max3A_716 : vector<16xf32>, vector<16xi1> -> vector<16xf32>
        %reduce_max3A_718 = vector.extract %reduce_max3A_717[15] : f32 from vector<16xf32>
        %sub3A_719 = vector.broadcast %reduce_max3A_718 : f32 to vector<16xf32>
        %sub3A_720 = arith.subf %add3A_714, %sub3A_719 : vector<16xf32>
        %exp3A_721 = math.exp %sub3A_720 : vector<16xf32>
        %reduce_sum3A_722 = arith.constant true
        %reduce_sum3A_723 = vector.broadcast %reduce_sum3A_722 : i1 to vector<16xi1>
        %reduce_sum3A_724 = tpu.scan <sum>, %exp3A_721 masked %reduce_sum3A_723 : vector<16xf32>, vector<16xi1> -> vector<16xf32>
        %reduce_sum3A_725 = vector.extract %reduce_sum3A_724[15] : f32 from vector<16xf32>
        %div3A_726 = vector.broadcast %reduce_sum3A_725 : f32 to vector<16xf32>
        %div3A_727 = arith.divf %exp3A_721, %div3A_726 : vector<16xf32>
        %swap3A_728 = arith.constant 96 : index
        %swap3A_729 = tpu.vector_load %arg18[%swap3A_728] {strides = array<i32>} : memref<192xf32, #tpu.memory_space<vmem>>, vector<16xf32>,
        tpu.vector_store %arg18[%swap3A_728], %div3A_727 {strides = array<i32>} : memref<192xf32, #tpu.memory_space<vmem>>, vector<16xf32>,
        %broadcast_in_dim3A_730 = arith.constant 7 : i32
        %broadcast_in_dim3A_731 = vector.broadcast %broadcast_in_dim3A_730 : i32 to vector<16xi32>
        %gather3A_732 = tpu.vector_load_idx %arg16[%broadcast_in_dim3A_731, %sub3A_568] : memref<16x512xf32, #tpu.memory_space<vmem>>[vector<16xi32>, vector<16xi32>], vector<16xf32>,
        %add3A_733 = arith.constant 448 : i32
        %add3A_734 = vector.broadcast %add3A_733 : i32 to vector<16xi32>
        %add3A_735 = arith.addi %add3A_734, %get3A_534 : vector<16xi32>
        %gather3A_736 = tpu.vector_load_idx %arg10[%broadcast_in_dim3A_535, %add3A_735] : memref<8x768xf32, #tpu.memory_space<vmem>>[vector<16xi32>, vector<16xi32>], vector<16xf32>,
        %add3A_737 = arith.addf %gather3A_732, %gather3A_736 : vector<16xf32>
        %reduce_max3A_738 = arith.constant true
        %reduce_max3A_739 = vector.broadcast %reduce_max3A_738 : i1 to vector<16xi1>
        %reduce_max3A_740 = tpu.scan <max>, %add3A_737 masked %reduce_max3A_739 : vector<16xf32>, vector<16xi1> -> vector<16xf32>
        %reduce_max3A_741 = vector.extract %reduce_max3A_740[15] : f32 from vector<16xf32>
        %sub3A_742 = vector.broadcast %reduce_max3A_741 : f32 to vector<16xf32>
        %sub3A_743 = arith.subf %add3A_737, %sub3A_742 : vector<16xf32>
        %exp3A_744 = math.exp %sub3A_743 : vector<16xf32>
        %reduce_sum3A_745 = arith.constant true
        %reduce_sum3A_746 = vector.broadcast %reduce_sum3A_745 : i1 to vector<16xi1>
        %reduce_sum3A_747 = tpu.scan <sum>, %exp3A_744 masked %reduce_sum3A_746 : vector<16xf32>, vector<16xi1> -> vector<16xf32>
        %reduce_sum3A_748 = vector.extract %reduce_sum3A_747[15] : f32 from vector<16xf32>
        %div3A_749 = vector.broadcast %reduce_sum3A_748 : f32 to vector<16xf32>
        %div3A_750 = arith.divf %exp3A_744, %div3A_749 : vector<16xf32>
        %swap3A_751 = arith.constant 112 : index
        %swap3A_752 = tpu.vector_load %arg18[%swap3A_751] {strides = array<i32>} : memref<192xf32, #tpu.memory_space<vmem>>, vector<16xf32>,
        tpu.vector_store %arg18[%swap3A_751], %div3A_750 {strides = array<i32>} : memref<192xf32, #tpu.memory_space<vmem>>, vector<16xf32>,
        %broadcast_in_dim3A_753 = arith.constant 8 : i32
        %broadcast_in_dim3A_754 = vector.broadcast %broadcast_in_dim3A_753 : i32 to vector<16xi32>
        %gather3A_755 = tpu.vector_load_idx %arg16[%broadcast_in_dim3A_754, %sub3A_568] : memref<16x512xf32, #tpu.memory_space<vmem>>[vector<16xi32>, vector<16xi32>], vector<16xf32>,
        %add3A_756 = arith.constant 512 : i32
        %add3A_757 = vector.broadcast %add3A_756 : i32 to vector<16xi32>
        %add3A_758 = arith.addi %add3A_757, %get3A_534 : vector<16xi32>
        %gather3A_759 = tpu.vector_load_idx %arg10[%broadcast_in_dim3A_535, %add3A_758] : memref<8x768xf32, #tpu.memory_space<vmem>>[vector<16xi32>, vector<16xi32>], vector<16xf32>,
        %add3A_760 = arith.addf %gather3A_755, %gather3A_759 : vector<16xf32>
        %reduce_max3A_761 = arith.constant true
        %reduce_max3A_762 = vector.broadcast %reduce_max3A_761 : i1 to vector<16xi1>
        %reduce_max3A_763 = tpu.scan <max>, %add3A_760 masked %reduce_max3A_762 : vector<16xf32>, vector<16xi1> -> vector<16xf32>
        %reduce_max3A_764 = vector.extract %reduce_max3A_763[15] : f32 from vector<16xf32>
        %sub3A_765 = vector.broadcast %reduce_max3A_764 : f32 to vector<16xf32>
        %sub3A_766 = arith.subf %add3A_760, %sub3A_765 : vector<16xf32>
        %exp3A_767 = math.exp %sub3A_766 : vector<16xf32>
        %reduce_sum3A_768 = arith.constant true
        %reduce_sum3A_769 = vector.broadcast %reduce_sum3A_768 : i1 to vector<16xi1>
        %reduce_sum3A_770 = tpu.scan <sum>, %exp3A_767 masked %reduce_sum3A_769 : vector<16xf32>, vector<16xi1> -> vector<16xf32>
        %reduce_sum3A_771 = vector.extract %reduce_sum3A_770[15] : f32 from vector<16xf32>
        %div3A_772 = vector.broadcast %reduce_sum3A_771 : f32 to vector<16xf32>
        %div3A_773 = arith.divf %exp3A_767, %div3A_772 : vector<16xf32>
        %swap3A_774 = arith.constant 128 : index
        %swap3A_775 = tpu.vector_load %arg18[%swap3A_774] {strides = array<i32>} : memref<192xf32, #tpu.memory_space<vmem>>, vector<16xf32>,
        tpu.vector_store %arg18[%swap3A_774], %div3A_773 {strides = array<i32>} : memref<192xf32, #tpu.memory_space<vmem>>, vector<16xf32>,
        %broadcast_in_dim3A_776 = arith.constant 9 : i32
        %broadcast_in_dim3A_777 = vector.broadcast %broadcast_in_dim3A_776 : i32 to vector<16xi32>
        %gather3A_778 = tpu.vector_load_idx %arg16[%broadcast_in_dim3A_777, %sub3A_568] : memref<16x512xf32, #tpu.memory_space<vmem>>[vector<16xi32>, vector<16xi32>], vector<16xf32>,
        %add3A_779 = arith.constant 576 : i32
        %add3A_780 = vector.broadcast %add3A_779 : i32 to vector<16xi32>
        %add3A_781 = arith.addi %add3A_780, %get3A_534 : vector<16xi32>
        %gather3A_782 = tpu.vector_load_idx %arg10[%broadcast_in_dim3A_535, %add3A_781] : memref<8x768xf32, #tpu.memory_space<vmem>>[vector<16xi32>, vector<16xi32>], vector<16xf32>,
        %add3A_783 = arith.addf %gather3A_778, %gather3A_782 : vector<16xf32>
        %reduce_max3A_784 = arith.constant true
        %reduce_max3A_785 = vector.broadcast %reduce_max3A_784 : i1 to vector<16xi1>
        %reduce_max3A_786 = tpu.scan <max>, %add3A_783 masked %reduce_max3A_785 : vector<16xf32>, vector<16xi1> -> vector<16xf32>
        %reduce_max3A_787 = vector.extract %reduce_max3A_786[15] : f32 from vector<16xf32>
        %sub3A_788 = vector.broadcast %reduce_max3A_787 : f32 to vector<16xf32>
        %sub3A_789 = arith.subf %add3A_783, %sub3A_788 : vector<16xf32>
        %exp3A_790 = math.exp %sub3A_789 : vector<16xf32>
        %reduce_sum3A_791 = arith.constant true
        %reduce_sum3A_792 = vector.broadcast %reduce_sum3A_791 : i1 to vector<16xi1>
        %reduce_sum3A_793 = tpu.scan <sum>, %exp3A_790 masked %reduce_sum3A_792 : vector<16xf32>, vector<16xi1> -> vector<16xf32>
        %reduce_sum3A_794 = vector.extract %reduce_sum3A_793[15] : f32 from vector<16xf32>
        %div3A_795 = vector.broadcast %reduce_sum3A_794 : f32 to vector<16xf32>
        %div3A_796 = arith.divf %exp3A_790, %div3A_795 : vector<16xf32>
        %swap3A_797 = arith.constant 144 : index
        %swap3A_798 = tpu.vector_load %arg18[%swap3A_797] {strides = array<i32>} : memref<192xf32, #tpu.memory_space<vmem>>, vector<16xf32>,
        tpu.vector_store %arg18[%swap3A_797], %div3A_796 {strides = array<i32>} : memref<192xf32, #tpu.memory_space<vmem>>, vector<16xf32>,
        %broadcast_in_dim3A_799 = arith.constant 10 : i32
        %broadcast_in_dim3A_800 = vector.broadcast %broadcast_in_dim3A_799 : i32 to vector<16xi32>
        %gather3A_801 = tpu.vector_load_idx %arg16[%broadcast_in_dim3A_800, %sub3A_568] : memref<16x512xf32, #tpu.memory_space<vmem>>[vector<16xi32>, vector<16xi32>], vector<16xf32>,
        %add3A_802 = arith.constant 640 : i32
        %add3A_803 = vector.broadcast %add3A_802 : i32 to vector<16xi32>
        %add3A_804 = arith.addi %add3A_803, %get3A_534 : vector<16xi32>
        %gather3A_805 = tpu.vector_load_idx %arg10[%broadcast_in_dim3A_535, %add3A_804] : memref<8x768xf32, #tpu.memory_space<vmem>>[vector<16xi32>, vector<16xi32>], vector<16xf32>,
        %add3A_806 = arith.addf %gather3A_801, %gather3A_805 : vector<16xf32>
        %reduce_max3A_807 = arith.constant true
        %reduce_max3A_808 = vector.broadcast %reduce_max3A_807 : i1 to vector<16xi1>
        %reduce_max3A_809 = tpu.scan <max>, %add3A_806 masked %reduce_max3A_808 : vector<16xf32>, vector<16xi1> -> vector<16xf32>
        %reduce_max3A_810 = vector.extract %reduce_max3A_809[15] : f32 from vector<16xf32>
        %sub3A_811 = vector.broadcast %reduce_max3A_810 : f32 to vector<16xf32>
        %sub3A_812 = arith.subf %add3A_806, %sub3A_811 : vector<16xf32>
        %exp3A_813 = math.exp %sub3A_812 : vector<16xf32>
        %reduce_sum3A_814 = arith.constant true
        %reduce_sum3A_815 = vector.broadcast %reduce_sum3A_814 : i1 to vector<16xi1>
        %reduce_sum3A_816 = tpu.scan <sum>, %exp3A_813 masked %reduce_sum3A_815 : vector<16xf32>, vector<16xi1> -> vector<16xf32>
        %reduce_sum3A_817 = vector.extract %reduce_sum3A_816[15] : f32 from vector<16xf32>
        %div3A_818 = vector.broadcast %reduce_sum3A_817 : f32 to vector<16xf32>
        %div3A_819 = arith.divf %exp3A_813, %div3A_818 : vector<16xf32>
        %swap3A_820 = arith.constant 160 : index
        %swap3A_821 = tpu.vector_load %arg18[%swap3A_820] {strides = array<i32>} : memref<192xf32, #tpu.memory_space<vmem>>, vector<16xf32>,
        tpu.vector_store %arg18[%swap3A_820], %div3A_819 {strides = array<i32>} : memref<192xf32, #tpu.memory_space<vmem>>, vector<16xf32>,
        %broadcast_in_dim3A_822 = arith.constant 11 : i32
        %broadcast_in_dim3A_823 = vector.broadcast %broadcast_in_dim3A_822 : i32 to vector<16xi32>
        %gather3A_824 = tpu.vector_load_idx %arg16[%broadcast_in_dim3A_823, %sub3A_568] : memref<16x512xf32, #tpu.memory_space<vmem>>[vector<16xi32>, vector<16xi32>], vector<16xf32>,
        %add3A_825 = arith.constant 704 : i32
        %add3A_826 = vector.broadcast %add3A_825 : i32 to vector<16xi32>
        %add3A_827 = arith.addi %add3A_826, %get3A_534 : vector<16xi32>
        %gather3A_828 = tpu.vector_load_idx %arg10[%broadcast_in_dim3A_535, %add3A_827] : memref<8x768xf32, #tpu.memory_space<vmem>>[vector<16xi32>, vector<16xi32>], vector<16xf32>,
        %add3A_829 = arith.addf %gather3A_824, %gather3A_828 : vector<16xf32>
        %reduce_max3A_830 = arith.constant true
        %reduce_max3A_831 = vector.broadcast %reduce_max3A_830 : i1 to vector<16xi1>
        %reduce_max3A_832 = tpu.scan <max>, %add3A_829 masked %reduce_max3A_831 : vector<16xf32>, vector<16xi1> -> vector<16xf32>
        %reduce_max3A_833 = vector.extract %reduce_max3A_832[15] : f32 from vector<16xf32>
        %sub3A_834 = vector.broadcast %reduce_max3A_833 : f32 to vector<16xf32>
        %sub3A_835 = arith.subf %add3A_829, %sub3A_834 : vector<16xf32>
        %exp3A_836 = math.exp %sub3A_835 : vector<16xf32>
        %reduce_sum3A_837 = arith.constant true
        %reduce_sum3A_838 = vector.broadcast %reduce_sum3A_837 : i1 to vector<16xi1>
        %reduce_sum3A_839 = tpu.scan <sum>, %exp3A_836 masked %reduce_sum3A_838 : vector<16xf32>, vector<16xi1> -> vector<16xf32>
        %reduce_sum3A_840 = vector.extract %reduce_sum3A_839[15] : f32 from vector<16xf32>
        %div3A_841 = vector.broadcast %reduce_sum3A_840 : f32 to vector<16xf32>
        %div3A_842 = arith.divf %exp3A_836, %div3A_841 : vector<16xf32>
        %swap3A_843 = arith.constant 176 : index
        %swap3A_844 = tpu.vector_load %arg18[%swap3A_843] {strides = array<i32>} : memref<192xf32, #tpu.memory_space<vmem>>, vector<16xf32>,
        tpu.vector_store %arg18[%swap3A_843], %div3A_842 {strides = array<i32>} : memref<192xf32, #tpu.memory_space<vmem>>, vector<16xf32>,
        %scan3A_845 = arith.constant 0 : i32
        %scan3A_846 = arith.constant 0 : i32
        %scan3A_847 = arith.constant 48 : i32
        %scan3A_848 = arith.addi %scan3A_846, %scan3A_847 : i32
        %scan3A_849 = arith.constant 1 : i32
        scf.for %scan3A_858 = %scan3A_846 to %scan3A_848 step %scan3A_849  : i32 {
          %mul3A_859 = arith.constant 16 : i32
          %mul3A_860 = arith.muli %scan3A_858, %mul3A_859 : i32
          %jit3A_861 = arith.constant 4 : i32
          %div3A_862 = arith.divsi %scan3A_858, %jit3A_861 : i32
          %sign3A_863 = arith.constant 0 : i32
          %sign3A_864 = arith.cmpi sgt, %scan3A_858, %sign3A_863 : i32
          %sign3A_865 = arith.extui %sign3A_864 : i1 to i32
          %sign3A_866 = arith.constant 0 : i32
          %sign3A_867 = arith.cmpi slt, %scan3A_858, %sign3A_866 : i32
          %sign3A_868 = arith.extui %sign3A_867 : i1 to i32
          %sign3A_869 = arith.subi %sign3A_865, %sign3A_868 : i32
          %sign3A_870 = arith.constant 0 : i32
          %sign3A_871 = arith.cmpi sgt, %jit3A_861, %sign3A_870 : i32
          %sign3A_872 = arith.extui %sign3A_871 : i1 to i32
          %sign3A_873 = arith.constant 0 : i32
          %sign3A_874 = arith.cmpi slt, %jit3A_861, %sign3A_873 : i32
          %sign3A_875 = arith.extui %sign3A_874 : i1 to i32
          %sign3A_876 = arith.subi %sign3A_872, %sign3A_875 : i32
          %ne3A_877 = arith.cmpi ne, %sign3A_869, %sign3A_876 : i32
          %rem3A_878 = arith.remsi %scan3A_858, %jit3A_861 : i32
          %ne3A_879 = arith.constant 0 : i32
          %ne3A_880 = arith.cmpi ne, %rem3A_878, %ne3A_879 : i32
          %and3A_881 = arith.andi %ne3A_877, %ne3A_880 : i1
          %sub3A_882 = arith.constant 1 : i32
          %sub3A_883 = arith.subi %div3A_862, %sub3A_882 : i32
          %select_n3A_884 = arith.select %and3A_881, %sub3A_883, %div3A_862 : i32
          %mul3A_885 = arith.constant 16 : i32
          %mul3A_886 = arith.muli %select_n3A_884, %mul3A_885 : i32
          %get3A_887 = arith.index_cast %mul3A_886 : i32 to index
          %get3A_888 = tpu.vector_load %arg18[%get3A_887] {strides = array<i32>} : memref<192xf32, #tpu.memory_space<vmem>>, vector<16xf32>,
          %broadcast_in_dim3A_889 = arith.constant 0.000000e+00 : f32
          %broadcast_in_dim3A_890 = vector.broadcast %broadcast_in_dim3A_889 : f32 to vector<16xf32>
          %get3A_891 = arith.constant 0 : i32
          %get3A_892 = arith.index_cast %get3A_891 : i32 to index
          %get3A_893 = arith.index_cast %mul3A_860 : i32 to index
          %get3A_894 = tpu.vector_load %arg17[%get3A_892, %get3A_893] {strides = array<i32>} : memref<16x768xf32, #tpu.memory_space<vmem>>, vector<16xf32>,
          %slice3A = vector.extract_strided_slice %get3A_534 {offsets = [0], sizes = [1], strides = [1]} : vector<16xi32> to vector<1xi32>
          %squeeze3A = vector.extract %slice3A[0] : i32 from vector<1xi32>
          %broadcast_in_dim3A_895 = vector.broadcast %squeeze3A : i32 to vector<16xi32>
          %add3A_896 = vector.broadcast %mul3A_860 : i32 to vector<16xi32>
          %add3A_897 = arith.addi %add3A_896, %iota3A : vector<16xi32>
          %gather3A_898 = tpu.vector_load_idx %arg9[%broadcast_in_dim3A_895, %add3A_897] : memref<64x768xf32, #tpu.memory_space<vmem>>[vector<16xi32>, vector<16xi32>], vector<16xf32>,
          %slice3A_899 = vector.extract_strided_slice %get3A_888 {offsets = [0], sizes = [1], strides = [1]} : vector<16xf32> to vector<1xf32>
          %squeeze3A_900 = vector.extract %slice3A_899[0] : f32 from vector<1xf32>
          %add3A_901 = arith.addf %get3A_894, %gather3A_898 : vector<16xf32>
          %mul3A_902 = vector.broadcast %squeeze3A_900 : f32 to vector<16xf32>
          %mul3A_903 = arith.mulf %mul3A_902, %add3A_901 : vector<16xf32>
          %add3A_904 = arith.addf %broadcast_in_dim3A_890, %mul3A_903 : vector<16xf32>
          %get3A_905 = arith.constant 1 : i32
          %get3A_906 = arith.index_cast %get3A_905 : i32 to index
          %get3A_907 = arith.index_cast %mul3A_860 : i32 to index
          %get3A_908 = tpu.vector_load %arg17[%get3A_906, %get3A_907] {strides = array<i32>} : memref<16x768xf32, #tpu.memory_space<vmem>>, vector<16xf32>,
          %slice3A_909 = vector.extract_strided_slice %get3A_534 {offsets = [1], sizes = [1], strides = [1]} : vector<16xi32> to vector<1xi32>
          %squeeze3A_910 = vector.extract %slice3A_909[0] : i32 from vector<1xi32>
          %broadcast_in_dim3A_911 = vector.broadcast %squeeze3A_910 : i32 to vector<16xi32>
          %add3A_912 = vector.broadcast %mul3A_860 : i32 to vector<16xi32>
          %add3A_913 = arith.addi %add3A_912, %iota3A : vector<16xi32>
          %gather3A_914 = tpu.vector_load_idx %arg9[%broadcast_in_dim3A_911, %add3A_913] : memref<64x768xf32, #tpu.memory_space<vmem>>[vector<16xi32>, vector<16xi32>], vector<16xf32>,
          %slice3A_915 = vector.extract_strided_slice %get3A_888 {offsets = [1], sizes = [1], strides = [1]} : vector<16xf32> to vector<1xf32>
          %squeeze3A_916 = vector.extract %slice3A_915[0] : f32 from vector<1xf32>
          %add3A_917 = arith.addf %get3A_908, %gather3A_914 : vector<16xf32>
          %mul3A_918 = vector.broadcast %squeeze3A_916 : f32 to vector<16xf32>
          %mul3A_919 = arith.mulf %mul3A_918, %add3A_917 : vector<16xf32>
          %add3A_920 = arith.addf %add3A_904, %mul3A_919 : vector<16xf32>
          %get3A_921 = arith.constant 2 : i32
          %get3A_922 = arith.index_cast %get3A_921 : i32 to index
          %get3A_923 = arith.index_cast %mul3A_860 : i32 to index
          %get3A_924 = tpu.vector_load %arg17[%get3A_922, %get3A_923] {strides = array<i32>} : memref<16x768xf32, #tpu.memory_space<vmem>>, vector<16xf32>,
          %slice3A_925 = vector.extract_strided_slice %get3A_534 {offsets = [2], sizes = [1], strides = [1]} : vector<16xi32> to vector<1xi32>
          %squeeze3A_926 = vector.extract %slice3A_925[0] : i32 from vector<1xi32>
          %broadcast_in_dim3A_927 = vector.broadcast %squeeze3A_926 : i32 to vector<16xi32>
          %add3A_928 = vector.broadcast %mul3A_860 : i32 to vector<16xi32>
          %add3A_929 = arith.addi %add3A_928, %iota3A : vector<16xi32>
          %gather3A_930 = tpu.vector_load_idx %arg9[%broadcast_in_dim3A_927, %add3A_929] : memref<64x768xf32, #tpu.memory_space<vmem>>[vector<16xi32>, vector<16xi32>], vector<16xf32>,
          %slice3A_931 = vector.extract_strided_slice %get3A_888 {offsets = [2], sizes = [1], strides = [1]} : vector<16xf32> to vector<1xf32>
          %squeeze3A_932 = vector.extract %slice3A_931[0] : f32 from vector<1xf32>
          %add3A_933 = arith.addf %get3A_924, %gather3A_930 : vector<16xf32>
          %mul3A_934 = vector.broadcast %squeeze3A_932 : f32 to vector<16xf32>
          %mul3A_935 = arith.mulf %mul3A_934, %add3A_933 : vector<16xf32>
          %add3A_936 = arith.addf %add3A_920, %mul3A_935 : vector<16xf32>
          %get3A_937 = arith.constant 3 : i32
          %get3A_938 = arith.index_cast %get3A_937 : i32 to index
          %get3A_939 = arith.index_cast %mul3A_860 : i32 to index
          %get3A_940 = tpu.vector_load %arg17[%get3A_938, %get3A_939] {strides = array<i32>} : memref<16x768xf32, #tpu.memory_space<vmem>>, vector<16xf32>,
          %slice3A_941 = vector.extract_strided_slice %get3A_534 {offsets = [3], sizes = [1], strides = [1]} : vector<16xi32> to vector<1xi32>
          %squeeze3A_942 = vector.extract %slice3A_941[0] : i32 from vector<1xi32>
          %broadcast_in_dim3A_943 = vector.broadcast %squeeze3A_942 : i32 to vector<16xi32>
          %add3A_944 = vector.broadcast %mul3A_860 : i32 to vector<16xi32>
          %add3A_945 = arith.addi %add3A_944, %iota3A : vector<16xi32>
          %gather3A_946 = tpu.vector_load_idx %arg9[%broadcast_in_dim3A_943, %add3A_945] : memref<64x768xf32, #tpu.memory_space<vmem>>[vector<16xi32>, vector<16xi32>], vector<16xf32>,
          %slice3A_947 = vector.extract_strided_slice %get3A_888 {offsets = [3], sizes = [1], strides = [1]} : vector<16xf32> to vector<1xf32>
          %squeeze3A_948 = vector.extract %slice3A_947[0] : f32 from vector<1xf32>
          %add3A_949 = arith.addf %get3A_940, %gather3A_946 : vector<16xf32>
          %mul3A_950 = vector.broadcast %squeeze3A_948 : f32 to vector<16xf32>
          %mul3A_951 = arith.mulf %mul3A_950, %add3A_949 : vector<16xf32>
          %add3A_952 = arith.addf %add3A_936, %mul3A_951 : vector<16xf32>
          %get3A_953 = arith.constant 4 : i32
          %get3A_954 = arith.index_cast %get3A_953 : i32 to index
          %get3A_955 = arith.index_cast %mul3A_860 : i32 to index
          %get3A_956 = tpu.vector_load %arg17[%get3A_954, %get3A_955] {strides = array<i32>} : memref<16x768xf32, #tpu.memory_space<vmem>>, vector<16xf32>,
          %slice3A_957 = vector.extract_strided_slice %get3A_534 {offsets = [4], sizes = [1], strides = [1]} : vector<16xi32> to vector<1xi32>
          %squeeze3A_958 = vector.extract %slice3A_957[0] : i32 from vector<1xi32>
          %broadcast_in_dim3A_959 = vector.broadcast %squeeze3A_958 : i32 to vector<16xi32>
          %add3A_960 = vector.broadcast %mul3A_860 : i32 to vector<16xi32>
          %add3A_961 = arith.addi %add3A_960, %iota3A : vector<16xi32>
          %gather3A_962 = tpu.vector_load_idx %arg9[%broadcast_in_dim3A_959, %add3A_961] : memref<64x768xf32, #tpu.memory_space<vmem>>[vector<16xi32>, vector<16xi32>], vector<16xf32>,
          %slice3A_963 = vector.extract_strided_slice %get3A_888 {offsets = [4], sizes = [1], strides = [1]} : vector<16xf32> to vector<1xf32>
          %squeeze3A_964 = vector.extract %slice3A_963[0] : f32 from vector<1xf32>
          %add3A_965 = arith.addf %get3A_956, %gather3A_962 : vector<16xf32>
          %mul3A_966 = vector.broadcast %squeeze3A_964 : f32 to vector<16xf32>
          %mul3A_967 = arith.mulf %mul3A_966, %add3A_965 : vector<16xf32>
          %add3A_968 = arith.addf %add3A_952, %mul3A_967 : vector<16xf32>
          %get3A_969 = arith.constant 5 : i32
          %get3A_970 = arith.index_cast %get3A_969 : i32 to index
          %get3A_971 = arith.index_cast %mul3A_860 : i32 to index
          %get3A_972 = tpu.vector_load %arg17[%get3A_970, %get3A_971] {strides = array<i32>} : memref<16x768xf32, #tpu.memory_space<vmem>>, vector<16xf32>,
          %slice3A_973 = vector.extract_strided_slice %get3A_534 {offsets = [5], sizes = [1], strides = [1]} : vector<16xi32> to vector<1xi32>
          %squeeze3A_974 = vector.extract %slice3A_973[0] : i32 from vector<1xi32>
          %broadcast_in_dim3A_975 = vector.broadcast %squeeze3A_974 : i32 to vector<16xi32>
          %add3A_976 = vector.broadcast %mul3A_860 : i32 to vector<16xi32>
          %add3A_977 = arith.addi %add3A_976, %iota3A : vector<16xi32>
          %gather3A_978 = tpu.vector_load_idx %arg9[%broadcast_in_dim3A_975, %add3A_977] : memref<64x768xf32, #tpu.memory_space<vmem>>[vector<16xi32>, vector<16xi32>], vector<16xf32>,
          %slice3A_979 = vector.extract_strided_slice %get3A_888 {offsets = [5], sizes = [1], strides = [1]} : vector<16xf32> to vector<1xf32>
          %squeeze3A_980 = vector.extract %slice3A_979[0] : f32 from vector<1xf32>
          %add3A_981 = arith.addf %get3A_972, %gather3A_978 : vector<16xf32>
          %mul3A_982 = vector.broadcast %squeeze3A_980 : f32 to vector<16xf32>
          %mul3A_983 = arith.mulf %mul3A_982, %add3A_981 : vector<16xf32>
          %add3A_984 = arith.addf %add3A_968, %mul3A_983 : vector<16xf32>
          %get3A_985 = arith.constant 6 : i32
          %get3A_986 = arith.index_cast %get3A_985 : i32 to index
          %get3A_987 = arith.index_cast %mul3A_860 : i32 to index
          %get3A_988 = tpu.vector_load %arg17[%get3A_986, %get3A_987] {strides = array<i32>} : memref<16x768xf32, #tpu.memory_space<vmem>>, vector<16xf32>,
          %slice3A_989 = vector.extract_strided_slice %get3A_534 {offsets = [6], sizes = [1], strides = [1]} : vector<16xi32> to vector<1xi32>
          %squeeze3A_990 = vector.extract %slice3A_989[0] : i32 from vector<1xi32>
          %broadcast_in_dim3A_991 = vector.broadcast %squeeze3A_990 : i32 to vector<16xi32>
          %add3A_992 = vector.broadcast %mul3A_860 : i32 to vector<16xi32>
          %add3A_993 = arith.addi %add3A_992, %iota3A : vector<16xi32>
          %gather3A_994 = tpu.vector_load_idx %arg9[%broadcast_in_dim3A_991, %add3A_993] : memref<64x768xf32, #tpu.memory_space<vmem>>[vector<16xi32>, vector<16xi32>], vector<16xf32>,
          %slice3A_995 = vector.extract_strided_slice %get3A_888 {offsets = [6], sizes = [1], strides = [1]} : vector<16xf32> to vector<1xf32>
          %squeeze3A_996 = vector.extract %slice3A_995[0] : f32 from vector<1xf32>
          %add3A_997 = arith.addf %get3A_988, %gather3A_994 : vector<16xf32>
          %mul3A_998 = vector.broadcast %squeeze3A_996 : f32 to vector<16xf32>
          %mul3A_999 = arith.mulf %mul3A_998, %add3A_997 : vector<16xf32>
          %add3A_1000 = arith.addf %add3A_984, %mul3A_999 : vector<16xf32>
          %get3A_1001 = arith.constant 7 : i32
          %get3A_1002 = arith.index_cast %get3A_1001 : i32 to index
          %get3A_1003 = arith.index_cast %mul3A_860 : i32 to index
          %get3A_1004 = tpu.vector_load %arg17[%get3A_1002, %get3A_1003] {strides = array<i32>} : memref<16x768xf32, #tpu.memory_space<vmem>>, vector<16xf32>,
          %slice3A_1005 = vector.extract_strided_slice %get3A_534 {offsets = [7], sizes = [1], strides = [1]} : vector<16xi32> to vector<1xi32>
          %squeeze3A_1006 = vector.extract %slice3A_1005[0] : i32 from vector<1xi32>
          %broadcast_in_dim3A_1007 = vector.broadcast %squeeze3A_1006 : i32 to vector<16xi32>
          %add3A_1008 = vector.broadcast %mul3A_860 : i32 to vector<16xi32>
          %add3A_1009 = arith.addi %add3A_1008, %iota3A : vector<16xi32>
          %gather3A_1010 = tpu.vector_load_idx %arg9[%broadcast_in_dim3A_1007, %add3A_1009] : memref<64x768xf32, #tpu.memory_space<vmem>>[vector<16xi32>, vector<16xi32>], vector<16xf32>,
          %slice3A_1011 = vector.extract_strided_slice %get3A_888 {offsets = [7], sizes = [1], strides = [1]} : vector<16xf32> to vector<1xf32>
          %squeeze3A_1012 = vector.extract %slice3A_1011[0] : f32 from vector<1xf32>
          %add3A_1013 = arith.addf %get3A_1004, %gather3A_1010 : vector<16xf32>
          %mul3A_1014 = vector.broadcast %squeeze3A_1012 : f32 to vector<16xf32>
          %mul3A_1015 = arith.mulf %mul3A_1014, %add3A_1013 : vector<16xf32>
          %add3A_1016 = arith.addf %add3A_1000, %mul3A_1015 : vector<16xf32>
          %get3A_1017 = arith.constant 8 : i32
          %get3A_1018 = arith.index_cast %get3A_1017 : i32 to index
          %get3A_1019 = arith.index_cast %mul3A_860 : i32 to index
          %get3A_1020 = tpu.vector_load %arg17[%get3A_1018, %get3A_1019] {strides = array<i32>} : memref<16x768xf32, #tpu.memory_space<vmem>>, vector<16xf32>,
          %slice3A_1021 = vector.extract_strided_slice %get3A_534 {offsets = [8], sizes = [1], strides = [1]} : vector<16xi32> to vector<1xi32>
          %squeeze3A_1022 = vector.extract %slice3A_1021[0] : i32 from vector<1xi32>
          %broadcast_in_dim3A_1023 = vector.broadcast %squeeze3A_1022 : i32 to vector<16xi32>
          %add3A_1024 = vector.broadcast %mul3A_860 : i32 to vector<16xi32>
          %add3A_1025 = arith.addi %add3A_1024, %iota3A : vector<16xi32>
          %gather3A_1026 = tpu.vector_load_idx %arg9[%broadcast_in_dim3A_1023, %add3A_1025] : memref<64x768xf32, #tpu.memory_space<vmem>>[vector<16xi32>, vector<16xi32>], vector<16xf32>,
          %slice3A_1027 = vector.extract_strided_slice %get3A_888 {offsets = [8], sizes = [1], strides = [1]} : vector<16xf32> to vector<1xf32>
          %squeeze3A_1028 = vector.extract %slice3A_1027[0] : f32 from vector<1xf32>
          %add3A_1029 = arith.addf %get3A_1020, %gather3A_1026 : vector<16xf32>
          %mul3A_1030 = vector.broadcast %squeeze3A_1028 : f32 to vector<16xf32>
          %mul3A_1031 = arith.mulf %mul3A_1030, %add3A_1029 : vector<16xf32>
          %add3A_1032 = arith.addf %add3A_1016, %mul3A_1031 : vector<16xf32>
          %get3A_1033 = arith.constant 9 : i32
          %get3A_1034 = arith.index_cast %get3A_1033 : i32 to index
          %get3A_1035 = arith.index_cast %mul3A_860 : i32 to index
          %get3A_1036 = tpu.vector_load %arg17[%get3A_1034, %get3A_1035] {strides = array<i32>} : memref<16x768xf32, #tpu.memory_space<vmem>>, vector<16xf32>,
          %slice3A_1037 = vector.extract_strided_slice %get3A_534 {offsets = [9], sizes = [1], strides = [1]} : vector<16xi32> to vector<1xi32>
          %squeeze3A_1038 = vector.extract %slice3A_1037[0] : i32 from vector<1xi32>
          %broadcast_in_dim3A_1039 = vector.broadcast %squeeze3A_1038 : i32 to vector<16xi32>
          %add3A_1040 = vector.broadcast %mul3A_860 : i32 to vector<16xi32>
          %add3A_1041 = arith.addi %add3A_1040, %iota3A : vector<16xi32>
          %gather3A_1042 = tpu.vector_load_idx %arg9[%broadcast_in_dim3A_1039, %add3A_1041] : memref<64x768xf32, #tpu.memory_space<vmem>>[vector<16xi32>, vector<16xi32>], vector<16xf32>,
          %slice3A_1043 = vector.extract_strided_slice %get3A_888 {offsets = [9], sizes = [1], strides = [1]} : vector<16xf32> to vector<1xf32>
          %squeeze3A_1044 = vector.extract %slice3A_1043[0] : f32 from vector<1xf32>
          %add3A_1045 = arith.addf %get3A_1036, %gather3A_1042 : vector<16xf32>
          %mul3A_1046 = vector.broadcast %squeeze3A_1044 : f32 to vector<16xf32>
          %mul3A_1047 = arith.mulf %mul3A_1046, %add3A_1045 : vector<16xf32>
          %add3A_1048 = arith.addf %add3A_1032, %mul3A_1047 : vector<16xf32>
          %get3A_1049 = arith.constant 10 : i32
          %get3A_1050 = arith.index_cast %get3A_1049 : i32 to index
          %get3A_1051 = arith.index_cast %mul3A_860 : i32 to index
          %get3A_1052 = tpu.vector_load %arg17[%get3A_1050, %get3A_1051] {strides = array<i32>} : memref<16x768xf32, #tpu.memory_space<vmem>>, vector<16xf32>,
          %slice3A_1053 = vector.extract_strided_slice %get3A_534 {offsets = [10], sizes = [1], strides = [1]} : vector<16xi32> to vector<1xi32>
          %squeeze3A_1054 = vector.extract %slice3A_1053[0] : i32 from vector<1xi32>
          %broadcast_in_dim3A_1055 = vector.broadcast %squeeze3A_1054 : i32 to vector<16xi32>
          %add3A_1056 = vector.broadcast %mul3A_860 : i32 to vector<16xi32>
          %add3A_1057 = arith.addi %add3A_1056, %iota3A : vector<16xi32>
          %gather3A_1058 = tpu.vector_load_idx %arg9[%broadcast_in_dim3A_1055, %add3A_1057] : memref<64x768xf32, #tpu.memory_space<vmem>>[vector<16xi32>, vector<16xi32>], vector<16xf32>,
          %slice3A_1059 = vector.extract_strided_slice %get3A_888 {offsets = [10], sizes = [1], strides = [1]} : vector<16xf32> to vector<1xf32>
          %squeeze3A_1060 = vector.extract %slice3A_1059[0] : f32 from vector<1xf32>
          %add3A_1061 = arith.addf %get3A_1052, %gather3A_1058 : vector<16xf32>
          %mul3A_1062 = vector.broadcast %squeeze3A_1060 : f32 to vector<16xf32>
          %mul3A_1063 = arith.mulf %mul3A_1062, %add3A_1061 : vector<16xf32>
          %add3A_1064 = arith.addf %add3A_1048, %mul3A_1063 : vector<16xf32>
          %get3A_1065 = arith.constant 11 : i32
          %get3A_1066 = arith.index_cast %get3A_1065 : i32 to index
          %get3A_1067 = arith.index_cast %mul3A_860 : i32 to index
          %get3A_1068 = tpu.vector_load %arg17[%get3A_1066, %get3A_1067] {strides = array<i32>} : memref<16x768xf32, #tpu.memory_space<vmem>>, vector<16xf32>,
          %slice3A_1069 = vector.extract_strided_slice %get3A_534 {offsets = [11], sizes = [1], strides = [1]} : vector<16xi32> to vector<1xi32>
          %squeeze3A_1070 = vector.extract %slice3A_1069[0] : i32 from vector<1xi32>
          %broadcast_in_dim3A_1071 = vector.broadcast %squeeze3A_1070 : i32 to vector<16xi32>
          %add3A_1072 = vector.broadcast %mul3A_860 : i32 to vector<16xi32>
          %add3A_1073 = arith.addi %add3A_1072, %iota3A : vector<16xi32>
          %gather3A_1074 = tpu.vector_load_idx %arg9[%broadcast_in_dim3A_1071, %add3A_1073] : memref<64x768xf32, #tpu.memory_space<vmem>>[vector<16xi32>, vector<16xi32>], vector<16xf32>,
          %slice3A_1075 = vector.extract_strided_slice %get3A_888 {offsets = [11], sizes = [1], strides = [1]} : vector<16xf32> to vector<1xf32>
          %squeeze3A_1076 = vector.extract %slice3A_1075[0] : f32 from vector<1xf32>
          %add3A_1077 = arith.addf %get3A_1068, %gather3A_1074 : vector<16xf32>
          %mul3A_1078 = vector.broadcast %squeeze3A_1076 : f32 to vector<16xf32>
          %mul3A_1079 = arith.mulf %mul3A_1078, %add3A_1077 : vector<16xf32>
          %add3A_1080 = arith.addf %add3A_1064, %mul3A_1079 : vector<16xf32>
          %get3A_1081 = arith.constant 12 : i32
          %get3A_1082 = arith.index_cast %get3A_1081 : i32 to index
          %get3A_1083 = arith.index_cast %mul3A_860 : i32 to index
          %get3A_1084 = tpu.vector_load %arg17[%get3A_1082, %get3A_1083] {strides = array<i32>} : memref<16x768xf32, #tpu.memory_space<vmem>>, vector<16xf32>,
          %slice3A_1085 = vector.extract_strided_slice %get3A_534 {offsets = [12], sizes = [1], strides = [1]} : vector<16xi32> to vector<1xi32>
          %squeeze3A_1086 = vector.extract %slice3A_1085[0] : i32 from vector<1xi32>
          %broadcast_in_dim3A_1087 = vector.broadcast %squeeze3A_1086 : i32 to vector<16xi32>
          %add3A_1088 = vector.broadcast %mul3A_860 : i32 to vector<16xi32>
          %add3A_1089 = arith.addi %add3A_1088, %iota3A : vector<16xi32>
          %gather3A_1090 = tpu.vector_load_idx %arg9[%broadcast_in_dim3A_1087, %add3A_1089] : memref<64x768xf32, #tpu.memory_space<vmem>>[vector<16xi32>, vector<16xi32>], vector<16xf32>,
          %slice3A_1091 = vector.extract_strided_slice %get3A_888 {offsets = [12], sizes = [1], strides = [1]} : vector<16xf32> to vector<1xf32>
          %squeeze3A_1092 = vector.extract %slice3A_1091[0] : f32 from vector<1xf32>
          %add3A_1093 = arith.addf %get3A_1084, %gather3A_1090 : vector<16xf32>
          %mul3A_1094 = vector.broadcast %squeeze3A_1092 : f32 to vector<16xf32>
          %mul3A_1095 = arith.mulf %mul3A_1094, %add3A_1093 : vector<16xf32>
          %add3A_1096 = arith.addf %add3A_1080, %mul3A_1095 : vector<16xf32>
          %get3A_1097 = arith.constant 13 : i32
          %get3A_1098 = arith.index_cast %get3A_1097 : i32 to index
          %get3A_1099 = arith.index_cast %mul3A_860 : i32 to index
          %get3A_1100 = tpu.vector_load %arg17[%get3A_1098, %get3A_1099] {strides = array<i32>} : memref<16x768xf32, #tpu.memory_space<vmem>>, vector<16xf32>,
          %slice3A_1101 = vector.extract_strided_slice %get3A_534 {offsets = [13], sizes = [1], strides = [1]} : vector<16xi32> to vector<1xi32>
          %squeeze3A_1102 = vector.extract %slice3A_1101[0] : i32 from vector<1xi32>
          %broadcast_in_dim3A_1103 = vector.broadcast %squeeze3A_1102 : i32 to vector<16xi32>
          %add3A_1104 = vector.broadcast %mul3A_860 : i32 to vector<16xi32>
          %add3A_1105 = arith.addi %add3A_1104, %iota3A : vector<16xi32>
          %gather3A_1106 = tpu.vector_load_idx %arg9[%broadcast_in_dim3A_1103, %add3A_1105] : memref<64x768xf32, #tpu.memory_space<vmem>>[vector<16xi32>, vector<16xi32>], vector<16xf32>,
          %slice3A_1107 = vector.extract_strided_slice %get3A_888 {offsets = [13], sizes = [1], strides = [1]} : vector<16xf32> to vector<1xf32>
          %squeeze3A_1108 = vector.extract %slice3A_1107[0] : f32 from vector<1xf32>
          %add3A_1109 = arith.addf %get3A_1100, %gather3A_1106 : vector<16xf32>
          %mul3A_1110 = vector.broadcast %squeeze3A_1108 : f32 to vector<16xf32>
          %mul3A_1111 = arith.mulf %mul3A_1110, %add3A_1109 : vector<16xf32>
          %add3A_1112 = arith.addf %add3A_1096, %mul3A_1111 : vector<16xf32>
          %get3A_1113 = arith.constant 14 : i32
          %get3A_1114 = arith.index_cast %get3A_1113 : i32 to index
          %get3A_1115 = arith.index_cast %mul3A_860 : i32 to index
          %get3A_1116 = tpu.vector_load %arg17[%get3A_1114, %get3A_1115] {strides = array<i32>} : memref<16x768xf32, #tpu.memory_space<vmem>>, vector<16xf32>,
          %slice3A_1117 = vector.extract_strided_slice %get3A_534 {offsets = [14], sizes = [1], strides = [1]} : vector<16xi32> to vector<1xi32>
          %squeeze3A_1118 = vector.extract %slice3A_1117[0] : i32 from vector<1xi32>
          %broadcast_in_dim3A_1119 = vector.broadcast %squeeze3A_1118 : i32 to vector<16xi32>
          %add3A_1120 = vector.broadcast %mul3A_860 : i32 to vector<16xi32>
          %add3A_1121 = arith.addi %add3A_1120, %iota3A : vector<16xi32>
          %gather3A_1122 = tpu.vector_load_idx %arg9[%broadcast_in_dim3A_1119, %add3A_1121] : memref<64x768xf32, #tpu.memory_space<vmem>>[vector<16xi32>, vector<16xi32>], vector<16xf32>,
          %slice3A_1123 = vector.extract_strided_slice %get3A_888 {offsets = [14], sizes = [1], strides = [1]} : vector<16xf32> to vector<1xf32>
          %squeeze3A_1124 = vector.extract %slice3A_1123[0] : f32 from vector<1xf32>
          %add3A_1125 = arith.addf %get3A_1116, %gather3A_1122 : vector<16xf32>
          %mul3A_1126 = vector.broadcast %squeeze3A_1124 : f32 to vector<16xf32>
          %mul3A_1127 = arith.mulf %mul3A_1126, %add3A_1125 : vector<16xf32>
          %add3A_1128 = arith.addf %add3A_1112, %mul3A_1127 : vector<16xf32>
          %get3A_1129 = arith.constant 15 : i32
          %get3A_1130 = arith.index_cast %get3A_1129 : i32 to index
          %get3A_1131 = arith.index_cast %mul3A_860 : i32 to index
          %get3A_1132 = tpu.vector_load %arg17[%get3A_1130, %get3A_1131] {strides = array<i32>} : memref<16x768xf32, #tpu.memory_space<vmem>>, vector<16xf32>,
          %slice3A_1133 = vector.extract_strided_slice %get3A_534 {offsets = [15], sizes = [1], strides = [1]} : vector<16xi32> to vector<1xi32>
          %squeeze3A_1134 = vector.extract %slice3A_1133[0] : i32 from vector<1xi32>
          %broadcast_in_dim3A_1135 = vector.broadcast %squeeze3A_1134 : i32 to vector<16xi32>
          %add3A_1136 = vector.broadcast %mul3A_860 : i32 to vector<16xi32>
          %add3A_1137 = arith.addi %add3A_1136, %iota3A : vector<16xi32>
          %gather3A_1138 = tpu.vector_load_idx %arg9[%broadcast_in_dim3A_1135, %add3A_1137] : memref<64x768xf32, #tpu.memory_space<vmem>>[vector<16xi32>, vector<16xi32>], vector<16xf32>,
          %slice3A_1139 = vector.extract_strided_slice %get3A_888 {offsets = [15], sizes = [1], strides = [1]} : vector<16xf32> to vector<1xf32>
          %squeeze3A_1140 = vector.extract %slice3A_1139[0] : f32 from vector<1xf32>
          %add3A_1141 = arith.addf %get3A_1132, %gather3A_1138 : vector<16xf32>
          %mul3A_1142 = vector.broadcast %squeeze3A_1140 : f32 to vector<16xf32>
          %mul3A_1143 = arith.mulf %mul3A_1142, %add3A_1141 : vector<16xf32>
          %add3A_1144 = arith.addf %add3A_1128, %mul3A_1143 : vector<16xf32>
          %mul3A_1145 = arith.constant 768 : i32
          %mul3A_1146 = arith.muli %add3A_481, %mul3A_1145 : i32
          %add3A_1147 = arith.addi %mul3A_1146, %mul3A_860 : i32
          %swap3A_1148 = arith.index_cast %add3A_1147 : i32 to index
          %swap3A_1149 = tpu.vector_load %arg11[%swap3A_1148] {strides = array<i32>} : memref<6144xf32, #tpu.memory_space<vmem>>, vector<16xf32>,
          tpu.vector_store %arg11[%swap3A_1148], %add3A_1144 {strides = array<i32>} : memref<6144xf32, #tpu.memory_space<vmem>>, vector<16xf32>,
        }
        %scan3A_850 = arith.constant 48 : i32
        %add3A_851 = arith.constant 2 : i32
        %add3A_852 = arith.addi %add3A_484, %add3A_851 : i32
        %lt3A_853 = arith.constant 64 : i32
        %lt3A_854 = arith.cmpi slt, %add3A_852, %lt3A_853 : i32
        %convert_element_type3A_855 = arith.extui %lt3A_854 : i1 to i32
        %cond3A_856 = arith.constant 0 : i32
        %cond3A_857 = arith.cmpi ne, %convert_element_type3A_855, %cond3A_856 : i32
        scf.if %cond3A_857 {
          %mul3A_858 = arith.constant 16 : i32
          %mul3A_859 = arith.muli %add3A_852, %mul3A_858 : i32
          %get3A_860 = arith.index_cast %mul3A_859 : i32 to index
          %get3A_861 = tpu.vector_load %arg12[%get3A_860] {strides = array<i32>} : memref<1024xi32, #tpu.memory_space<vmem>>, vector<16xi32>,
          %add3A_862 = arith.addi %mul3A_2, %add3A_852 : i32
          %jit3A_863 = arith.constant 512 : i32
          %div3A_864 = arith.divsi %add3A_862, %jit3A_863 : i32
          %sign3A_865 = arith.constant 0 : i32
          %sign3A_866 = arith.cmpi sgt, %add3A_862, %sign3A_865 : i32
          %sign3A_867 = arith.extui %sign3A_866 : i1 to i32
          %sign3A_868 = arith.constant 0 : i32
          %sign3A_869 = arith.cmpi slt, %add3A_862, %sign3A_868 : i32
          %sign3A_870 = arith.extui %sign3A_869 : i1 to i32
          %sign3A_871 = arith.subi %sign3A_867, %sign3A_870 : i32
          %sign3A_872 = arith.constant 0 : i32
          %sign3A_873 = arith.cmpi sgt, %jit3A_863, %sign3A_872 : i32
          %sign3A_874 = arith.extui %sign3A_873 : i1 to i32
          %sign3A_875 = arith.constant 0 : i32
          %sign3A_876 = arith.cmpi slt, %jit3A_863, %sign3A_875 : i32
          %sign3A_877 = arith.extui %sign3A_876 : i1 to i32
          %sign3A_878 = arith.subi %sign3A_874, %sign3A_877 : i32
          %ne3A_879 = arith.cmpi ne, %sign3A_871, %sign3A_878 : i32
          %rem3A_880 = arith.remsi %add3A_862, %jit3A_863 : i32
          %ne3A_881 = arith.constant 0 : i32
          %ne3A_882 = arith.cmpi ne, %rem3A_880, %ne3A_881 : i32
          %and3A_883 = arith.andi %ne3A_879, %ne3A_882 : i1
          %sub3A_884 = arith.constant 1 : i32
          %sub3A_885 = arith.subi %div3A_864, %sub3A_884 : i32
          %select_n3A_886 = arith.select %and3A_883, %sub3A_885, %div3A_864 : i32
          %mul3A_887 = arith.constant 512 : i32
          %mul3A_888 = arith.muli %select_n3A_886, %mul3A_887 : i32
          %sub3A_889 = arith.subi %add3A_862, %mul3A_888 : i32
          %mul3A_890 = arith.constant 6144 : i32
          %mul3A_891 = arith.muli %select_n3A_886, %mul3A_890 : i32
          %add3A_892 = arith.addi %mul3A_891, %sub3A_889 : i32
          %mul3A_893 = arith.constant 512 : i32
          %mul3A_894 = vector.broadcast %mul3A_893 : i32 to vector<16xi32>
          %mul3A_895 = arith.muli %mul3A_894, %rem3A : vector<16xi32>
          %add3A_896 = vector.broadcast %add3A_892 : i32 to vector<16xi32>
          %add3A_897 = arith.addi %add3A_896, %mul3A_895 : vector<16xi32>
          %dma_start3A_898 = arith.constant 0 : i32
          %dma_start3A_899 = arith.constant 0 : i32
          %dma_start3A_900 = tpu.memref_slice %arg4[%dma_start3A_898, %dma_start3A_899] : memref<24576x512xf32, #tpu.memory_space<hbm>> -> memref<24576x512xf32, #tpu.memory_space<hbm>>
          tpu.enqueue_indirect_dma source(%dma_start3A_900 : memref<24576x512xf32, #tpu.memory_space<hbm>>) target(%arg16 : memref<16x512xf32, #tpu.memory_space<vmem>>) offsets(%add3A_897 : vector<16xi32>) semaphore(%arg21 : memref<!tpu.dma_semaphore, #tpu.memory_space<semaphore_mem>>)
          %dma_start3A_901 = arith.constant 0 : i32
          %dma_start3A_902 = arith.constant 0 : i32
          %dma_start3A_903 = tpu.memref_slice %arg3[%dma_start3A_901, %dma_start3A_902] : memref<2048x768xf32, #tpu.memory_space<hbm>> -> memref<2048x768xf32, #tpu.memory_space<hbm>>
          tpu.enqueue_indirect_dma source(%dma_start3A_903 : memref<2048x768xf32, #tpu.memory_space<hbm>>) target(%arg17 : memref<16x768xf32, #tpu.memory_space<vmem>>) offsets(%get3A_861 : vector<16xi32>) semaphore(%arg22 : memref<!tpu.dma_semaphore, #tpu.memory_space<semaphore_mem>>)
        } else {
        }
      }
      %scan3A_103 = arith.constant 4 : i32
      %mul3A_104 = arith.constant 768 : i32
      %mul3A_105 = arith.muli %add3A_97, %mul3A_104 : i32
      "tpu.region"() ({
        %run_scoped3A = tpu.sem_alloc : memref<!tpu.dma_semaphore, #tpu.memory_space<semaphore_mem>>
        %dma_start3A_106 = tpu.memref_slice %arg8[%mul3A_105] : memref<1572864xf32, #tpu.memory_space<hbm>> -> memref<6144xf32, #tpu.memory_space<hbm>>
        %dma_start3A_107 = tpu.memref_slice %arg8[%mul3A_105] : memref<1572864xf32, #tpu.memory_space<hbm>> -> memref<6144xf32, #tpu.memory_space<hbm>>
        tpu.enqueue_dma source(%arg11 : memref<6144xf32, #tpu.memory_space<vmem>>) target(%dma_start3A_107 : memref<6144xf32, #tpu.memory_space<hbm>>) target_semaphore(%run_scoped3A : memref<!tpu.dma_semaphore, #tpu.memory_space<semaphore_mem>>)
        %dma_wait3A = tpu.memref_slice %arg8[%mul3A_105] : memref<1572864xf32, #tpu.memory_space<hbm>> -> memref<6144xf32, #tpu.memory_space<hbm>>
        %dma_wait3A_108 = tpu.memref_slice %arg8[%mul3A_105] : memref<1572864xf32, #tpu.memory_space<hbm>> -> memref<6144xf32, #tpu.memory_space<hbm>>
        tpu.wait_dma2 semaphore(%run_scoped3A : memref<!tpu.dma_semaphore, #tpu.memory_space<semaphore_mem>>) src(%arg11 : memref<6144xf32, #tpu.memory_space<vmem>>) dst(%dma_wait3A_108 : memref<6144xf32, #tpu.memory_space<hbm>>)
        tpu.yield
      }) : () -> ()
    }
    %scan3A_93 = arith.constant 8 : i32
    return
  }
}

module attributes {stable_mosaic.version = 14 : i64} {
  func.func @_tc_proj_body(%arg0: i32, %arg1: memref<256x768xf32, #tpu.memory_space<vmem>>, %arg2: memref<768x768xf32, #tpu.memory_space<vmem>>, %arg3: memref<768x768xf32, #tpu.memory_space<vmem>>, %arg4: memref<768x768xf32, #tpu.memory_space<vmem>>, %arg5: memref<3x768xf32, #tpu.memory_space<vmem>>, %arg6: memref<768x768xf32, #tpu.memory_space<vmem>>, %arg7: memref<256x768xf32, #tpu.memory_space<vmem>>, %arg8: memref<256x768xf32, #tpu.memory_space<vmem>>, %arg9: memref<256x768xf32, #tpu.memory_space<vmem>>, %arg10: memref<256x768xf32, #tpu.memory_space<vmem>>) attributes {dimension_semantics = [#tpu.dimension_semantics<arbitrary>], iteration_bounds = array<i64: 8>, scalar_prefetch = 0 : i64, scratch_operands = 0 : i64, tpu.core_type = #tpu.core_type<tc>, window_params = [{transform_indices = @transform_0, window_bounds = array<i64: 256, 768>}, {pipeline_mode = #tpu.pipeline_mode<synchronous>, transform_indices = @transform_1, window_bounds = array<i64: 768, 768>}, {pipeline_mode = #tpu.pipeline_mode<synchronous>, transform_indices = @transform_2, window_bounds = array<i64: 768, 768>}, {pipeline_mode = #tpu.pipeline_mode<synchronous>, transform_indices = @transform_3, window_bounds = array<i64: 768, 768>}, {pipeline_mode = #tpu.pipeline_mode<synchronous>, transform_indices = @transform_4, window_bounds = array<i64: 3, 768>}, {pipeline_mode = #tpu.pipeline_mode<synchronous>, transform_indices = @transform_5, window_bounds = array<i64: 768, 768>}, {transform_indices = @transform_6, window_bounds = array<i64: 256, 768>}, {transform_indices = @transform_7, window_bounds = array<i64: 256, 768>}, {transform_indices = @transform_8, window_bounds = array<i64: 256, 768>}, {transform_indices = @transform_9, window_bounds = array<i64: 256, 768>}]} {
    %get3A = arith.constant 0 : index
    %get3A_0 = arith.constant 0 : index
    %get3A_1 = vector.load %arg1[%get3A, %get3A_0] : memref<256x768xf32, #tpu.memory_space<vmem>>, vector<256x768xf32>
    %get3A_2 = arith.constant 0 : index
    %get3A_3 = arith.constant 0 : index
    %get3A_4 = vector.load %arg2[%get3A_2, %get3A_3] : memref<768x768xf32, #tpu.memory_space<vmem>>, vector<768x768xf32>
    %dot_general3A = arith.constant dense<0.000000e+00> : vector<256x768xf32>
    %dot_general3A_5 = tpu.matmul %get3A_1, %get3A_4, %dot_general3A {dimension_numbers = #tpu.dot_dimension_numbers<[1], [0], [0], [1], [0, 0, 1, 1], [], []>, transpose_lhs_hint = false} : vector<256x768xf32>, vector<768x768xf32>, vector<256x768xf32> -> vector<256x768xf32>
    %get3A_6 = arith.constant 0 : index
    %get3A_7 = arith.constant 0 : index
    %get3A_8 = vector.load %arg5[%get3A_6, %get3A_7] : memref<3x768xf32, #tpu.memory_space<vmem>>, vector<1x768xf32>
    %add3A = vector.broadcast %get3A_8 : vector<1x768xf32> to vector<256x768xf32>
    %add3A_9 = arith.addf %dot_general3A_5, %add3A : vector<256x768xf32>
    %mul3A = arith.constant 1.250000e-01 : f32
    %mul3A_10 = vector.broadcast %mul3A : f32 to vector<256x768xf32>
    %mul3A_11 = arith.mulf %add3A_9, %mul3A_10 : vector<256x768xf32>
    %swap3A = arith.constant 0 : index
    %swap3A_12 = arith.constant 0 : index
    %swap3A_13 = vector.load %arg7[%swap3A, %swap3A_12] : memref<256x768xf32, #tpu.memory_space<vmem>>, vector<256x768xf32>
    tpu.vector_store %arg7[%swap3A, %swap3A_12], %mul3A_11 {strides = array<i32>} : memref<256x768xf32, #tpu.memory_space<vmem>>, vector<256x768xf32>,
    %get3A_14 = arith.constant 0 : index
    %get3A_15 = arith.constant 0 : index
    %get3A_16 = vector.load %arg3[%get3A_14, %get3A_15] : memref<768x768xf32, #tpu.memory_space<vmem>>, vector<768x768xf32>
    %dot_general3A_17 = arith.constant dense<0.000000e+00> : vector<256x768xf32>
    %dot_general3A_18 = tpu.matmul %get3A_1, %get3A_16, %dot_general3A_17 {dimension_numbers = #tpu.dot_dimension_numbers<[1], [0], [0], [1], [0, 0, 1, 1], [], []>, transpose_lhs_hint = false} : vector<256x768xf32>, vector<768x768xf32>, vector<256x768xf32> -> vector<256x768xf32>
    %get3A_19 = arith.constant 1 : index
    %get3A_20 = arith.constant 0 : index
    %get3A_21 = vector.load %arg5[%get3A_19, %get3A_20] : memref<3x768xf32, #tpu.memory_space<vmem>>, vector<1x768xf32>
    %add3A_22 = vector.broadcast %get3A_21 : vector<1x768xf32> to vector<256x768xf32>
    %add3A_23 = arith.addf %dot_general3A_18, %add3A_22 : vector<256x768xf32>
    %swap3A_24 = arith.constant 0 : index
    %swap3A_25 = arith.constant 0 : index
    %swap3A_26 = vector.load %arg8[%swap3A_24, %swap3A_25] : memref<256x768xf32, #tpu.memory_space<vmem>>, vector<256x768xf32>
    tpu.vector_store %arg8[%swap3A_24, %swap3A_25], %add3A_23 {strides = array<i32>} : memref<256x768xf32, #tpu.memory_space<vmem>>, vector<256x768xf32>,
    %get3A_27 = arith.constant 0 : index
    %get3A_28 = arith.constant 0 : index
    %get3A_29 = vector.load %arg6[%get3A_27, %get3A_28] : memref<768x768xf32, #tpu.memory_space<vmem>>, vector<768x768xf32>
    %dot_general3A_30 = arith.constant dense<0.000000e+00> : vector<256x768xf32>
    %dot_general3A_31 = tpu.matmul %mul3A_11, %get3A_29, %dot_general3A_30 {dimension_numbers = #tpu.dot_dimension_numbers<[1], [0], [0], [1], [0, 0, 1, 1], [], []>, transpose_lhs_hint = false} : vector<256x768xf32>, vector<768x768xf32>, vector<256x768xf32> -> vector<256x768xf32>
    %swap3A_32 = arith.constant 0 : index
    %swap3A_33 = arith.constant 0 : index
    %swap3A_34 = vector.load %arg9[%swap3A_32, %swap3A_33] : memref<256x768xf32, #tpu.memory_space<vmem>>, vector<256x768xf32>
    tpu.vector_store %arg9[%swap3A_32, %swap3A_33], %dot_general3A_31 {strides = array<i32>} : memref<256x768xf32, #tpu.memory_space<vmem>>, vector<256x768xf32>,
    %get3A_35 = arith.constant 0 : index
    %get3A_36 = arith.constant 0 : index
    %get3A_37 = vector.load %arg4[%get3A_35, %get3A_36] : memref<768x768xf32, #tpu.memory_space<vmem>>, vector<768x768xf32>
    %dot_general3A_38 = arith.constant dense<0.000000e+00> : vector<256x768xf32>
    %dot_general3A_39 = tpu.matmul %get3A_1, %get3A_37, %dot_general3A_38 {dimension_numbers = #tpu.dot_dimension_numbers<[1], [0], [0], [1], [0, 0, 1, 1], [], []>, transpose_lhs_hint = false} : vector<256x768xf32>, vector<768x768xf32>, vector<256x768xf32> -> vector<256x768xf32>
    %get3A_40 = arith.constant 2 : index
    %get3A_41 = arith.constant 0 : index
    %get3A_42 = vector.load %arg5[%get3A_40, %get3A_41] : memref<3x768xf32, #tpu.memory_space<vmem>>, vector<1x768xf32>
    %add3A_43 = vector.broadcast %get3A_42 : vector<1x768xf32> to vector<256x768xf32>
    %add3A_44 = arith.addf %dot_general3A_39, %add3A_43 : vector<256x768xf32>
    %swap3A_45 = arith.constant 0 : index
    %swap3A_46 = arith.constant 0 : index
    %swap3A_47 = vector.load %arg10[%swap3A_45, %swap3A_46] : memref<256x768xf32, #tpu.memory_space<vmem>>, vector<256x768xf32>
    tpu.vector_store %arg10[%swap3A_45, %swap3A_46], %add3A_44 {strides = array<i32>} : memref<256x768xf32, #tpu.memory_space<vmem>>, vector<256x768xf32>,
    return
  }
  func.func @transform_0(%arg0: i32) -> (i32, i32) {
    %c0_i32 = arith.constant 0 : i32
    %c0_i32_0 = arith.constant 0 : i32
    return %arg0, %c0_i32 : i32, i32
  }
  func.func @transform_1(%arg0: i32) -> (i32, i32) {
    %c0_i32 = arith.constant 0 : i32
    %c0_i32_0 = arith.constant 0 : i32
    %c0_i32_1 = arith.constant 0 : i32
    return %c0_i32, %c0_i32_0 : i32, i32
  }
  func.func @transform_2(%arg0: i32) -> (i32, i32) {
    %c0_i32 = arith.constant 0 : i32
    %c0_i32_0 = arith.constant 0 : i32
    %c0_i32_1 = arith.constant 0 : i32
    return %c0_i32, %c0_i32_0 : i32, i32
  }
  func.func @transform_3(%arg0: i32) -> (i32, i32) {
    %c0_i32 = arith.constant 0 : i32
    %c0_i32_0 = arith.constant 0 : i32
    %c0_i32_1 = arith.constant 0 : i32
    return %c0_i32, %c0_i32_0 : i32, i32
  }
  func.func @transform_4(%arg0: i32) -> (i32, i32) {
    %c0_i32 = arith.constant 0 : i32
    %c0_i32_0 = arith.constant 0 : i32
    %c0_i32_1 = arith.constant 0 : i32
    return %c0_i32, %c0_i32_0 : i32, i32
  }
  func.func @transform_5(%arg0: i32) -> (i32, i32) {
    %c0_i32 = arith.constant 0 : i32
    %c0_i32_0 = arith.constant 0 : i32
    %c0_i32_1 = arith.constant 0 : i32
    return %c0_i32, %c0_i32_0 : i32, i32
  }
  func.func @transform_6(%arg0: i32) -> (i32, i32) {
    %c0_i32 = arith.constant 0 : i32
    %c0_i32_0 = arith.constant 0 : i32
    return %arg0, %c0_i32 : i32, i32
  }
  func.func @transform_7(%arg0: i32) -> (i32, i32) {
    %c0_i32 = arith.constant 0 : i32
    %c0_i32_0 = arith.constant 0 : i32
    return %arg0, %c0_i32 : i32, i32
  }
  func.func @transform_8(%arg0: i32) -> (i32, i32) {
    %c0_i32 = arith.constant 0 : i32
    %c0_i32_0 = arith.constant 0 : i32
    return %arg0, %c0_i32 : i32, i32
  }
  func.func @transform_9(%arg0: i32) -> (i32, i32) {
    %c0_i32 = arith.constant 0 : i32
    %c0_i32_0 = arith.constant 0 : i32
    return %arg0, %c0_i32 : i32, i32
  }
}

module attributes {stable_mosaic.version = 14 : i64} {
  func.func @_tc_qkt_body(%arg0: i32, %arg1: i32, %arg2: memref<1x512x12x64xf32, #tpu.memory_space<vmem>>, %arg3: memref<1x512x12x64xf32, #tpu.memory_space<vmem>>, %arg4: memref<1x1x512x512xf32, #tpu.memory_space<vmem>>) attributes {dimension_semantics = [#tpu.dimension_semantics<arbitrary>, #tpu.dimension_semantics<arbitrary>], iteration_bounds = array<i64: 4, 12>, scalar_prefetch = 0 : i64, scratch_operands = 0 : i64, tpu.core_type = #tpu.core_type<tc>, window_params = [{transform_indices = @transform_0, window_bounds = array<i64: 1, 512, 12, 64>}, {transform_indices = @transform_1, window_bounds = array<i64: 1, 512, 12, 64>}, {transform_indices = @transform_2, window_bounds = array<i64: 1, 1, 512, 512>}]} {
    %get3A = arith.constant 0 : index
    %get3A_0 = arith.constant 0 : index
    %get3A_1 = arith.index_cast %arg1 : i32 to index
    %get3A_2 = arith.constant 0 : index
    %get3A_3 = vector.load %arg2[%get3A, %get3A_0, %get3A_1, %get3A_2] : memref<1x512x12x64xf32, #tpu.memory_space<vmem>>, vector<1x512x1x64xf32>
    %get3A_4 = vector.shape_cast %get3A_3 : vector<1x512x1x64xf32> to vector<512x64xf32>
    %get3A_5 = arith.constant 0 : index
    %get3A_6 = arith.constant 0 : index
    %get3A_7 = arith.index_cast %arg1 : i32 to index
    %get3A_8 = arith.constant 0 : index
    %get3A_9 = vector.load %arg3[%get3A_5, %get3A_6, %get3A_7, %get3A_8] : memref<1x512x12x64xf32, #tpu.memory_space<vmem>>, vector<1x512x1x64xf32>
    %get3A_10 = vector.shape_cast %get3A_9 : vector<1x512x1x64xf32> to vector<512x64xf32>
    %dot_general3A = arith.constant dense<0.000000e+00> : vector<512x512xf32>
    %dot_general3A_11 = tpu.matmul %get3A_4, %get3A_10, %dot_general3A {dimension_numbers = #tpu.dot_dimension_numbers<[1], [1], [0], [0], [0, 0, 1, 0], [], []>, transpose_lhs_hint = false} : vector<512x64xf32>, vector<512x64xf32>, vector<512x512xf32> -> vector<512x512xf32>
    %swap3A = arith.constant 0 : index
    %swap3A_12 = arith.constant 0 : index
    %swap3A_13 = arith.constant 0 : index
    %swap3A_14 = arith.constant 0 : index
    %swap3A_15 = vector.load %arg4[%swap3A, %swap3A_12, %swap3A_13, %swap3A_14] : memref<1x1x512x512xf32, #tpu.memory_space<vmem>>, vector<1x1x512x512xf32>
    %swap3A_16 = vector.shape_cast %swap3A_15 : vector<1x1x512x512xf32> to vector<512x512xf32>
    %swap3A_17 = vector.shape_cast %dot_general3A_11 : vector<512x512xf32> to vector<1x1x512x512xf32>
    tpu.vector_store %arg4[%swap3A, %swap3A_12, %swap3A_13, %swap3A_14], %swap3A_17 {strides = array<i32>} : memref<1x1x512x512xf32, #tpu.memory_space<vmem>>, vector<1x1x512x512xf32>,
    return
  }
  func.func @transform_0(%arg0: i32, %arg1: i32) -> (i32, i32, i32, i32) {
    %c0_i32 = arith.constant 0 : i32
    %c0_i32_0 = arith.constant 0 : i32
    %c0_i32_1 = arith.constant 0 : i32
    %c0_i32_2 = arith.constant 0 : i32
    return %arg0, %c0_i32, %c0_i32_0, %c0_i32_1 : i32, i32, i32, i32
  }
  func.func @transform_1(%arg0: i32, %arg1: i32) -> (i32, i32, i32, i32) {
    %c0_i32 = arith.constant 0 : i32
    %c0_i32_0 = arith.constant 0 : i32
    %c0_i32_1 = arith.constant 0 : i32
    %c0_i32_2 = arith.constant 0 : i32
    return %arg0, %c0_i32, %c0_i32_0, %c0_i32_1 : i32, i32, i32, i32
  }
  func.func @transform_2(%arg0: i32, %arg1: i32) -> (i32, i32, i32, i32) {
    %c0_i32 = arith.constant 0 : i32
    %c0_i32_0 = arith.constant 0 : i32
    %c0_i32_1 = arith.constant 0 : i32
    return %arg0, %arg1, %c0_i32, %c0_i32_0 : i32, i32, i32, i32
  }
}

</mosaic_0001>

<sc_bundles>
// kernel: kernel.5.cloned.1.call-start
scs
__scs_entry_jumppad:
0x0: {  	(pc) =	sbr.rel $0x88, $3  }
0x1: {  	(tag) =	ssettag $0x0;
	lr =	simm.s32 $0x1  }
0x2: {  	[smem:$0x3F97] =	sst lr;
	_ =	strace $0xD0000000  }
0x3: {  	_ = 	snop  }
0x4: {  	_ = 	snop  }
0x5: {  	_ = 	snop  }
0x6: {  	_ = 	snop  }
0x7: {  	_ = 	snop  }
__scs_overlays_trampoline_lowered:
0x8: {  	[smem:$0x3FA6] =	sst s0  }
0x9: {  	[smem:$0x3FA7] =	sst s1  }
0xa: {  	[smem:$0x3FA8] =	sst s2  }
0xb: {  	[smem:$0x3FA9] =	sst s3  }
0xc: {  	[smem:$0x3FAA] =	sst s4  }
0xd: {  	[smem:$0x3FAB] =	sst s5  }
0xe: {  	[smem:$0x3FAC] =	sst s6  }
0xf: {  	[smem:$0x3FAD] =	sst s7  }
0x10: {  	[smem:$0x3FAE] =	sst s8  }
0x11: {  	[smem:$0x3FAF] =	sst s9;
	s0 =	simm.s32 @!p0 $0x0  }
0x12: {  	s1 =	sld [smem:$0x3F95];
	s0 =	simm.s32 @p0 $0x1  }
0x13: {  	[smem:$0x3FB0] =	sst s0;
	s0 =	simm.s32 @!p1 $0x0  }
0x14: {  	s2 =	sld [smem:$0x3F94];
	s0 =	simm.s32 @p1 $0x1  }
0x15: {  	[smem:$0x3FB1] =	sst s0;
	s0 =	simm.s32 @!p2 $0x0  }
0x16: {  	s3 =	sld [smem:$0x3FDB];
	s0 =	simm.s32 @p2 $0x1  }
0x17: {  	s4 =	simm.s32 $0x1BF5;
	[smem:$0x3FB3] =	sst s0  }
0x18: {  	s0 =	sld [smem:$0x3F96];
	_ =	swait.ge [sflag:s4], $0x0  }
0x19: {  	s7 =	sld [smem:$0x3F97]  }
0x1a: {  	s8 =	sadd.s32 $0xFFFFE003, lr  }
0x1b: {  	s9 =	sadd.s32 $0xFFFFFEF7, lr;
	s5 =	simm.s32 $0xFFFFFFFF;
	p2 =	slt.u32 s8, $0xFFFFF086  }
0x1c: {  	p1 =	slt.u32 s9, $0xF7A;
	s5 =	simm.s32 @!p2 $0x0  }
0x1d: {  	s5 =	simm.s32 @p1 $0x1;
	p0 =	seq.s32 s7, s2  }
0x1e: {  	s7 =	smul.u32 @!p0 $0xF7A, s2;
	p2 =	seq.s32 @!p0 s5, $0x0  }
0x1f: {  	s9 =	smul.u32 $0xF7A, s1;
	s8 =	simm.s32 @!p0 $0x1BF5;
	p2 =	por !p2, p0  }
0x20: {  	[sflag:s8] =	ssyncset.s32 @!p0 $0xFFFFF086;
	s6 =	sadd.s32 @!p0 s3, s7;
	s7 =	simm.s32 @!p0 $0x108  }
0x21: {  	s3 =	sadd.s32 s3, s9;
	s6 =	sadd.s32 @!p0 $0x88, s6;
	s7 =	simm.s32 @p2 $0x1082  }
0x22: {  	[simem:s7], [sflag:s8] =	dma.local @!p0 [hbm:s6], $0xF7A  }
0x23: {  	s9 =	sor.u32 $0xD0000000, s2;
	s6 =	simm.s32 $0x108;
	_ =	swait.ge @!p0 [sflag:s8], $0x0  }
0x24: {  	s3 =	sadd.s32 $0x88, s3;
	s6 =	simm.s32 @!p1 $0x1082;
	[sflag:s4] =	ssyncset.s32 $0xFFFFF086  }
0x25: {  	[simem:s6], [sflag:s4] =	dma.local [hbm:s3], $0xF7A  }
0x26: {  	[smem:$0x3F97] =	sst s1;
	(tag) =	ssettag s2;
	_ =	strace s9  }
0x27: {  	s1 =	sld [smem:$0x3FA7]  }
0x28: {  	s2 =	sld [smem:$0x3FA8]  }
0x29: {  	s4 =	sld [smem:$0x3FAA]  }
0x2a: {  	p0 =	seq.s32 s5, $0x0;
	s5 =	sld [smem:$0x3FAB]  }
0x2b: {  	s6 =	sld [smem:$0x3FAC]  }
0x2c: {  	s7 =	sld [smem:$0x3FAD]  }
0x2d: {  	s3 =	simm.s32 $0x108;
	s8 =	sld [smem:$0x3FAE]  }
0x2e: {  	s3 =	simm.s32 @!p0 $0x1082;
	s9 =	sld [smem:$0x3FAF]  }
0x2f: {  	lr =	sadd.s32 s0, s3;
	s0 =	sld [smem:$0x3FA6]  }
0x30: {  	s3 =	sld [smem:$0x3FA9]  }
0x31: {  	[smem:$0x3FB2] =	sst s10  }
0x32: {  	s10 =	sld [smem:$0x3FB0];
	_ =	sdelay $0x3  }
0x33: {  	p0 =	seq.s32 s10, $0x1;
	s10 =	sld [smem:$0x3FB2];
	_ =	sdelay $0x3  }
0x34: {  	[smem:$0x3FB2] =	sst s10  }
0x35: {  	s10 =	sld [smem:$0x3FB1];
	_ =	sdelay $0x3  }
0x36: {  	p1 =	seq.s32 s10, $0x1;
	s10 =	sld [smem:$0x3FB2];
	_ =	sdelay $0x3  }
0x37: {  	[smem:$0x3FB2] =	sst s10  }
0x38: {  	s10 =	sld [smem:$0x3FB3]  }
0x39: {  	_ = 	snop;
	(pc) =	sbr.ind lr, $3  }
0x3a: {  	_ = 	snop  }
0x3b: {  	_ = 	snop  }
0x3c: {  	p2 =	seq.s32 s10, $0x1;
	s10 =	sld [smem:$0x3FB2]  }
0x3d: {  	_ =	shalt  }
0x3e: {  	_ =	shalt  }
0x3f: {  	_ =	shalt  }
0x40: {  	_ =	shalt  }
0x41: {  	_ =	shalt  }
0x42: {  	_ =	shalt  }
0x43: {  	_ =	shalt  }
0x44: {  	_ =	shalt  }
0x45: {  	_ =	shalt  }
0x46: {  	_ =	shalt  }
0x47: {  	_ =	shalt  }
0x48: {  	_ =	shalt  }
0x49: {  	_ =	shalt  }
0x4a: {  	_ =	shalt  }
0x4b: {  	_ =	shalt  }
0x4c: {  	_ =	shalt  }
0x4d: {  	_ =	shalt  }
0x4e: {  	_ =	shalt  }
0x4f: {  	_ =	shalt  }
0x50: {  	_ =	shalt  }
0x51: {  	_ =	shalt  }
0x52: {  	_ =	shalt  }
0x53: {  	_ =	shalt  }
0x54: {  	_ =	shalt  }
0x55: {  	_ =	shalt  }
0x56: {  	_ =	shalt  }
0x57: {  	_ =	shalt  }
0x58: {  	_ =	shalt  }
0x59: {  	_ =	shalt  }
0x5a: {  	_ =	shalt  }
0x5b: {  	_ =	shalt  }
0x5c: {  	_ =	shalt  }
0x5d: {  	_ =	shalt  }
0x5e: {  	_ =	shalt  }
0x5f: {  	_ =	shalt  }
0x60: {  	_ =	shalt  }
0x61: {  	_ =	shalt  }
0x62: {  	_ =	shalt  }
0x63: {  	_ =	shalt  }
0x64: {  	_ =	shalt  }
0x65: {  	_ =	shalt  }
0x66: {  	_ =	shalt  }
0x67: {  	_ =	shalt  }
0x68: {  	_ =	shalt  }
0x69: {  	_ =	shalt  }
0x6a: {  	_ =	shalt  }
0x6b: {  	_ =	shalt  }
0x6c: {  	_ =	shalt  }
0x6d: {  	_ =	shalt  }
0x6e: {  	_ =	shalt  }
0x6f: {  	_ =	shalt  }
0x70: {  	_ =	shalt  }
0x71: {  	_ =	shalt  }
0x72: {  	_ =	shalt  }
0x73: {  	_ =	shalt  }
0x74: {  	_ =	shalt  }
0x75: {  	_ =	shalt  }
0x76: {  	_ =	shalt  }
0x77: {  	_ =	shalt  }
0x78: {  	_ =	shalt  }
0x79: {  	_ =	shalt  }
0x7a: {  	_ =	shalt  }
0x7b: {  	_ =	shalt  }
0x7c: {  	_ =	shalt  }
0x7d: {  	_ =	shalt  }
0x7e: {  	_ =	shalt  }
0x7f: {  	_ =	shalt  }
0x80: {  	_ =	shalt  }
0x81: {  	_ =	shalt  }
0x82: {  	_ =	shalt  }
0x83: {  	_ =	shalt  }
0x84: {  	_ =	shalt  }
0x85: {  	_ =	shalt  }
0x86: {  	_ =	shalt  }
0x87: {  	_ =	shalt  }
.Lfunc_end0:
.L_simem_size_0:
called_computation_lowered:
.L_overlay_start_0:
0x88: {  	s2 =	sld [smem:$0x3FD9]  }
0x89: {  	s3 =	sld [smem:$0x3FFE];
	_ =	sdelay $0x1  }
0x8a: {  	s1 =	srdreg.scid  }
0x8b: {  	s0 =	sand.u32 $0x1, s1  }
0x8c: {  	s17 =	sshll.u32 s0, $0xA;
	s2 =	sadd.s32 s3, s2  }
0x8d: {  	s2 =	sadd.s32 s2, s17  }
0x8e: {  	[smem:$0x3FBE] =	sst s2  }
0x8f: {  	_ = 	snop  }
0x90: {  	s2 =	sld [smem:$0x3FC0]  }
0x91: {  	s18 =	sld [smem:$0x3FD0];
	(tm) =	ssettm $0x1  }
0x92: {  	s4 =	sld [smem:$0x3FFB];
	_ =	sdelay $0x3  }
0x93: {  	_ =	strace s4  }
0x94: {  	s4 =	sld [smem:$0x3FFC];
	_ =	sdelay $0x3  }
0x95: {  	_ =	strace s4  }
0x96: {  	s4 =	sld [smem:$0x3FFD];
	_ =	sdelay $0x3  }
0x97: {  	_ =	strace s4  }
0x98: {  	_ =	strace $0x8FFFFFFF  }
0x99: {  	s19 =	sld [smem:$0x3FDB];
	_ =	sdelay $0x1  }
0x9a: {  	s5 =	simm.s32 $_scs_section_size  }
0x9b: {  	s6 =	simm.s32 $_size__tile_overlayer_lowered;
	s7 =	simm.s32 $_tile_overlayer_lowered  }
0x9c: {  	s22 =	simm.s32 $0x1BFF;
	s21 =	sshll.u32 s7, $0x1;
	s4 =	sadd.s32 s5, s19  }
0x9d: {  	s8 =	simm.s32 $0x0;
	s20 =	sshll.u32 s6, $0x1;
	s6 =	sadd.s32 s21, s4  }
0x9e: {  	[timem:s8], [sflag:s22] =	dma.local [hbm:s6], s20  }
0x9f: {  	_ =	swait.ge [sflag:s22], s20  }
0xa0: {  	s5 =	ssub.s32 $0x0, s20;
	[sflag:s22] =	ssyncset.done $0x0  }
0xa1: {  	[sflag:s22] =	ssyncadd.s32 s5;
	_ =	sdelay $0x1  }
0xa2: {  	s23 =	simm.s32 $0x1B8B  }
0xa3: {  	_ =	swait.ge [sflag:s23], $0x1  }
0xa4: {  	[sflag:s23] =	ssyncset.done $0x0  }
0xa5: {  	s25 =	simm.s32 $0x1B8E;
	s24 =	sld [smem:$0x3FFE];
	[sflag:s23] =	ssyncadd.s32 $0xFFFFFFFF  }
0xa6: {  	s26 =	simm.s32 $execute0_lowered;
	[smem:$0x3FD2] =	sst s25  }
0xa7: {  	s6 =	sshll.u32 s26, $0x1;
	_ =	strace $0x80000046;
	[dreg:$0x1] =	wrdreg $0xFFFFFFFF  }
0xa8: {  	s28 =	simm.s32 $_size_execute0_lowered;
	s4 =	sadd.s32 s4, s6;
	[dreg:$0x0] =	wrdreg $0x0  }
0xa9: {  	s6 =	sshll.u32 s28, $0x1;
	[dreg:$0x2] =	wrdreg s4  }
0xaa: {  	[dreg:$0x3] =	wrdreg s6  }
0xab: {  	[dreg:$0x4] =	wrdreg $0xC0  }
0xac: {  	_ =	task [dreg:s8], $0x5FFFF  }
0xad: {  	[dreg:$0x1] =	wrdreg $0xFFFFFFFF  }
0xae: {  	[dreg:$0x0] =	wrdreg $0x60  }
0xaf: {  	[dreg:$0x2] =	wrdreg s18  }
0xb0: {  	[dreg:$0x3] =	wrdreg s24  }
0xb1: {  	[dreg:$0x4] =	wrdreg s2  }
0xb2: {  	[dreg:$0x5] =	wrdreg $0x9  }
0xb3: {  	_ =	task.clear_ibuf [dreg:s8], $0x6FFFF;
	_ =	strace $0x90000046  }
0xb4: {  	s29 =	simm.s32 $0x9;
	_ =	strace $0x80000048  }
0xb5: {  	_ =	swait.ge [sflag:s29], $0x1  }
0xb6: {  	[sflag:s29] =	ssyncadd.s32 $0xFFFFFFFF  }
0xb7: {  	_ =	strace $0x90000048  }
0xb8: {  	_ =	sfence  }
0xb9: {  	s30 =	sld [smem:$0x0];
	_ =	sdelay $0x2  }
0xba: {  	s31 =	sshll.u32 s1, $0xD;
	s1 =	sshrl.u32 s1, $0x2  }
0xbb: {  	s3 =	sand.u32 $0x4000, s31;
	s1 =	sadd.s32 s1, s30  }
0xbc: {  	s0 =	sor.u32 s3, s0;
	s1 =	sshll.u32 s1, $0x11  }
0xbd: {  	s0 =	sor.u32 s1, s0  }
0xbe: {  	s0 =	sadd.s32 $0x8F2B, s0  }
0xbf: {  	[sflag:s0] =	ssyncadd.remote.s32 $0x1  }
0xc0: {  	_ =	sfence.sel $0xFFFF  }
0xc1: {  	[dreg:$0x0] =	wrdreg $0xFFFFFFFF;
	(pc) =	sbr.abs _section_cstart, $3  }
0xc2: {  	[dreg:$0x1] =	wrdreg $0xFFFFFFFF  }
0xc3: {  	_ =	task.clear_ibuf [dreg:s8], $0x2FFFF;
	_ =	strace $0x9FFFFFFF  }
0xc4: {  	(tm) =	ssettm $0x7FFFFFFF  }
0xc5: {  	_ =	shalt  }
tec
execute0_lowered:
.L_overlay_start_1:
0x0: {  	(tag) =	ssettag $0x1  }
0x1: {  	v0 =	vimm.s32 $0x1800;
	vm0 =	vcmask $0x300  }
0x2: {  	v0 =	vsel vm0, $0x0, v0;
	vm0 =	vcmask $0x704  }
0x3: {  	v0 =	vsel vm0, $0x800, v0;
	vm0 =	vcmask $0xB08  }
0x4: {  	v0 =	vsel vm0, $0x1000, v0;
	vm0 =	vcmask $0x1310  }
0x5: {  	v0 =	vsel vm0, $0x2000, v0;
	vm0 =	vcmask $0x1714  }
0x6: {  	v0 =	vsel vm0, $0x2800, v0;
	vm0 =	vcmask $0x1B18  }
0x7: {  	s0 =	rddreg [dreg:$0x1];
	s4 =	simm.s32 $0x0;
	v0 =	vsel vm0, $0x3000, v0;
	vm0 =	vcmask $0x1F1C  }
0x8: {  	s1 =	srdreg.scid;
	s9 =	stileid.u32;
	s18 =	simm.s32 $0xF800;
	v0 =	vsel vm0, $0x3800, v0;
	vm0 =	vcmask $0x2320  }
0x9: {  	s29 =	simm.s32 $0x14800;
	s10 =	simm.s32 $0x19000;
	[smem:$0x7FF] =	sst s4;
	v0 =	vsel vm0, $0x4000, v0;
	vm0 =	vcmask $0x2724  }
0xa: {  	s1 =	sand.u32 $0x1, s1;
	s2 =	sshll.u32 s9, $0x1;
	s7 =	sshrl.u32 s9, $0x2;
	v0 =	vsel vm0, $0x4800, v0;
	vm0 =	vcmask $0x2B28  }
0xb: {  	s8 =	sadd.s32 $0x31600, s0;
	s2 =	sor.u32 s1, s2;
	s7 =	smul.u32 $0x1600, s7;
	v0 =	vsel vm0, $0x5000, v0;
	vm0 =	vcmask $0x2F2C  }
0xc: {  	_ =	strace $0x80000047;
	[dreg:$0x4] =	wrdreg s8;
	s8 =	sshll.u32 s2, $0x6;
	v0 =	vsel vm0, $0x5800, v0;
	vm0 =	vcmask $0x3330  }
0xd: {  	s14 =	simm.s32 $0xC000;
	s15 =	simm.s32 $0x3;
	s28 =	sadd.s32 s8, s7;
	v0 =	vsel vm0, $0x0, v0;
	vm0 =	vcmask $0x3734  }
0xe: {  	s19 =	simm.s32 $0x4;
	s22 =	simm.s32 $0x0;
	s5 =	sadd.s32 $0x1600, s0;
	v1 =	vmov s28;
	v0 =	vsel vm0, $0x800, v0;
	vm0 =	vcmask $0x3B38  }
0xf: {  	s6 =	sadd.s32 $0xB3600, s0;
	s30 =	sshll.u32 s9, $0x7;
	s11 =	sadd.s32 $0xB3700, s0;
	v1 =	vshll.u32 v1, $0x2;
	v0 =	vsel vm0, $0x1000, v0  }
0x10: {  	s12 =	sadd.s32 $0x1700, s0;
	s13 =	sadd.s32 $0x1800, s0;
	s1 =	ssub.s32 $0x2, s1;
	v5 =	vadd.s32 v0, v1  }
0x11: {  	s9 =	simm.s32 $0x18800;
	s3 =	sshll.u32 s2, $0x7;
	s24 =	sshrl.u32 s1, $0x1;
	v1 =	vlaneseq.u32;
	v6 =	vor.u32 $0x1, v5  }
.Ltmp0:
0x12: {  	s2 =	simm.s32 $0x0;
	s3 =	sadd.s32 s3, s0;
	v2 =	vand.u32 $0x7, v1;
	v4 =	vshrl.u32 v1, $0x3;
	v3 =	vor.u32 $0x8, v1;
	(pc) =	sbr.rel .LBB2_1-.Ltmp0, $4  }
0x13: {  	s25 =	sadd.s32 $0xB2600, s3;
	s26 =	sadd.s32 $0xB1600, s3;
	s3 =	sand.u32 $0x600, s30;
	v7 =	vperm.xlane v5, v2;
	v4 =	vmul.u32 $0x8, v4;
	v8 =	vperm.xlane v5, v3  }
0x14: {  	s1 =	ssub.s32 s1, s24;
	[dreg:$0x5] =	wrdreg s25;
	s31 =	ssub.s32 $0x0, s3;
	v9 =	vperm.xlane v6, v2;
	v10 =	vperm.xlane v6, v3  }
0x15: {  	s7 =	simm.s32 $0x2;
	s1 =	smax.u32 s1, $0x1;
	[dreg:$0x6] =	wrdreg s26;
	vm0 =	vmmov $0xffff;
	v5 =	vmov s31;
	v6 =	vadd.s32 v4, v7  }
0x16: {  	[dreg:$0x7] =	wrdreg s1;
	s3 =	simm.s32 $0x5;
	s1 =	simm.s32 $0x1;
	v7 =	vadd.s32 v4, v8;
	v8 =	vadd.s32 v4, v9;
	v9 =	vadd.s32 v4, v10  }
.LBB2_13:
0x17: {  	s2 =	rddreg [dreg:$0x8]  }
0x18: {  	s0 =	rddreg [dreg:$0x7];
	s2 =	sadd.s32 $0x1, s2  }
0x19: {  	p0 =	sne.s32 s2, s0  }
.Ltmp1:
0x1a: {  	_ = 	snop;
	(pc) =	sbr.rel @!p0 .LBB2_14-.Ltmp1, $1  }
0x1b: {  	_ =	sdelay $0x3  }
.LBB2_1:
0x1c: {  	[dreg:$0x8] =	wrdreg s2  }
0x1d: {  	s0 =	rddreg [dreg:$0x2]  }
0x1e: {  	[tilespmem:s4], [sflag:$0x5] =	stream.linear.gather [hbm4b:s0+s4], $0xC000, $0x38;
	[tilespmem:$0x19900] =	vst v63  }
0x1f: {  	_ =	swait.ge [sflag:s3], $0xC000  }
0x20: {  	[sflag:s3] =	ssyncset.done $0x0  }
0x21: {  	s23 =	simm.s32 $0xF000;
	s21 =	rddreg [dreg:$0x5];
	[sflag:s3] =	ssyncadd.s32 $0xFFFF4000  }
0x22: {  	[tilespmem:s23], [sflag:$0x5] =	stream.linear.gather [hbm4b:s21+s4], $0x400, $0x38;
	[tilespmem:$0x19900] =	vst v63  }
0x23: {  	_ =	swait.ge [sflag:s3], $0x400  }
0x24: {  	[sflag:s3] =	ssyncset.done $0x0  }
0x25: {  	s25 =	simm.s32 $0xF400;
	s24 =	rddreg [dreg:$0x6];
	[sflag:s3] =	ssyncadd.s32 $0xFFFFFC00  }
0x26: {  	[tilespmem:s25], [sflag:$0x5] =	stream.linear.gather [hbm4b:s24+s4], $0x400, $0x38;
	[tilespmem:$0x19900] =	vst v63  }
0x27: {  	_ =	swait.ge [sflag:s3], $0x400  }
0x28: {  	[sflag:s3] =	ssyncset.done $0x0  }
0x29: {  	[sflag:s3] =	ssyncadd.s32 $0xFFFFFC00  }
0x2a: {  	v10 =	vld [tilespmem:$0xF000];
	_ =	sdelay $0x4  }
0x2b: {  	v11 =	vshrl.u32 v10, $0x3  }
0x2c: {  	v11 =	vmul.u32 $0x30, v11  }
0x2d: {  	v10 =	vand.u32 $0x7, v10  }
0x2e: {  	[tilespmem:s18], [sflag:$0x1] =	stream.indirect_vreg.gather [hbm4b:s6+s4], $0x80, v6, vm0, $0xb8;
	v10 =	vor.u32 v10, v11;
	[tilespmem:$0x19900] =	vst v63  }
0x2f: {  	s26 =	simm.s32 $0x10000;
	v11 =	vperm.xlane v10, v2  }
0x30: {  	[tilespmem:s26], [sflag:$0x1] =	stream.indirect_vreg.gather [hbm4b:s11+s4], $0x80, v6, vm0, $0xb8;
	[tilespmem:$0x19900] =	vst v63  }
0x31: {  	s28 =	simm.s32 $0x10800;
	v11 =	vadd.s32 v4, v11  }
0x32: {  	[tilespmem:s28], [sflag:$0x1] =	stream.indirect_vreg.gather [hbm4b:s6+s4], $0x80, v7, vm0, $0xb8;
	[tilespmem:$0x19900] =	vst v63  }
0x33: {  	s30 =	simm.s32 $0x11000  }
0x34: {  	[tilespmem:s30], [sflag:$0x1] =	stream.indirect_vreg.gather [hbm4b:s11+s4], $0x80, v7, vm0, $0xb8;
	[tilespmem:$0x19900] =	vst v63  }
0x35: {  	s31 =	simm.s32 $0x11800;
	v10 =	vperm.xlane v10, v3  }
0x36: {  	[tilespmem:s31], [sflag:$0x2] =	stream.indirect_vreg.gather [hbm4b:s5+s4], $0x80, v11, vm0, $0xb8;
	[tilespmem:$0x19900] =	vst v63  }
0x37: {  	s2 =	simm.s32 $0x12000;
	v10 =	vadd.s32 v4, v10  }
0x38: {  	[tilespmem:s2], [sflag:$0x2] =	stream.indirect_vreg.gather [hbm4b:s12+s4], $0x80, v11, vm0, $0xb8;
	[tilespmem:$0x19900] =	vst v63  }
0x39: {  	s16 =	simm.s32 $0x12800  }
0x3a: {  	[tilespmem:s16], [sflag:$0x2] =	stream.indirect_vreg.gather [hbm4b:s13+s4], $0x80, v11, vm0, $0xb8;
	[tilespmem:$0x19900] =	vst v63  }
0x3b: {  	s17 =	simm.s32 $0x13000  }
0x3c: {  	[tilespmem:s17], [sflag:$0x2] =	stream.indirect_vreg.gather [hbm4b:s5+s4], $0x80, v10, vm0, $0xb8;
	[tilespmem:$0x19900] =	vst v63  }
0x3d: {  	s20 =	simm.s32 $0x13800  }
0x3e: {  	[tilespmem:s20], [sflag:$0x2] =	stream.indirect_vreg.gather [hbm4b:s12+s4], $0x80, v10, vm0, $0xb8;
	[tilespmem:$0x19900] =	vst v63  }
0x3f: {  	s21 =	simm.s32 $0x14000  }
0x40: {  	[tilespmem:s21], [sflag:$0x2] =	stream.indirect_vreg.gather [hbm4b:s13+s4], $0x80, v10, vm0, $0xb8;
	[tilespmem:$0x19900] =	vst v63  }
0x41: {  	v10 =	vld [tilespmem:$0xF010];
	_ =	sdelay $0x4  }
0x42: {  	v11 =	vshrl.u32 v10, $0x3  }
0x43: {  	v11 =	vmul.u32 $0x30, v11  }
0x44: {  	v10 =	vand.u32 $0x7, v10  }
0x45: {  	[tilespmem:s29], [sflag:$0x3] =	stream.indirect_vreg.gather [hbm4b:s6+s4], $0x80, v8, vm0, $0xb8;
	v10 =	vor.u32 v10, v11;
	[tilespmem:$0x19900] =	vst v63  }
0x46: {  	s23 =	simm.s32 $0x15000;
	v11 =	vperm.xlane v10, v2  }
0x47: {  	[tilespmem:s23], [sflag:$0x3] =	stream.indirect_vreg.gather [hbm4b:s11+s4], $0x80, v8, vm0, $0xb8;
	[tilespmem:$0x19900] =	vst v63  }
0x48: {  	s24 =	simm.s32 $0x15800;
	v11 =	vadd.s32 v4, v11  }
0x49: {  	[tilespmem:s24], [sflag:$0x3] =	stream.indirect_vreg.gather [hbm4b:s6+s4], $0x80, v9, vm0, $0xb8;
	[tilespmem:$0x19900] =	vst v63  }
0x4a: {  	s25 =	simm.s32 $0x16000  }
0x4b: {  	[tilespmem:s25], [sflag:$0x3] =	stream.indirect_vreg.gather [hbm4b:s11+s4], $0x80, v9, vm0, $0xb8;
	[tilespmem:$0x19900] =	vst v63  }
0x4c: {  	s26 =	simm.s32 $0x16800;
	v10 =	vperm.xlane v10, v3  }
0x4d: {  	[tilespmem:s26], [sflag:$0x4] =	stream.indirect_vreg.gather [hbm4b:s5+s4], $0x80, v11, vm0, $0xb8;
	[tilespmem:$0x19900] =	vst v63  }
0x4e: {  	s28 =	simm.s32 $0x17000;
	v10 =	vadd.s32 v4, v10  }
0x4f: {  	[tilespmem:s28], [sflag:$0x4] =	stream.indirect_vreg.gather [hbm4b:s12+s4], $0x80, v11, vm0, $0xb8;
	[tilespmem:$0x19900] =	vst v63  }
0x50: {  	s30 =	simm.s32 $0x17800  }
0x51: {  	[tilespmem:s30], [sflag:$0x4] =	stream.indirect_vreg.gather [hbm4b:s13+s4], $0x80, v11, vm0, $0xb8;
	[tilespmem:$0x19900] =	vst v63  }
0x52: {  	s31 =	simm.s32 $0x18000  }
0x53: {  	[tilespmem:s31], [sflag:$0x4] =	stream.indirect_vreg.gather [hbm4b:s5+s4], $0x80, v10, vm0, $0xb8;
	[tilespmem:$0x19900] =	vst v63  }
.Ltmp2:
0x54: {  	_ = 	snop;
	(pc) =	sbr.rel .LBB2_2-.Ltmp2, $4  }
0x55: {  	_ = 	snop  }
0x56: {  	[tilespmem:s9], [sflag:$0x4] =	stream.indirect_vreg.gather [hbm4b:s12+s4], $0x80, v10, vm0, $0xb8;
	[tilespmem:$0x19900] =	vst v63  }
0x57: {  	s20 =	simm.s32 $0x0  }
0x58: {  	[tilespmem:s10], [sflag:$0x4] =	stream.indirect_vreg.gather [hbm4b:s13+s4], $0x80, v10, vm0, $0xb8;
	[tilespmem:$0x19900] =	vst v63  }
.LBB2_12:
0x59: {  	s0 =	rddreg [dreg:$0x9]  }
0x5a: {  	s20 =	sadd.s32 $0x1, s20;
	s0 =	smul.u32 $0x60, s0  }
0x5b: {  	s2 =	rddreg [dreg:$0x4];
	s31 =	simm.s32 $0xD800;
	p0 =	sne.s32 s20, $0x8  }
.Ltmp3:
0x5c: {  	s3 =	simm.s32 $0x5;
	s0 =	sadd.s32 s2, s0;
	(pc) =	sbr.rel @!p0 .LBB2_13-.Ltmp3, $4  }
0x5d: {  	[hbm4b:s0+s4] =	stream.linear.scatter [tilespmem:s31], [sflag:$0x5], $0x1800, $0x38;
	[tilespmem:$0x19900] =	vst v63  }
0x5e: {  	_ =	swait.ge [sflag:s3], $0x1800  }
0x5f: {  	[sflag:s3] =	ssyncset.done $0x0  }
0x60: {  	[sflag:s3] =	ssyncadd.s32 $0xFFFFE800  }
.LBB2_2:
0x61: {  	s21 =	sshll.u32 s20, $0x3  }
0x62: {  	s0 =	sor.u32 s8, s21  }
0x63: {  	[dreg:$0x9] =	wrdreg s0;
	s0 =	sshrl.u32 s0, $0x3  }
0x64: {  	s0 =	smul.u32 $0x300, s0  }
0x65: {  	s2 =	rddreg [dreg:$0x0]  }
.Ltmp4:
0x66: {  	s0 =	sadd.s32 s2, s0;
	(pc) =	sbr.rel .LBB2_3-.Ltmp4, $4  }
0x67: {  	[tilespmem:s14], [sflag:$0x5] =	stream.linear.gather [hbm4b:s0+s22], $0x1800, $0x38;
	[tilespmem:$0x19900] =	vst v63  }
0x68: {  	_ =	swait.ge [sflag:s3], $0x1800  }
0x69: {  	s23 =	simm.s32 $0x300;
	[sflag:s3] =	ssyncset.done $0x0  }
0x6a: {  	s24 =	simm.s32 $0x0;
	s25 =	simm.s32 $0x0;
	[sflag:s3] =	ssyncadd.s32 $0xFFFFE800  }
.LBB2_11:
0x6b: {  	s25 =	sadd.s32 $0x1, s25  }
0x6c: {  	p0 =	sne.s32 s25, $0x4  }
.Ltmp5:
0x6d: {  	_ = 	snop;
	(pc) =	sbr.rel @!p0 .LBB2_12-.Ltmp5, $2  }
0x6e: {  	_ =	sdelay $0x2  }
0x6f: {  	s24 =	sadd.s32 $0x600, s24;
	s23 =	sadd.s32 $0x600, s23  }
.LBB2_3:
0x70: {  	_ =	swait.ge [sflag:s1], $0x2000  }
0x71: {  	[sflag:s1] =	ssyncset.done $0x0  }
0x72: {  	[sflag:s1] =	ssyncadd.s32 $0xFFFFE000  }
0x73: {  	s26 =	sshll.u32 s25, $0x1;
	_ =	swait.ge [sflag:s7], $0x3000  }
0x74: {  	s28 =	sor.u32 s21, s26;
	[sflag:s7] =	ssyncset.done $0x0  }
0x75: {  	s0 =	sshll.u32 s28, $0x4;
	[sflag:s7] =	ssyncadd.s32 $0xFFFFD000  }
0x76: {  	v10 =	vld [tilespmem:s0+$0xF000];
	_ =	sdelay $0x1  }
0x77: {  	v23 =	vld [tilespmem:s0+$0xF400]  }
0x78: {  	v11 =	vmov s26  }
0x79: {  	v11 =	vshll.u32 v11, $0x7  }
0x7a: {  	v11 =	vand.u32 $0x300, v11;
	v12 =	vadd.s32 v5, v10  }
0x7b: {  	v13 =	vand.u32 $0x7F, v10;
	v10 =	vbroadcast v11, $0x0;
	v12 =	vshll.u32 v12, $0x3  }
0x7c: {  	v14 =	vshll.u32 v23, $0x3;
	v11 =	vand.u32 $0xFFFFFC00, v12;
	v12 =	vand.u32 $0x7F, v23  }
0x7d: {  	v11 =	vor.u32 v13, v11;
	v13 =	vand.u32 $0xFFFFFC00, v14;
	v12 =	vor.u32 v10, v12  }
0x7e: {  	v12 =	vor.u32 v13, v12;
	_ =	sdelay $0x3  }
0x7f: {  	v13 =	vld.idx.msk [tilespmem:v11+s18+$0x0], $0xffff  }
0x80: {  	v14 =	vld.idx.msk [tilespmem:v12+s14+$0x0], $0xffff;
	_ =	sdelay $0x4  }
0x81: {  	v13 =	vadd.f32 v14, v13;
	_ =	sdelay $0x1  }
0x82: {  	(xrf0) =	vmax.scan.msk.f32 $0xffff, v13;
	_ =	sdelay $0x5  }
0x83: {  	v14, _, _ =	vpop (xrf0)  }
0x84: {  	v14 =	vbroadcast v14, $0xF;
	_ =	sdelay $0x1  }
0x85: {  	v13 =	vsub.f32 v13, v14;
	_ =	sdelay $0x1  }
0x86: {  	v13 =	vmul.f32 $1.442695020e+00, v13;
	_ =	sdelay $0x1  }
0x87: {  	(erf) = vpow2.f32 v13;
	_ =	sdelay $0x8  }
0x88: {  	v13 =	vpop (erf)  }
0x89: {  	(xrf2) =	vadd.scan.msk.f32 $0xffff, v13;
	_ =	sdelay $0x9  }
0x8a: {  	v14, _, _ =	vpop (xrf2)  }
0x8b: {  	v14 =	vbroadcast v14, $0xF;
	_ =	sdelay $0x1  }
0x8c: {  	(erf) = vrcp.f32 v14;
	_ =	sdelay $0x3  }
0x8d: {  	v14 =	vadd.s32 $0x40, v23  }
0x8e: {  	v15 =	vshll.u32 v14, $0x3  }
0x8f: {  	v15 =	vand.u32 $0xFFFFFC00, v15  }
0x90: {  	v14 =	vand.u32 $0x7F, v14  }
0x91: {  	v16 =	vor.u32 $0x80, v11;
	v14 =	vor.u32 v15, v14  }
0x92: {  	v14 =	vor.u32 v10, v14;
	v15 =	vpop (erf)  }
0x93: {  	v13 =	vmul.f32 v15, v13;
	_ =	sdelay $0x1  }
0x94: {  	[tilespmem:$0x19800] =	vst v13  }
0x95: {  	v13 =	vld.idx.msk [tilespmem:v16+s18+$0x0], $0xffff  }
0x96: {  	v14 =	vld.idx.msk [tilespmem:v14+s14+$0x0], $0xffff;
	_ =	sdelay $0x4  }
0x97: {  	v13 =	vadd.f32 v14, v13;
	_ =	sdelay $0x1  }
0x98: {  	(xrf0) =	vmax.scan.msk.f32 $0xffff, v13;
	_ =	sdelay $0x5  }
0x99: {  	v14, _, _ =	vpop (xrf0)  }
0x9a: {  	v14 =	vbroadcast v14, $0xF;
	_ =	sdelay $0x1  }
0x9b: {  	v13 =	vsub.f32 v13, v14;
	_ =	sdelay $0x1  }
0x9c: {  	v13 =	vmul.f32 $1.442695020e+00, v13;
	_ =	sdelay $0x1  }
0x9d: {  	(erf) = vpow2.f32 v13;
	_ =	sdelay $0x8  }
0x9e: {  	v13 =	vpop (erf)  }
0x9f: {  	(xrf2) =	vadd.scan.msk.f32 $0xffff, v13;
	_ =	sdelay $0x9  }
0xa0: {  	v14, _, _ =	vpop (xrf2)  }
0xa1: {  	v14 =	vbroadcast v14, $0xF;
	_ =	sdelay $0x1  }
0xa2: {  	(erf) = vrcp.f32 v14;
	_ =	sdelay $0x7  }
0xa3: {  	v14 =	vor.u32 $0x100, v11  }
0xa4: {  	v16 =	vadd.s32 $0x400, v12;
	v15 =	vpop (erf)  }
0xa5: {  	v13 =	vmul.f32 v15, v13;
	_ =	sdelay $0x1  }
0xa6: {  	[tilespmem:$0x19810] =	vst v13  }
0xa7: {  	v13 =	vld.idx.msk [tilespmem:v14+s18+$0x0], $0xffff  }
0xa8: {  	v14 =	vld.idx.msk [tilespmem:v16+s14+$0x0], $0xffff;
	_ =	sdelay $0x4  }
0xa9: {  	v13 =	vadd.f32 v14, v13;
	_ =	sdelay $0x1  }
0xaa: {  	(xrf0) =	vmax.scan.msk.f32 $0xffff, v13;
	_ =	sdelay $0x5  }
0xab: {  	v14, _, _ =	vpop (xrf0)  }
0xac: {  	v14 =	vbroadcast v14, $0xF;
	_ =	sdelay $0x1  }
0xad: {  	v13 =	vsub.f32 v13, v14;
	_ =	sdelay $0x1  }
0xae: {  	v13 =	vmul.f32 $1.442695020e+00, v13;
	_ =	sdelay $0x1  }
0xaf: {  	(erf) = vpow2.f32 v13;
	_ =	sdelay $0x8  }
0xb0: {  	v13 =	vpop (erf)  }
0xb1: {  	(xrf2) =	vadd.scan.msk.f32 $0xffff, v13;
	_ =	sdelay $0x9  }
0xb2: {  	v14, _, _ =	vpop (xrf2)  }
0xb3: {  	v14 =	vbroadcast v14, $0xF;
	_ =	sdelay $0x1  }
0xb4: {  	(erf) = vrcp.f32 v14;
	_ =	sdelay $0x3  }
0xb5: {  	v14 =	vadd.s32 $0xC0, v23  }
0xb6: {  	v15 =	vshll.u32 v14, $0x3  }
0xb7: {  	v15 =	vand.u32 $0xFFFFFC00, v15  }
0xb8: {  	v14 =	vand.u32 $0x7F, v14  }
0xb9: {  	v16 =	vor.u32 $0x180, v11;
	v14 =	vor.u32 v15, v14  }
0xba: {  	v14 =	vor.u32 v10, v14;
	v15 =	vpop (erf)  }
0xbb: {  	v13 =	vmul.f32 v15, v13;
	_ =	sdelay $0x1  }
0xbc: {  	[tilespmem:$0x19820] =	vst v13  }
0xbd: {  	v13 =	vld.idx.msk [tilespmem:v16+s18+$0x0], $0xffff  }
0xbe: {  	v14 =	vld.idx.msk [tilespmem:v14+s14+$0x0], $0xffff;
	_ =	sdelay $0x4  }
0xbf: {  	v13 =	vadd.f32 v14, v13;
	_ =	sdelay $0x1  }
0xc0: {  	(xrf0) =	vmax.scan.msk.f32 $0xffff, v13;
	_ =	sdelay $0x5  }
0xc1: {  	v14, _, _ =	vpop (xrf0)  }
0xc2: {  	v14 =	vbroadcast v14, $0xF;
	_ =	sdelay $0x1  }
0xc3: {  	v13 =	vsub.f32 v13, v14;
	_ =	sdelay $0x1  }
0xc4: {  	v13 =	vmul.f32 $1.442695020e+00, v13;
	_ =	sdelay $0x1  }
0xc5: {  	(erf) = vpow2.f32 v13;
	_ =	sdelay $0x8  }
0xc6: {  	v13 =	vpop (erf)  }
0xc7: {  	(xrf2) =	vadd.scan.msk.f32 $0xffff, v13;
	_ =	sdelay $0x9  }
0xc8: {  	v14, _, _ =	vpop (xrf2)  }
0xc9: {  	v14 =	vbroadcast v14, $0xF;
	_ =	sdelay $0x1  }
0xca: {  	(erf) = vrcp.f32 v14;
	_ =	sdelay $0x7  }
0xcb: {  	v14 =	vor.u32 $0x200, v11  }
0xcc: {  	v16 =	vadd.s32 $0x800, v12;
	v15 =	vpop (erf)  }
0xcd: {  	v13 =	vmul.f32 v15, v13;
	_ =	sdelay $0x1  }
0xce: {  	[tilespmem:$0x19830] =	vst v13  }
0xcf: {  	v13 =	vld.idx.msk [tilespmem:v14+s18+$0x0], $0xffff  }
0xd0: {  	v14 =	vld.idx.msk [tilespmem:v16+s14+$0x0], $0xffff;
	_ =	sdelay $0x4  }
0xd1: {  	v13 =	vadd.f32 v14, v13;
	_ =	sdelay $0x1  }
0xd2: {  	(xrf0) =	vmax.scan.msk.f32 $0xffff, v13;
	_ =	sdelay $0x5  }
0xd3: {  	v14, _, _ =	vpop (xrf0)  }
0xd4: {  	v14 =	vbroadcast v14, $0xF;
	_ =	sdelay $0x1  }
0xd5: {  	v13 =	vsub.f32 v13, v14;
	_ =	sdelay $0x1  }
0xd6: {  	v13 =	vmul.f32 $1.442695020e+00, v13;
	_ =	sdelay $0x1  }
0xd7: {  	(erf) = vpow2.f32 v13;
	_ =	sdelay $0x8  }
0xd8: {  	v13 =	vpop (erf)  }
0xd9: {  	(xrf2) =	vadd.scan.msk.f32 $0xffff, v13;
	_ =	sdelay $0x9  }
0xda: {  	v14, _, _ =	vpop (xrf2)  }
0xdb: {  	v14 =	vbroadcast v14, $0xF;
	_ =	sdelay $0x1  }
0xdc: {  	(erf) = vrcp.f32 v14;
	_ =	sdelay $0x3  }
0xdd: {  	v14 =	vadd.s32 $0x140, v23  }
0xde: {  	v15 =	vshll.u32 v14, $0x3  }
0xdf: {  	v15 =	vand.u32 $0xFFFFFC00, v15  }
0xe0: {  	v14 =	vand.u32 $0x7F, v14  }
0xe1: {  	v16 =	vor.u32 $0x280, v11;
	v14 =	vor.u32 v15, v14  }
0xe2: {  	v14 =	vor.u32 v10, v14;
	v15 =	vpop (erf)  }
0xe3: {  	v13 =	vmul.f32 v15, v13;
	_ =	sdelay $0x1  }
0xe4: {  	[tilespmem:$0x19840] =	vst v13  }
0xe5: {  	v13 =	vld.idx.msk [tilespmem:v16+s18+$0x0], $0xffff  }
0xe6: {  	v14 =	vld.idx.msk [tilespmem:v14+s14+$0x0], $0xffff;
	_ =	sdelay $0x4  }
0xe7: {  	v13 =	vadd.f32 v14, v13;
	_ =	sdelay $0x1  }
0xe8: {  	(xrf0) =	vmax.scan.msk.f32 $0xffff, v13;
	_ =	sdelay $0x5  }
0xe9: {  	v14, _, _ =	vpop (xrf0)  }
0xea: {  	v14 =	vbroadcast v14, $0xF;
	_ =	sdelay $0x1  }
0xeb: {  	v13 =	vsub.f32 v13, v14;
	_ =	sdelay $0x1  }
0xec: {  	v13 =	vmul.f32 $1.442695020e+00, v13;
	_ =	sdelay $0x1  }
0xed: {  	(erf) = vpow2.f32 v13;
	_ =	sdelay $0x8  }
0xee: {  	v13 =	vpop (erf)  }
0xef: {  	(xrf2) =	vadd.scan.msk.f32 $0xffff, v13;
	_ =	sdelay $0x9  }
0xf0: {  	v14, _, _ =	vpop (xrf2)  }
0xf1: {  	v14 =	vbroadcast v14, $0xF;
	_ =	sdelay $0x1  }
0xf2: {  	(erf) = vrcp.f32 v14;
	_ =	sdelay $0x7  }
0xf3: {  	v14 =	vor.u32 $0x300, v11  }
0xf4: {  	v16 =	vadd.s32 $0xC00, v12;
	v15 =	vpop (erf)  }
0xf5: {  	v13 =	vmul.f32 v15, v13;
	_ =	sdelay $0x1  }
0xf6: {  	[tilespmem:$0x19850] =	vst v13  }
0xf7: {  	v13 =	vld.idx.msk [tilespmem:v14+s18+$0x0], $0xffff  }
0xf8: {  	v14 =	vld.idx.msk [tilespmem:v16+s14+$0x0], $0xffff;
	_ =	sdelay $0x4  }
0xf9: {  	v13 =	vadd.f32 v14, v13;
	_ =	sdelay $0x1  }
0xfa: {  	(xrf0) =	vmax.scan.msk.f32 $0xffff, v13;
	_ =	sdelay $0x5  }
0xfb: {  	v14, _, _ =	vpop (xrf0)  }
0xfc: {  	v14 =	vbroadcast v14, $0xF;
	_ =	sdelay $0x1  }
0xfd: {  	v13 =	vsub.f32 v13, v14;
	_ =	sdelay $0x1  }
0xfe: {  	v13 =	vmul.f32 $1.442695020e+00, v13;
	_ =	sdelay $0x1  }
0xff: {  	(erf) = vpow2.f32 v13;
	_ =	sdelay $0x8  }
0x100: {  	v13 =	vpop (erf)  }
0x101: {  	(xrf2) =	vadd.scan.msk.f32 $0xffff, v13;
	_ =	sdelay $0x9  }
0x102: {  	v14, _, _ =	vpop (xrf2)  }
0x103: {  	v14 =	vbroadcast v14, $0xF;
	_ =	sdelay $0x1  }
0x104: {  	(erf) = vrcp.f32 v14;
	_ =	sdelay $0x3  }
0x105: {  	v14 =	vadd.s32 $0x1C0, v23  }
0x106: {  	v15 =	vshll.u32 v14, $0x3  }
0x107: {  	v15 =	vand.u32 $0xFFFFFC00, v15  }
0x108: {  	v14 =	vand.u32 $0x7F, v14  }
0x109: {  	v16 =	vor.u32 $0x380, v11;
	v14 =	vor.u32 v15, v14  }
0x10a: {  	v14 =	vor.u32 v10, v14;
	v15 =	vpop (erf)  }
0x10b: {  	v13 =	vmul.f32 v15, v13;
	_ =	sdelay $0x1  }
0x10c: {  	[tilespmem:$0x19860] =	vst v13  }
0x10d: {  	v13 =	vld.idx.msk [tilespmem:v16+s18+$0x0], $0xffff  }
0x10e: {  	v14 =	vld.idx.msk [tilespmem:v14+s14+$0x0], $0xffff;
	_ =	sdelay $0x4  }
0x10f: {  	v13 =	vadd.f32 v14, v13;
	_ =	sdelay $0x1  }
0x110: {  	(xrf0) =	vmax.scan.msk.f32 $0xffff, v13;
	_ =	sdelay $0x5  }
0x111: {  	v14, _, _ =	vpop (xrf0)  }
0x112: {  	v14 =	vbroadcast v14, $0xF;
	_ =	sdelay $0x1  }
0x113: {  	v13 =	vsub.f32 v13, v14;
	_ =	sdelay $0x1  }
0x114: {  	v13 =	vmul.f32 $1.442695020e+00, v13;
	_ =	sdelay $0x1  }
0x115: {  	(erf) = vpow2.f32 v13;
	_ =	sdelay $0x8  }
0x116: {  	v13 =	vpop (erf)  }
0x117: {  	(xrf2) =	vadd.scan.msk.f32 $0xffff, v13;
	_ =	sdelay $0x9  }
0x118: {  	v14, _, _ =	vpop (xrf2)  }
0x119: {  	v14 =	vbroadcast v14, $0xF;
	_ =	sdelay $0x1  }
0x11a: {  	(erf) = vrcp.f32 v14;
	_ =	sdelay $0x7  }
0x11b: {  	v14 =	vadd.s32 $0x1000, v11  }
0x11c: {  	v16 =	vadd.s32 $0x1000, v12;
	v15 =	vpop (erf)  }
0x11d: {  	v13 =	vmul.f32 v15, v13;
	_ =	sdelay $0x1  }
0x11e: {  	[tilespmem:$0x19870] =	vst v13  }
0x11f: {  	v13 =	vld.idx.msk [tilespmem:v14+s18+$0x0], $0xffff  }
0x120: {  	v14 =	vld.idx.msk [tilespmem:v16+s14+$0x0], $0xffff;
	_ =	sdelay $0x4  }
0x121: {  	v13 =	vadd.f32 v14, v13;
	_ =	sdelay $0x1  }
0x122: {  	(xrf0) =	vmax.scan.msk.f32 $0xffff, v13;
	_ =	sdelay $0x5  }
0x123: {  	v14, _, _ =	vpop (xrf0)  }
0x124: {  	v14 =	vbroadcast v14, $0xF;
	_ =	sdelay $0x1  }
0x125: {  	v13 =	vsub.f32 v13, v14;
	_ =	sdelay $0x1  }
0x126: {  	v13 =	vmul.f32 $1.442695020e+00, v13;
	_ =	sdelay $0x1  }
0x127: {  	(erf) = vpow2.f32 v13;
	_ =	sdelay $0x8  }
0x128: {  	v13 =	vpop (erf)  }
0x129: {  	(xrf2) =	vadd.scan.msk.f32 $0xffff, v13;
	_ =	sdelay $0x9  }
0x12a: {  	v14, _, _ =	vpop (xrf2)  }
0x12b: {  	v14 =	vbroadcast v14, $0xF;
	_ =	sdelay $0x1  }
0x12c: {  	(erf) = vrcp.f32 v14;
	_ =	sdelay $0x3  }
0x12d: {  	v14 =	vadd.s32 $0x240, v23  }
0x12e: {  	v15 =	vshll.u32 v14, $0x3  }
0x12f: {  	v15 =	vand.u32 $0xFFFFFC00, v15  }
0x130: {  	v14 =	vand.u32 $0x7F, v14  }
0x131: {  	v16 =	vadd.s32 $0x1080, v11;
	v14 =	vor.u32 v15, v14  }
0x132: {  	v14 =	vor.u32 v10, v14;
	v15 =	vpop (erf)  }
0x133: {  	v13 =	vmul.f32 v15, v13;
	_ =	sdelay $0x1  }
0x134: {  	[tilespmem:$0x19880] =	vst v13  }
0x135: {  	v13 =	vld.idx.msk [tilespmem:v16+s18+$0x0], $0xffff  }
0x136: {  	v14 =	vld.idx.msk [tilespmem:v14+s14+$0x0], $0xffff;
	_ =	sdelay $0x4  }
0x137: {  	v13 =	vadd.f32 v14, v13;
	_ =	sdelay $0x1  }
0x138: {  	(xrf0) =	vmax.scan.msk.f32 $0xffff, v13;
	_ =	sdelay $0x5  }
0x139: {  	v14, _, _ =	vpop (xrf0)  }
0x13a: {  	v14 =	vbroadcast v14, $0xF;
	_ =	sdelay $0x1  }
0x13b: {  	v13 =	vsub.f32 v13, v14;
	_ =	sdelay $0x1  }
0x13c: {  	v13 =	vmul.f32 $1.442695020e+00, v13;
	_ =	sdelay $0x1  }
0x13d: {  	(erf) = vpow2.f32 v13;
	_ =	sdelay $0x8  }
0x13e: {  	v13 =	vpop (erf)  }
0x13f: {  	(xrf2) =	vadd.scan.msk.f32 $0xffff, v13;
	_ =	sdelay $0x9  }
0x140: {  	v14, _, _ =	vpop (xrf2)  }
0x141: {  	v14 =	vbroadcast v14, $0xF;
	_ =	sdelay $0x1  }
0x142: {  	(erf) = vrcp.f32 v14;
	_ =	sdelay $0x7  }
0x143: {  	v14 =	vadd.s32 $0x1100, v11  }
0x144: {  	v12 =	vadd.s32 $0x1400, v12;
	v15 =	vpop (erf)  }
0x145: {  	v13 =	vmul.f32 v15, v13;
	_ =	sdelay $0x1  }
0x146: {  	[tilespmem:$0x19890] =	vst v13  }
0x147: {  	v13 =	vld.idx.msk [tilespmem:v14+s18+$0x0], $0xffff  }
0x148: {  	v12 =	vld.idx.msk [tilespmem:v12+s14+$0x0], $0xffff;
	_ =	sdelay $0x4  }
0x149: {  	v12 =	vadd.f32 v12, v13;
	_ =	sdelay $0x1  }
0x14a: {  	(xrf0) =	vmax.scan.msk.f32 $0xffff, v12;
	_ =	sdelay $0x5  }
0x14b: {  	v13, _, _ =	vpop (xrf0)  }
0x14c: {  	v13 =	vbroadcast v13, $0xF;
	_ =	sdelay $0x1  }
0x14d: {  	v12 =	vsub.f32 v12, v13;
	_ =	sdelay $0x1  }
0x14e: {  	v12 =	vmul.f32 $1.442695020e+00, v12;
	_ =	sdelay $0x1  }
0x14f: {  	(erf) = vpow2.f32 v12;
	_ =	sdelay $0x8  }
0x150: {  	v12 =	vpop (erf)  }
0x151: {  	(xrf2) =	vadd.scan.msk.f32 $0xffff, v12;
	_ =	sdelay $0x9  }
0x152: {  	v13, _, _ =	vpop (xrf2)  }
0x153: {  	v13 =	vbroadcast v13, $0xF;
	_ =	sdelay $0x1  }
0x154: {  	(erf) = vrcp.f32 v13;
	_ =	sdelay $0x3  }
0x155: {  	v13 =	vadd.s32 $0x2C0, v23  }
0x156: {  	v14 =	vshll.u32 v13, $0x3  }
0x157: {  	v14 =	vand.u32 $0xFFFFFC00, v14  }
0x158: {  	v13 =	vand.u32 $0x7F, v13  }
0x159: {  	v11 =	vadd.s32 $0x1180, v11;
	v13 =	vor.u32 v14, v13  }
0x15a: {  	v10 =	vor.u32 v10, v13;
	v14 =	vpop (erf)  }
0x15b: {  	v12 =	vmul.f32 v14, v12;
	_ =	sdelay $0x1  }
0x15c: {  	[tilespmem:$0x198A0] =	vst v12  }
0x15d: {  	v11 =	vld.idx.msk [tilespmem:v11+s18+$0x0], $0xffff  }
0x15e: {  	v10 =	vld.idx.msk [tilespmem:v10+s14+$0x0], $0xffff;
	_ =	sdelay $0x4  }
0x15f: {  	v10 =	vadd.f32 v10, v11;
	_ =	sdelay $0x1  }
0x160: {  	(xrf0) =	vmax.scan.msk.f32 $0xffff, v10;
	_ =	sdelay $0x5  }
0x161: {  	v11, _, _ =	vpop (xrf0)  }
0x162: {  	v11 =	vbroadcast v11, $0xF;
	_ =	sdelay $0x1  }
0x163: {  	v10 =	vsub.f32 v10, v11;
	_ =	sdelay $0x1  }
0x164: {  	v10 =	vmul.f32 $1.442695020e+00, v10;
	_ =	sdelay $0x1  }
0x165: {  	(erf) = vpow2.f32 v10;
	_ =	sdelay $0x8  }
0x166: {  	v10 =	vpop (erf)  }
0x167: {  	(xrf2) =	vadd.scan.msk.f32 $0xffff, v10;
	_ =	sdelay $0x9  }
0x168: {  	v11, _, _ =	vpop (xrf2)  }
0x169: {  	v11 =	vbroadcast v11, $0xF;
	_ =	sdelay $0x1  }
0x16a: {  	(erf) = vrcp.f32 v11;
	_ =	sdelay $0x4  }
0x16b: {  	v11 =	vbroadcast v23, $0x0;
	_ =	sdelay $0x1  }
0x16c: {  	v26 =	vmov s22;
	v12 =	vshrl.u32 v11, $0x3  }
0x16d: {  	v18 =	vbroadcast v23, $0x6;
	v11 =	vshll.u32 v11, $0x7;
	v12 =	vmul.u32 $0x1800, v12  }
0x16e: {  	v15 =	vbroadcast v23, $0x2;
	v13 =	vbroadcast v23, $0x1;
	v11 =	vand.u32 $0x380, v11;
	v14 =	vpop (erf)  }
0x16f: {  	v16 =	vbroadcast v23, $0x4;
	v19 =	vmul.f32 v14, v10;
	v10 =	vor.u32 v11, v12  }
0x170: {  	v11 =	vshrl.u32 v13, $0x3;
	v12 =	vshll.u32 v13, $0x7;
	v13 =	vshrl.u32 v15, $0x3  }
0x171: {  	v14 =	vshll.u32 v15, $0x7;
	v11 =	vmul.u32 $0x1800, v11;
	v13 =	vmul.u32 $0x1800, v13  }
0x172: {  	v15 =	vbroadcast v23, $0x3;
	v12 =	vand.u32 $0x380, v12;
	v14 =	vand.u32 $0x380, v14  }
0x173: {  	v22 =	vbroadcast v23, $0x8;
	v12 =	vor.u32 v12, v11;
	v20 =	vor.u32 v14, v13  }
0x174: {  	v11 =	vshrl.u32 v15, $0x3;
	v13 =	vshll.u32 v15, $0x7;
	v14 =	vshrl.u32 v16, $0x3  }
0x175: {  	v15 =	vshll.u32 v16, $0x7;
	v11 =	vmul.u32 $0x1800, v11;
	v14 =	vmul.u32 $0x1800, v14  }
0x176: {  	v16 =	vbroadcast v23, $0x5;
	v13 =	vand.u32 $0x380, v13;
	v17 =	vand.u32 $0x380, v15  }
0x177: {  	v25 =	vbroadcast v23, $0xA;
	v15 =	vor.u32 v13, v11;
	v11 =	vor.u32 v17, v14  }
0x178: {  	v13 =	vshrl.u32 v16, $0x3;
	v14 =	vshll.u32 v16, $0x7;
	v16 =	vshrl.u32 v18, $0x3  }
0x179: {  	v13 =	vmul.u32 $0x1800, v13;
	v17 =	vmul.u32 $0x1800, v16;
	v16 =	vshll.u32 v18, $0x7  }
0x17a: {  	v18 =	vbroadcast v23, $0x7;
	v14 =	vand.u32 $0x380, v14;
	v21 =	vand.u32 $0x380, v16  }
0x17b: {  	v31 =	vbroadcast v23, $0xD;
	v16 =	vor.u32 v14, v13;
	v13 =	vor.u32 v21, v17  }
0x17c: {  	v14 =	vshrl.u32 v18, $0x3;
	v17 =	vshll.u32 v18, $0x7;
	v18 =	vshrl.u32 v22, $0x3  }
0x17d: {  	v21 =	vshll.u32 v22, $0x7;
	v14 =	vmul.u32 $0x1800, v14;
	v18 =	vmul.u32 $0x1800, v18  }
0x17e: {  	v22 =	vbroadcast v23, $0x9;
	v17 =	vand.u32 $0x380, v17;
	v24 =	vand.u32 $0x380, v21  }
0x17f: {  	v34 =	vbroadcast v23, $0xE;
	v21 =	vor.u32 v17, v14;
	v17 =	vor.u32 v24, v18  }
0x180: {  	v14 =	vshrl.u32 v22, $0x3;
	v18 =	vshll.u32 v22, $0x7;
	v22 =	vshrl.u32 v25, $0x3  }
0x181: {  	v24 =	vshll.u32 v25, $0x7;
	v14 =	vmul.u32 $0x1800, v14;
	v22 =	vmul.u32 $0x1800, v22  }
0x182: {  	v25 =	vbroadcast v23, $0xB;
	v18 =	vand.u32 $0x380, v18;
	v24 =	vand.u32 $0x380, v24  }
0x183: {  	v18 =	vor.u32 v18, v14;
	v14 =	vor.u32 v24, v22;
	v22 =	vshll.u32 v26, $0x3  }
0x184: {  	v33 =	vshrl.u32 v31, $0x3;
	v26 =	vor.u32 s22, v1;
	v28 =	vand.u32 $0x1C00, v22  }
0x185: {  	v24 =	vshrl.u32 v25, $0x3;
	v26 =	vand.u32 $0x7F, v26;
	v27 =	vadd.s32 v20, v28  }
0x186: {  	v22 =	vbroadcast v23, $0xC;
	v30 =	vadd.s32 v10, v28;
	v27 =	vor.u32 v26, v27  }
0x187: {  	v25 =	vshll.u32 v25, $0x7;
	v24 =	vmul.u32 $0x1800, v24;
	v30 =	vor.u32 v26, v30  }
0x188: {  	s31 =	sand.u32 $0x70, s22;
	s3 =	sand.u32 $0x1C00, s22;
	v25 =	vand.u32 $0x380, v25;
	v29 =	vshrl.u32 v22, $0x3;
	v22 =	vshll.u32 v22, $0x7  }
0x189: {  	s0 =	sor.u32 s31, s3;
	[tilespmem:$0x198B0] =	vst v19;
	v29 =	vmul.u32 $0x1800, v29;
	v32 =	vand.u32 $0x380, v22;
	v22 =	vadd.s32 v12, v28  }
0x18a: {  	v35 =	vor.u32 v26, v22;
	v22 =	vor.u32 v25, v24;
	v25 =	vshll.u32 v31, $0x7;
	v31 =	vld [tilespmem:s0+$0x11800]  }
0x18b: {  	s2 =	sand.u32 $0x3C0, s22;
	v36 =	vbroadcast v23, $0xF;
	v42 =	vadd.s32 v15, v28;
	v19 =	vor.u32 v32, v29;
	v29 =	vld.idx.msk [tilespmem:v27+s4+$0x0], $0xffff  }
0x18c: {  	s2 =	sshrl.u32 s2, $0x2;
	v23 =	vadd.s32 v11, v28;
	v37 =	vadd.s32 v16, v28;
	v27 =	vshrl.u32 v34, $0x3;
	v30 =	vld.idx.msk [tilespmem:v30+s4+$0x0], $0xffff  }
0x18d: {  	s16 =	sadd.s32 $0x11800, s0;
	v39 =	vadd.s32 v13, v28;
	v32 =	vor.u32 v26, v42;
	v43 =	vmul.u32 $0x1800, v27;
	v27 =	vld [tilespmem:s2+$0x19800]  }
0x18e: {  	v46 =	vld [tilespmem:s16+$0x80];
	v40 =	vadd.s32 v21, v28;
	v48 =	vadd.s32 v17, v28;
	v52 =	vadd.s32 v18, v28  }
0x18f: {  	v54 =	vadd.s32 v14, v28;
	v45 =	vor.u32 v26, v23;
	v37 =	vor.u32 v26, v37;
	v44 =	vld.idx.msk [tilespmem:v35+s4+$0x0], $0xffff  }
0x190: {  	v38 =	vld [tilespmem:s16+$0x100];
	v39 =	vor.u32 v26, v39;
	v47 =	vor.u32 v26, v40;
	v51 =	vor.u32 v26, v48  }
0x191: {  	v41 =	vld [tilespmem:s16+$0x180];
	v40 =	vor.u32 v26, v52;
	v57 =	vor.u32 v26, v54;
	v24 =	vmul.u32 $0x1800, v33  }
0x192: {  	v25 =	vand.u32 $0x380, v25;
	v32 =	vld.idx.msk [tilespmem:v32+s4+$0x0], $0xffff;
	v30 =	vadd.f32 v30, v31;
	v31 =	vbroadcast v27, $0x0  }
0x193: {  	v50 =	vld [tilespmem:s16+$0x200];
	v58 =	vadd.s32 v22, v28;
	v24 =	vor.u32 v25, v24;
	v60 =	vadd.s32 v19, v28  }
0x194: {  	v35 =	vld.idx.msk [tilespmem:v45+s4+$0x0], $0xffff;
	v49 =	vbroadcast v27, $0x1;
	v30 =	vmul.f32 v30, v31;
	v31 =	vadd.f32 v44, v46  }
0x195: {  	v42 =	vld [tilespmem:s16+$0x280];
	v34 =	vshll.u32 v34, $0x7;
	v63 =	vor.u32 v26, v60;
	v29 =	vadd.f32 v29, v38  }
0x196: {  	v37 =	vld.idx.msk [tilespmem:v37+s4+$0x0], $0xffff;
	v53 =	vbroadcast v27, $0x2;
	v30 =	vadd.f32 $0.0e+00, v30;
	v31 =	vmul.f32 v31, v49  }
0x197: {  	v55 =	vld [tilespmem:s16+$0x300];
	v25 =	vand.u32 $0x380, v34;
	v45 =	vadd.s32 v24, v28;
	v32 =	vadd.f32 v32, v41  }
0x198: {  	s17 =	sor.u32 s22, s22;
	v39 =	vld.idx.msk [tilespmem:v39+s4+$0x0], $0xffff;
	v29 =	vmul.f32 v29, v53;
	v30 =	vadd.f32 v31, v30;
	v31 =	vbroadcast v27, $0x3  }
0x199: {  	v56 =	vld.idx.msk [tilespmem:v47+s4+$0x0], $0xffff;
	s2 =	sor.u32 $0x380, s17;
	v23 =	vor.u32 v25, v43;
	v25 =	vshrl.u32 v36, $0x3;
	v34 =	vadd.f32 v35, v50  }
0x19a: {  	v59 =	vld [tilespmem:s2+$0x11800];
	v29 =	vadd.f32 v29, v30;
	v30 =	vmul.f32 v32, v31;
	v31 =	vbroadcast v27, $0x4  }
0x19b: {  	v61 =	vld [tilespmem:s0+$0x13000];
	v36 =	vshll.u32 v36, $0x7;
	v25 =	vmul.u32 $0x1800, v25;
	v37 =	vadd.f32 v37, v42  }
0x19c: {  	v38 =	vld.idx.msk [tilespmem:v51+s4+$0x0], $0xffff;
	v29 =	vadd.f32 v30, v29;
	v30 =	vmul.f32 v34, v31;
	v31 =	vbroadcast v27, $0x5  }
0x19d: {  	v62 =	vld.idx.msk [tilespmem:v40+s4+$0x0], $0xffff;
	v36 =	vand.u32 $0x380, v36;
	v33 =	vadd.f32 v39, v55;
	v41 =	vor.u32 v26, v58  }
0x19e: {  	v46 =	vld [tilespmem:s0+$0x13080];
	v29 =	vadd.f32 v30, v29;
	v30 =	vmul.f32 v37, v31;
	v31 =	vbroadcast v27, $0x6  }
0x19f: {  	v47 =	vld.idx.msk [tilespmem:v57+s4+$0x0], $0xffff;
	v48 =	vor.u32 v26, v45;
	v25 =	vor.u32 v36, v25;
	v32 =	vadd.f32 v56, v59  }
0x1a0: {  	v50 =	vld [tilespmem:s0+$0x13100];
	v29 =	vadd.f32 v30, v29;
	v30 =	vmul.f32 v33, v31;
	v31 =	vbroadcast v27, $0x7  }
0x1a1: {  	v53 =	vld [tilespmem:s0+$0x13180];
	v49 =	vadd.s32 v23, v28;
	v28 =	vadd.s32 v25, v28;
	v34 =	vadd.f32 v38, v61  }
0x1a2: {  	v51 =	vld.idx.msk [tilespmem:v41+s4+$0x0], $0xffff;
	v29 =	vadd.f32 v30, v29;
	v30 =	vmul.f32 v32, v31;
	v31 =	vbroadcast v27, $0x8  }
0x1a3: {  	v54 =	vld.idx.msk [tilespmem:v63+s4+$0x0], $0xffff;
	v52 =	vor.u32 v26, v49;
	v26 =	vor.u32 v26, v28;
	v37 =	vadd.f32 v62, v46  }
0x1a4: {  	v28 =	vadd.f32 v30, v29;
	v29 =	vmul.f32 v34, v31;
	v30 =	vbroadcast v27, $0x9;
	v31 =	vld [tilespmem:s0+$0x13200]  }
0x1a5: {  	v55 =	vld.idx.msk [tilespmem:v48+s4+$0x0], $0xffff;
	v33 =	vadd.f32 v47, v50  }
0x1a6: {  	v56 =	vld [tilespmem:s0+$0x13280];
	v28 =	vadd.f32 v29, v28;
	v29 =	vmul.f32 v37, v30;
	v30 =	vbroadcast v27, $0xA  }
0x1a7: {  	v58 =	vld [tilespmem:s0+$0x13300];
	v32 =	vadd.f32 v51, v53  }
0x1a8: {  	v57 =	vld.idx.msk [tilespmem:v52+s4+$0x0], $0xffff;
	v28 =	vadd.f32 v29, v28;
	v29 =	vmul.f32 v33, v30;
	v30 =	vbroadcast v27, $0xB  }
0x1a9: {  	v31 =	vadd.f32 v54, v31  }
0x1aa: {  	v59 =	vld.idx.msk [tilespmem:v26+s4+$0x0], $0xffff;
	v26 =	vadd.f32 v29, v28;
	v28 =	vmul.f32 v32, v30;
	v29 =	vbroadcast v27, $0xC  }
0x1ab: {  	v34 =	vadd.f32 v55, v56;
	v30 =	vld [tilespmem:s0+$0x13380]  }
0x1ac: {  	s30 =	simm.s32 $0x10;
	v26 =	vadd.f32 v28, v26;
	v28 =	vmul.f32 v31, v29;
	v29 =	vbroadcast v27, $0xD  }
0x1ad: {  	v60 =	vmov s30;
	v63 =	vbroadcast v27, $0xE;
	v61 =	vadd.f32 v57, v58  }
0x1ae: {  	v31 =	vshll.u32 v60, $0x3;
	v62 =	vadd.f32 v28, v26;
	v34 =	vmul.f32 v34, v29  }
0x1af: {  	v27 =	vbroadcast v27, $0xF;
	v28 =	vor.u32 s30, v1;
	v26 =	vand.u32 $0x1C00, v31  }
0x1b0: {  	s3 =	simm.s32 $0x0;
	s2 =	simm.s32 $0x20;
	s0 =	simm.s32 $0x0;
	v31 =	vmul.f32 v61, v63;
	v29 =	vadd.f32 v59, v30;
	v30 =	vadd.f32 v34, v62  }
.LBB2_4:
0x1b1: {  	p0 =	sne.s32 s2, $0x2F0;
	v28 =	vand.u32 $0x7F, v28;
	v32 =	vadd.s32 v20, v26  }
0x1b2: {  	v32 =	vor.u32 v28, v32;
	v30 =	vadd.f32 v31, v30;
	v27 =	vmul.f32 v29, v27  }
0x1b3: {  	s16 =	sadd.s32 s3, s24;
	s3 =	smov.u32 s30;
	s30 =	smov.u32 s2;
	v29 =	vadd.s32 v10, v26  }
0x1b4: {  	s16 =	sand.u32 $0x3F80, s16;
	v29 =	vor.u32 v28, v29;
	v27 =	vadd.f32 v27, v30  }
0x1b5: {  	s0 =	sadd.s32 $0x80, s0;
	s16 =	sor.u32 s31, s16;
	v30 =	vadd.s32 v12, v26  }
0x1b6: {  	s17 =	sand.u32 $0x1C00, s0;
	s31 =	sand.u32 $0x70, s3;
	v30 =	vor.u32 v28, v30;
	[tilespmem:s16+$0xD800] =	vst v27  }
0x1b7: {  	s16 =	sor.u32 s31, s17;
	v31 =	vld.idx.msk [tilespmem:v32+s4+$0x0], $0xffff  }
0x1b8: {  	s17 =	sand.u32 $0x3C0, s3;
	v27 =	vadd.s32 v15, v26;
	v32 =	vld [tilespmem:s16+$0x11800]  }
0x1b9: {  	s17 =	sshrl.u32 s17, $0x2;
	v33 =	vor.u32 v28, v27;
	v29 =	vld.idx.msk [tilespmem:v29+s4+$0x0], $0xffff  }
0x1ba: {  	v34 =	vadd.s32 v11, v26;
	v27 =	vld [tilespmem:s17+$0x19800]  }
0x1bb: {  	v34 =	vor.u32 v28, v34;
	s17 =	sadd.s32 $0x11800, s16;
	v30 =	vld.idx.msk [tilespmem:v30+s4+$0x0], $0xffff  }
0x1bc: {  	v36 =	vadd.s32 v16, v26;
	v35 =	vld [tilespmem:s17+$0x80]  }
0x1bd: {  	v36 =	vor.u32 v28, v36;
	v37 =	vld [tilespmem:s17+$0x100]  }
0x1be: {  	v38 =	vadd.s32 v13, v26;
	v39 =	vadd.s32 v21, v26;
	v33 =	vld.idx.msk [tilespmem:v33+s4+$0x0], $0xffff  }
0x1bf: {  	v38 =	vor.u32 v28, v38;
	v29 =	vadd.f32 v29, v32;
	v32 =	vbroadcast v27, $0x0;
	v40 =	vld [tilespmem:s17+$0x180]  }
0x1c0: {  	v41 =	vadd.s32 v17, v26;
	v39 =	vor.u32 v28, v39;
	v34 =	vld.idx.msk [tilespmem:v34+s4+$0x0], $0xffff  }
0x1c1: {  	v29 =	vmul.f32 v29, v32;
	v30 =	vadd.f32 v30, v35;
	v32 =	vbroadcast v27, $0x1;
	v35 =	vld [tilespmem:s17+$0x200]  }
0x1c2: {  	v31 =	vadd.f32 v31, v37;
	v36 =	vld.idx.msk [tilespmem:v36+s4+$0x0], $0xffff;
	v37 =	vor.u32 v28, v41;
	v41 =	vadd.s32 v18, v26  }
0x1c3: {  	v29 =	vadd.f32 $0.0e+00, v29;
	v30 =	vmul.f32 v30, v32;
	v32 =	vbroadcast v27, $0x2;
	v42 =	vld [tilespmem:s17+$0x280]  }
0x1c4: {  	v33 =	vadd.f32 v33, v40;
	v38 =	vld.idx.msk [tilespmem:v38+s4+$0x0], $0xffff;
	v40 =	vor.u32 v28, v41;
	v41 =	vadd.s32 v14, v26  }
0x1c5: {  	v29 =	vadd.f32 v30, v29;
	v30 =	vmul.f32 v31, v32;
	v31 =	vbroadcast v27, $0x3;
	v32 =	vld [tilespmem:s17+$0x300];
	s17 =	sor.u32 s0, s3  }
0x1c6: {  	v34 =	vadd.f32 v34, v35;
	s17 =	sor.u32 $0x380, s17;
	v35 =	vld.idx.msk [tilespmem:v39+s4+$0x0], $0xffff;
	v39 =	vor.u32 v28, v41;
	v41 =	vadd.s32 v22, v26  }
0x1c7: {  	v29 =	vadd.f32 v30, v29;
	v30 =	vmul.f32 v33, v31;
	v31 =	vbroadcast v27, $0x4;
	v33 =	vld [tilespmem:s17+$0x11800]  }
0x1c8: {  	v41 =	vor.u32 v28, v41;
	v36 =	vadd.f32 v36, v42;
	v37 =	vld.idx.msk [tilespmem:v37+s4+$0x0], $0xffff;
	v42 =	vadd.s32 v19, v26  }
0x1c9: {  	v29 =	vadd.f32 v30, v29;
	v30 =	vmul.f32 v34, v31;
	v31 =	vbroadcast v27, $0x5;
	v34 =	vld [tilespmem:s16+$0x13000]  }
0x1ca: {  	v32 =	vadd.f32 v38, v32;
	v38 =	vld.idx.msk [tilespmem:v40+s4+$0x0], $0xffff;
	v40 =	vor.u32 v28, v42;
	v42 =	vadd.s32 v24, v26  }
0x1cb: {  	v29 =	vadd.f32 v30, v29;
	v30 =	vmul.f32 v36, v31;
	v31 =	vbroadcast v27, $0x6;
	v36 =	vld [tilespmem:s16+$0x13080]  }
0x1cc: {  	v33 =	vadd.f32 v35, v33;
	v35 =	vld.idx.msk [tilespmem:v39+s4+$0x0], $0xffff;
	v39 =	vor.u32 v28, v42;
	v42 =	vadd.s32 v23, v26  }
0x1cd: {  	v29 =	vadd.f32 v30, v29;
	v30 =	vmul.f32 v32, v31;
	v31 =	vbroadcast v27, $0x7;
	v32 =	vld [tilespmem:s16+$0x13100]  }
0x1ce: {  	v26 =	vadd.s32 v25, v26;
	v34 =	vadd.f32 v37, v34;
	v37 =	vld.idx.msk [tilespmem:v41+s4+$0x0], $0xffff;
	v41 =	vor.u32 v28, v42  }
0x1cf: {  	v29 =	vadd.f32 v30, v29;
	v30 =	vmul.f32 v33, v31;
	v31 =	vbroadcast v27, $0x8;
	v33 =	vld [tilespmem:s16+$0x13180]  }
0x1d0: {  	v26 =	vor.u32 v28, v26;
	v36 =	vadd.f32 v38, v36;
	v38 =	vld.idx.msk [tilespmem:v40+s4+$0x0], $0xffff  }
0x1d1: {  	v28 =	vadd.f32 v30, v29;
	v29 =	vmul.f32 v34, v31;
	v30 =	vbroadcast v27, $0x9;
	v31 =	vld [tilespmem:s16+$0x13200]  }
0x1d2: {  	v32 =	vadd.f32 v35, v32;
	v34 =	vld.idx.msk [tilespmem:v39+s4+$0x0], $0xffff  }
0x1d3: {  	v28 =	vadd.f32 v29, v28;
	v29 =	vmul.f32 v36, v30;
	v30 =	vbroadcast v27, $0xA;
	v35 =	vld [tilespmem:s16+$0x13280]  }
0x1d4: {  	v33 =	vadd.f32 v37, v33;
	v36 =	vld.idx.msk [tilespmem:v41+s4+$0x0], $0xffff  }
0x1d5: {  	v28 =	vadd.f32 v29, v28;
	v29 =	vmul.f32 v32, v30;
	v30 =	vbroadcast v27, $0xB;
	v32 =	vld [tilespmem:s16+$0x13300]  }
0x1d6: {  	v31 =	vadd.f32 v38, v31;
	v37 =	vld.idx.msk [tilespmem:v26+s4+$0x0], $0xffff  }
0x1d7: {  	v26 =	vadd.f32 v29, v28;
	v28 =	vmul.f32 v33, v30;
	v29 =	vbroadcast v27, $0xC;
	v30 =	vld [tilespmem:s16+$0x13380]  }
0x1d8: {  	v33 =	vmov s2;
	v34 =	vadd.f32 v34, v35  }
.Ltmp6:
0x1d9: {  	v26 =	vadd.f32 v28, v26;
	v28 =	vmul.f32 v31, v29;
	v29 =	vbroadcast v27, $0xD;
	(pc) =	sbr.rel @p0 .LBB2_4-.Ltmp6, $4  }
0x1da: {  	v31 =	vshll.u32 v33, $0x3;
	v32 =	vadd.f32 v36, v32  }
0x1db: {  	v35 =	vbroadcast v27, $0xE;
	v33 =	vadd.f32 v28, v26;
	v34 =	vmul.f32 v34, v29  }
0x1dc: {  	v28 =	vor.u32 s2, v1;
	v26 =	vand.u32 $0x1C00, v31;
	v29 =	vadd.f32 v37, v30  }
0x1dd: {  	v27 =	vbroadcast v27, $0xF;
	s2 =	sadd.s32 $0x10, s2;
	v31 =	vmul.f32 v32, v35;
	v30 =	vadd.f32 v34, v33  }
0x1de: {  	v28 =	vand.u32 $0x7F, v28  }
0x1df: {  	v10 =	vadd.s32 v10, v26;
	v30 =	vadd.f32 v31, v30;
	v27 =	vmul.f32 v29, v27  }
0x1e0: {  	s2 =	sadd.s32 s3, s24;
	v10 =	vor.u32 v28, v10  }
0x1e1: {  	v12 =	vadd.s32 v12, v26;
	s3 =	sadd.s32 $0x80, s0;
	s2 =	sand.u32 $0x3F80, s2;
	v27 =	vadd.f32 v27, v30  }
0x1e2: {  	s0 =	sand.u32 $0x70, s30;
	s16 =	sand.u32 $0x1C00, s3;
	v12 =	vor.u32 v28, v12;
	s2 =	sor.u32 s31, s2  }
0x1e3: {  	v20 =	vadd.s32 v20, v26;
	[tilespmem:s2+$0xD800] =	vst v27;
	s2 =	sor.u32 s0, s16  }
0x1e4: {  	v20 =	vor.u32 v28, v20;
	s31 =	sand.u32 $0x3C0, s30;
	v27 =	vld [tilespmem:s2+$0x11800]  }
0x1e5: {  	v15 =	vadd.s32 v15, v26;
	s16 =	sshrl.u32 s31, $0x2;
	v10 =	vld.idx.msk [tilespmem:v10+s4+$0x0], $0xffff  }
0x1e6: {  	v15 =	vor.u32 v28, v15;
	v29 =	vld [tilespmem:s16+$0x19800]  }
0x1e7: {  	v11 =	vadd.s32 v11, v26;
	s17 =	sadd.s32 $0x11800, s2;
	v12 =	vld.idx.msk [tilespmem:v12+s4+$0x0], $0xffff  }
0x1e8: {  	v11 =	vor.u32 v28, v11;
	v54 =	vld [tilespmem:s17+$0x80]  }
0x1e9: {  	v16 =	vadd.s32 v16, v26;
	v20 =	vld.idx.msk [tilespmem:v20+s4+$0x0], $0xffff  }
0x1ea: {  	v16 =	vor.u32 v28, v16;
	v55 =	vld [tilespmem:s17+$0x100]  }
0x1eb: {  	v13 =	vadd.s32 v13, v26;
	v15 =	vld.idx.msk [tilespmem:v15+s4+$0x0], $0xffff;
	v10 =	vadd.f32 v10, v27;
	v56 =	vbroadcast v29, $0x0  }
0x1ec: {  	v21 =	vadd.s32 v21, v26;
	v13 =	vor.u32 v28, v13;
	v32 =	vld [tilespmem:s17+$0x180]  }
0x1ed: {  	v11 =	vld.idx.msk [tilespmem:v11+s4+$0x0], $0xffff;
	v57 =	vbroadcast v29, $0x1;
	v12 =	vadd.f32 v12, v54;
	v10 =	vmul.f32 v10, v56  }
0x1ee: {  	v17 =	vadd.s32 v17, v26;
	v21 =	vor.u32 v28, v21;
	v58 =	vld [tilespmem:s17+$0x200];
	v59 =	vbroadcast v29, $0x2  }
0x1ef: {  	v16 =	vld.idx.msk [tilespmem:v16+s4+$0x0], $0xffff;
	v20 =	vadd.f32 v20, v55;
	v12 =	vmul.f32 v12, v57;
	v10 =	vadd.f32 $0.0e+00, v10  }
0x1f0: {  	v18 =	vadd.s32 v18, v26;
	v17 =	vor.u32 v28, v17;
	v60 =	vld [tilespmem:s17+$0x280];
	v62 =	vbroadcast v29, $0x3  }
0x1f1: {  	v13 =	vld.idx.msk [tilespmem:v13+s4+$0x0], $0xffff;
	v15 =	vadd.f32 v15, v32;
	v61 =	vmul.f32 v20, v59;
	v10 =	vadd.f32 v12, v10  }
0x1f2: {  	v14 =	vadd.s32 v14, v26;
	v18 =	vor.u32 v28, v18;
	s3 =	sor.u32 s3, s30;
	v63 =	vld [tilespmem:s17+$0x300];
	v33 =	vbroadcast v29, $0x4  }
0x1f3: {  	s3 =	sor.u32 $0x380, s3;
	v21 =	vld.idx.msk [tilespmem:v21+s4+$0x0], $0xffff;
	v11 =	vadd.f32 v11, v58;
	v32 =	vmul.f32 v15, v62;
	v10 =	vadd.f32 v61, v10  }
0x1f4: {  	v22 =	vadd.s32 v22, v26;
	v14 =	vor.u32 v28, v14;
	v34 =	vld [tilespmem:s3+$0x11800];
	v35 =	vbroadcast v29, $0x5  }
0x1f5: {  	v17 =	vld.idx.msk [tilespmem:v17+s4+$0x0], $0xffff;
	v16 =	vadd.f32 v16, v60;
	v11 =	vmul.f32 v11, v33;
	v10 =	vadd.f32 v32, v10  }
0x1f6: {  	v19 =	vadd.s32 v19, v26;
	v22 =	vor.u32 v28, v22;
	v36 =	vld [tilespmem:s2+$0x13000];
	v37 =	vbroadcast v29, $0x6  }
0x1f7: {  	v18 =	vld.idx.msk [tilespmem:v18+s4+$0x0], $0xffff;
	v13 =	vadd.f32 v13, v63;
	v10 =	vadd.f32 v11, v10;
	v11 =	vmul.f32 v16, v35  }
0x1f8: {  	v24 =	vadd.s32 v24, v26;
	v19 =	vor.u32 v28, v19;
	v38 =	vld [tilespmem:s2+$0x13080];
	v40 =	vbroadcast v29, $0x7  }
0x1f9: {  	v14 =	vld.idx.msk [tilespmem:v14+s4+$0x0], $0xffff;
	v20 =	vadd.f32 v21, v34;
	v10 =	vadd.f32 v11, v10;
	v11 =	vmul.f32 v13, v37  }
0x1fa: {  	v23 =	vadd.s32 v23, v26;
	v39 =	vor.u32 v28, v24;
	v41 =	vld [tilespmem:s2+$0x13100];
	v45 =	vbroadcast v29, $0x8  }
0x1fb: {  	v42 =	vld.idx.msk [tilespmem:v22+s4+$0x0], $0xffff;
	v15 =	vadd.f32 v17, v36;
	v10 =	vadd.f32 v11, v10;
	v11 =	vmul.f32 v20, v40  }
0x1fc: {  	v44 =	vadd.s32 v25, v26;
	v43 =	vor.u32 v28, v23;
	v46 =	vld [tilespmem:s2+$0x13180];
	v49 =	vbroadcast v29, $0x9  }
0x1fd: {  	v47 =	vld.idx.msk [tilespmem:v19+s4+$0x0], $0xffff;
	v16 =	vadd.f32 v18, v38;
	v10 =	vadd.f32 v11, v10;
	v11 =	vmul.f32 v15, v45  }
0x1fe: {  	v48 =	vor.u32 v28, v44;
	v50 =	vld [tilespmem:s2+$0x13200];
	v52 =	vbroadcast v29, $0xA  }
0x1ff: {  	v51 =	vld.idx.msk [tilespmem:v39+s4+$0x0], $0xffff;
	v13 =	vadd.f32 v14, v41;
	v10 =	vadd.f32 v11, v10;
	v11 =	vmul.f32 v16, v49  }
0x200: {  	v53 =	vld [tilespmem:s2+$0x13280];
	v55 =	vbroadcast v29, $0xB  }
0x201: {  	v54 =	vld.idx.msk [tilespmem:v43+s4+$0x0], $0xffff;
	v17 =	vadd.f32 v42, v46;
	v10 =	vadd.f32 v11, v10;
	v11 =	vmul.f32 v13, v52  }
0x202: {  	v58 =	vbroadcast v29, $0xC;
	v56 =	vld [tilespmem:s2+$0x13300]  }
0x203: {  	v57 =	vld.idx.msk [tilespmem:v48+s4+$0x0], $0xffff;
	v15 =	vadd.f32 v47, v50;
	v10 =	vadd.f32 v11, v10;
	v11 =	vmul.f32 v17, v55  }
0x204: {  	v60 =	vbroadcast v29, $0xD;
	v59 =	vld [tilespmem:s2+$0x13380]  }
0x205: {  	v14 =	vadd.f32 v51, v53;
	v10 =	vadd.f32 v11, v10;
	v11 =	vmul.f32 v15, v58  }
0x206: {  	v61 =	vbroadcast v29, $0xE  }
0x207: {  	v13 =	vadd.f32 v54, v56;
	v10 =	vadd.f32 v11, v10;
	v11 =	vmul.f32 v14, v60  }
0x208: {  	v63 =	vbroadcast v29, $0xF  }
0x209: {  	v62 =	vadd.f32 v57, v59;
	v10 =	vadd.f32 v11, v10;
	v11 =	vmul.f32 v13, v61  }
0x20a: {  	p0 =	sgt.u32 s28, $0x3D  }
.Ltmp7:
0x20b: {  	v10 =	vadd.f32 v11, v10;
	v11 =	vmul.f32 v62, v63;
	(pc) =	sbr.rel @p0 .LBB2_7-.Ltmp7, $4  }
0x20c: {  	s31 =	sadd.s32 s30, s24  }
0x20d: {  	s2 =	sand.u32 $0x3F80, s31;
	v10 =	vadd.f32 v11, v10  }
0x20e: {  	s0 =	sor.u32 s0, s2  }
0x20f: {  	[tilespmem:s0+$0xD800] =	vst v10  }
0x210: {  	s0 =	sadd.s32 $0x2, s28  }
0x211: {  	s2 =	sadd.s32 s8, s0  }
0x212: {  	s3 =	sshrl.u32 s2, $0x9  }
0x213: {  	s3 =	smul.u32 $0x1800, s3  }
0x214: {  	s2 =	sand.u32 $0x1FE, s2  }
0x215: {  	s2 =	sor.u32 s2, s3  }
0x216: {  	v10 =	vmov s2  }
0x217: {  	v11 =	vshll.u32 v10, $0x2  }
0x218: {  	s0 =	sshll.u32 s0, $0x4;
	v11 =	vadd.s32 v0, v11  }
0x219: {  	s0 =	sand.u32 $0x3FFFFFF0, s0;
	v10 =	vand.u32 $0x6, v10;
	v11 =	vand.u32 $0xFFFFFFE0, v11  }
0x21a: {  	v12 =	vld [tilespmem:s0+$0xF000];
	v10 =	vor.u32 v10, v11  }
0x21b: {  	v11 =	vperm.xlane v10, v2;
	_ =	sdelay $0x1  }
0x21c: {  	v11 =	vadd.s32 v4, v11;
	_ =	sdelay $0x1  }
0x21d: {  	v13 =	vshrl.u32 v12, $0x3;
	v10 =	vperm.xlane v10, v3  }
0x21e: {  	v13 =	vmul.u32 $0x30, v13  }
0x21f: {  	v12 =	vand.u32 $0x7, v12;
	v10 =	vadd.s32 v4, v10  }
0x220: {  	v12 =	vor.u32 v12, v13;
	[tilespmem:s18], [sflag:$0x1] =	stream.indirect_vreg.gather [hbm4b:s6+s4], $0x80, v11, vm0, $0xb8;
	[tilespmem:$0x19900] =	vst v63  }
0x221: {  	s30 =	simm.s32 $0x10000;
	v13 =	vperm.xlane v12, v2  }
0x222: {  	[tilespmem:s30], [sflag:$0x1] =	stream.indirect_vreg.gather [hbm4b:s11+s4], $0x80, v11, vm0, $0xb8;
	[tilespmem:$0x19900] =	vst v63  }
0x223: {  	s31 =	simm.s32 $0x10800;
	v11 =	vadd.s32 v4, v13  }
0x224: {  	[tilespmem:s31], [sflag:$0x1] =	stream.indirect_vreg.gather [hbm4b:s6+s4], $0x80, v10, vm0, $0xb8;
	[tilespmem:$0x19900] =	vst v63  }
0x225: {  	s2 =	simm.s32 $0x11000  }
0x226: {  	[tilespmem:s2], [sflag:$0x1] =	stream.indirect_vreg.gather [hbm4b:s11+s4], $0x80, v10, vm0, $0xb8;
	[tilespmem:$0x19900] =	vst v63  }
0x227: {  	s3 =	simm.s32 $0x11800;
	v10 =	vperm.xlane v12, v3  }
0x228: {  	[tilespmem:s3], [sflag:$0x2] =	stream.indirect_vreg.gather [hbm4b:s5+s4], $0x80, v11, vm0, $0xb8;
	[tilespmem:$0x19900] =	vst v63  }
0x229: {  	s16 =	simm.s32 $0x12000;
	v10 =	vadd.s32 v4, v10  }
0x22a: {  	[tilespmem:s16], [sflag:$0x2] =	stream.indirect_vreg.gather [hbm4b:s12+s4], $0x80, v11, vm0, $0xb8;
	[tilespmem:$0x19900] =	vst v63  }
0x22b: {  	s17 =	simm.s32 $0x12800  }
0x22c: {  	[tilespmem:s17], [sflag:$0x2] =	stream.indirect_vreg.gather [hbm4b:s13+s4], $0x80, v11, vm0, $0xb8;
	[tilespmem:$0x19900] =	vst v63  }
0x22d: {  	s28 =	simm.s32 $0x13000  }
0x22e: {  	[tilespmem:s28], [sflag:$0x2] =	stream.indirect_vreg.gather [hbm4b:s5+s4], $0x80, v10, vm0, $0xb8;
	[tilespmem:$0x19900] =	vst v63  }
0x22f: {  	s30 =	simm.s32 $0x13800  }
0x230: {  	[tilespmem:s30], [sflag:$0x2] =	stream.indirect_vreg.gather [hbm4b:s12+s4], $0x80, v10, vm0, $0xb8;
	[tilespmem:$0x19900] =	vst v63  }
0x231: {  	s31 =	simm.s32 $0x14000  }
0x232: {  	[tilespmem:s31], [sflag:$0x2] =	stream.indirect_vreg.gather [hbm4b:s13+s4], $0x80, v10, vm0, $0xb8;
	[tilespmem:$0x19900] =	vst v63  }
.LBB2_7:
0x233: {  	_ =	swait.ge [sflag:s15], $0x2000  }
0x234: {  	[sflag:s15] =	ssyncset.done $0x0  }
0x235: {  	[sflag:s15] =	ssyncadd.s32 $0xFFFFE000  }
0x236: {  	s0 =	sor.u32 $0x1, s26;
	_ =	swait.ge [sflag:s19], $0x3000  }
0x237: {  	s26 =	sor.u32 s21, s0;
	[sflag:s19] =	ssyncset.done $0x0  }
0x238: {  	s2 =	sshll.u32 s26, $0x4;
	[sflag:s19] =	ssyncadd.s32 $0xFFFFD000  }
0x239: {  	v10 =	vld [tilespmem:s2+$0xF000];
	_ =	sdelay $0x1  }
0x23a: {  	v23 =	vld [tilespmem:s2+$0xF400]  }
0x23b: {  	v11 =	vmov s0  }
0x23c: {  	v11 =	vshll.u32 v11, $0x7  }
0x23d: {  	v11 =	vand.u32 $0x380, v11;
	v12 =	vadd.s32 v5, v10  }
0x23e: {  	v13 =	vand.u32 $0x7F, v10;
	v10 =	vbroadcast v11, $0x0;
	v12 =	vshll.u32 v12, $0x3  }
0x23f: {  	v14 =	vshll.u32 v23, $0x3;
	v11 =	vand.u32 $0xFFFFFC00, v12;
	v12 =	vand.u32 $0x7F, v23  }
0x240: {  	v11 =	vor.u32 v13, v11;
	v13 =	vand.u32 $0xFFFFFC00, v14;
	v12 =	vor.u32 v10, v12  }
0x241: {  	v12 =	vor.u32 v13, v12;
	_ =	sdelay $0x3  }
0x242: {  	v13 =	vld.idx.msk [tilespmem:v11+s29+$0x0], $0xffff  }
0x243: {  	v14 =	vld.idx.msk [tilespmem:v12+s14+$0x0], $0xffff;
	_ =	sdelay $0x4  }
0x244: {  	v13 =	vadd.f32 v14, v13;
	_ =	sdelay $0x1  }
0x245: {  	(xrf0) =	vmax.scan.msk.f32 $0xffff, v13;
	_ =	sdelay $0x5  }
0x246: {  	v14, _, _ =	vpop (xrf0)  }
0x247: {  	v14 =	vbroadcast v14, $0xF;
	_ =	sdelay $0x1  }
0x248: {  	v13 =	vsub.f32 v13, v14;
	_ =	sdelay $0x1  }
0x249: {  	v13 =	vmul.f32 $1.442695020e+00, v13;
	_ =	sdelay $0x1  }
0x24a: {  	(erf) = vpow2.f32 v13;
	_ =	sdelay $0x8  }
0x24b: {  	v13 =	vpop (erf)  }
0x24c: {  	(xrf2) =	vadd.scan.msk.f32 $0xffff, v13;
	_ =	sdelay $0x9  }
0x24d: {  	v14, _, _ =	vpop (xrf2)  }
0x24e: {  	v14 =	vbroadcast v14, $0xF;
	_ =	sdelay $0x1  }
0x24f: {  	(erf) = vrcp.f32 v14;
	_ =	sdelay $0x3  }
0x250: {  	v14 =	vadd.s32 $0x40, v23  }
0x251: {  	v15 =	vshll.u32 v14, $0x3  }
0x252: {  	v15 =	vand.u32 $0xFFFFFC00, v15  }
0x253: {  	v14 =	vand.u32 $0x7F, v14  }
0x254: {  	v16 =	vor.u32 $0x80, v11;
	v14 =	vor.u32 v15, v14  }
0x255: {  	v14 =	vor.u32 v10, v14;
	v15 =	vpop (erf)  }
0x256: {  	v13 =	vmul.f32 v15, v13;
	_ =	sdelay $0x1  }
0x257: {  	[tilespmem:$0x19800] =	vst v13  }
0x258: {  	v13 =	vld.idx.msk [tilespmem:v16+s29+$0x0], $0xffff  }
0x259: {  	v14 =	vld.idx.msk [tilespmem:v14+s14+$0x0], $0xffff;
	_ =	sdelay $0x4  }
0x25a: {  	v13 =	vadd.f32 v14, v13;
	_ =	sdelay $0x1  }
0x25b: {  	(xrf0) =	vmax.scan.msk.f32 $0xffff, v13;
	_ =	sdelay $0x5  }
0x25c: {  	v14, _, _ =	vpop (xrf0)  }
0x25d: {  	v14 =	vbroadcast v14, $0xF;
	_ =	sdelay $0x1  }
0x25e: {  	v13 =	vsub.f32 v13, v14;
	_ =	sdelay $0x1  }
0x25f: {  	v13 =	vmul.f32 $1.442695020e+00, v13;
	_ =	sdelay $0x1  }
0x260: {  	(erf) = vpow2.f32 v13;
	_ =	sdelay $0x8  }
0x261: {  	v13 =	vpop (erf)  }
0x262: {  	(xrf2) =	vadd.scan.msk.f32 $0xffff, v13;
	_ =	sdelay $0x9  }
0x263: {  	v14, _, _ =	vpop (xrf2)  }
0x264: {  	v14 =	vbroadcast v14, $0xF;
	_ =	sdelay $0x1  }
0x265: {  	(erf) = vrcp.f32 v14;
	_ =	sdelay $0x7  }
0x266: {  	v14 =	vor.u32 $0x100, v11  }
0x267: {  	v16 =	vadd.s32 $0x400, v12;
	v15 =	vpop (erf)  }
0x268: {  	v13 =	vmul.f32 v15, v13;
	_ =	sdelay $0x1  }
0x269: {  	[tilespmem:$0x19810] =	vst v13  }
0x26a: {  	v13 =	vld.idx.msk [tilespmem:v14+s29+$0x0], $0xffff  }
0x26b: {  	v14 =	vld.idx.msk [tilespmem:v16+s14+$0x0], $0xffff;
	_ =	sdelay $0x4  }
0x26c: {  	v13 =	vadd.f32 v14, v13;
	_ =	sdelay $0x1  }
0x26d: {  	(xrf0) =	vmax.scan.msk.f32 $0xffff, v13;
	_ =	sdelay $0x5  }
0x26e: {  	v14, _, _ =	vpop (xrf0)  }
0x26f: {  	v14 =	vbroadcast v14, $0xF;
	_ =	sdelay $0x1  }
0x270: {  	v13 =	vsub.f32 v13, v14;
	_ =	sdelay $0x1  }
0x271: {  	v13 =	vmul.f32 $1.442695020e+00, v13;
	_ =	sdelay $0x1  }
0x272: {  	(erf) = vpow2.f32 v13;
	_ =	sdelay $0x8  }
0x273: {  	v13 =	vpop (erf)  }
0x274: {  	(xrf2) =	vadd.scan.msk.f32 $0xffff, v13;
	_ =	sdelay $0x9  }
0x275: {  	v14, _, _ =	vpop (xrf2)  }
0x276: {  	v14 =	vbroadcast v14, $0xF;
	_ =	sdelay $0x1  }
0x277: {  	(erf) = vrcp.f32 v14;
	_ =	sdelay $0x3  }
0x278: {  	v14 =	vadd.s32 $0xC0, v23  }
0x279: {  	v15 =	vshll.u32 v14, $0x3  }
0x27a: {  	v15 =	vand.u32 $0xFFFFFC00, v15  }
0x27b: {  	v14 =	vand.u32 $0x7F, v14  }
0x27c: {  	v16 =	vor.u32 $0x180, v11;
	v14 =	vor.u32 v15, v14  }
0x27d: {  	v14 =	vor.u32 v10, v14;
	v15 =	vpop (erf)  }
0x27e: {  	v13 =	vmul.f32 v15, v13;
	_ =	sdelay $0x1  }
0x27f: {  	[tilespmem:$0x19820] =	vst v13  }
0x280: {  	v13 =	vld.idx.msk [tilespmem:v16+s29+$0x0], $0xffff  }
0x281: {  	v14 =	vld.idx.msk [tilespmem:v14+s14+$0x0], $0xffff;
	_ =	sdelay $0x4  }
0x282: {  	v13 =	vadd.f32 v14, v13;
	_ =	sdelay $0x1  }
0x283: {  	(xrf0) =	vmax.scan.msk.f32 $0xffff, v13;
	_ =	sdelay $0x5  }
0x284: {  	v14, _, _ =	vpop (xrf0)  }
0x285: {  	v14 =	vbroadcast v14, $0xF;
	_ =	sdelay $0x1  }
0x286: {  	v13 =	vsub.f32 v13, v14;
	_ =	sdelay $0x1  }
0x287: {  	v13 =	vmul.f32 $1.442695020e+00, v13;
	_ =	sdelay $0x1  }
0x288: {  	(erf) = vpow2.f32 v13;
	_ =	sdelay $0x8  }
0x289: {  	v13 =	vpop (erf)  }
0x28a: {  	(xrf2) =	vadd.scan.msk.f32 $0xffff, v13;
	_ =	sdelay $0x9  }
0x28b: {  	v14, _, _ =	vpop (xrf2)  }
0x28c: {  	v14 =	vbroadcast v14, $0xF;
	_ =	sdelay $0x1  }
0x28d: {  	(erf) = vrcp.f32 v14;
	_ =	sdelay $0x7  }
0x28e: {  	v14 =	vor.u32 $0x200, v11  }
0x28f: {  	v16 =	vadd.s32 $0x800, v12;
	v15 =	vpop (erf)  }
0x290: {  	v13 =	vmul.f32 v15, v13;
	_ =	sdelay $0x1  }
0x291: {  	[tilespmem:$0x19830] =	vst v13  }
0x292: {  	v13 =	vld.idx.msk [tilespmem:v14+s29+$0x0], $0xffff  }
0x293: {  	v14 =	vld.idx.msk [tilespmem:v16+s14+$0x0], $0xffff;
	_ =	sdelay $0x4  }
0x294: {  	v13 =	vadd.f32 v14, v13;
	_ =	sdelay $0x1  }
0x295: {  	(xrf0) =	vmax.scan.msk.f32 $0xffff, v13;
	_ =	sdelay $0x5  }
0x296: {  	v14, _, _ =	vpop (xrf0)  }
0x297: {  	v14 =	vbroadcast v14, $0xF;
	_ =	sdelay $0x1  }
0x298: {  	v13 =	vsub.f32 v13, v14;
	_ =	sdelay $0x1  }
0x299: {  	v13 =	vmul.f32 $1.442695020e+00, v13;
	_ =	sdelay $0x1  }
0x29a: {  	(erf) = vpow2.f32 v13;
	_ =	sdelay $0x8  }
0x29b: {  	v13 =	vpop (erf)  }
0x29c: {  	(xrf2) =	vadd.scan.msk.f32 $0xffff, v13;
	_ =	sdelay $0x9  }
0x29d: {  	v14, _, _ =	vpop (xrf2)  }
0x29e: {  	v14 =	vbroadcast v14, $0xF;
	_ =	sdelay $0x1  }
0x29f: {  	(erf) = vrcp.f32 v14;
	_ =	sdelay $0x3  }
0x2a0: {  	v14 =	vadd.s32 $0x140, v23  }
0x2a1: {  	v15 =	vshll.u32 v14, $0x3  }
0x2a2: {  	v15 =	vand.u32 $0xFFFFFC00, v15  }
0x2a3: {  	v14 =	vand.u32 $0x7F, v14  }
0x2a4: {  	v16 =	vor.u32 $0x280, v11;
	v14 =	vor.u32 v15, v14  }
0x2a5: {  	v14 =	vor.u32 v10, v14;
	v15 =	vpop (erf)  }
0x2a6: {  	v13 =	vmul.f32 v15, v13;
	_ =	sdelay $0x1  }
0x2a7: {  	[tilespmem:$0x19840] =	vst v13  }
0x2a8: {  	v13 =	vld.idx.msk [tilespmem:v16+s29+$0x0], $0xffff  }
0x2a9: {  	v14 =	vld.idx.msk [tilespmem:v14+s14+$0x0], $0xffff;
	_ =	sdelay $0x4  }
0x2aa: {  	v13 =	vadd.f32 v14, v13;
	_ =	sdelay $0x1  }
0x2ab: {  	(xrf0) =	vmax.scan.msk.f32 $0xffff, v13;
	_ =	sdelay $0x5  }
0x2ac: {  	v14, _, _ =	vpop (xrf0)  }
0x2ad: {  	v14 =	vbroadcast v14, $0xF;
	_ =	sdelay $0x1  }
0x2ae: {  	v13 =	vsub.f32 v13, v14;
	_ =	sdelay $0x1  }
0x2af: {  	v13 =	vmul.f32 $1.442695020e+00, v13;
	_ =	sdelay $0x1  }
0x2b0: {  	(erf) = vpow2.f32 v13;
	_ =	sdelay $0x8  }
0x2b1: {  	v13 =	vpop (erf)  }
0x2b2: {  	(xrf2) =	vadd.scan.msk.f32 $0xffff, v13;
	_ =	sdelay $0x9  }
0x2b3: {  	v14, _, _ =	vpop (xrf2)  }
0x2b4: {  	v14 =	vbroadcast v14, $0xF;
	_ =	sdelay $0x1  }
0x2b5: {  	(erf) = vrcp.f32 v14;
	_ =	sdelay $0x7  }
0x2b6: {  	v14 =	vor.u32 $0x300, v11  }
0x2b7: {  	v16 =	vadd.s32 $0xC00, v12;
	v15 =	vpop (erf)  }
0x2b8: {  	v13 =	vmul.f32 v15, v13;
	_ =	sdelay $0x1  }
0x2b9: {  	[tilespmem:$0x19850] =	vst v13  }
0x2ba: {  	v13 =	vld.idx.msk [tilespmem:v14+s29+$0x0], $0xffff  }
0x2bb: {  	v14 =	vld.idx.msk [tilespmem:v16+s14+$0x0], $0xffff;
	_ =	sdelay $0x4  }
0x2bc: {  	v13 =	vadd.f32 v14, v13;
	_ =	sdelay $0x1  }
0x2bd: {  	(xrf0) =	vmax.scan.msk.f32 $0xffff, v13;
	_ =	sdelay $0x5  }
0x2be: {  	v14, _, _ =	vpop (xrf0)  }
0x2bf: {  	v14 =	vbroadcast v14, $0xF;
	_ =	sdelay $0x1  }
0x2c0: {  	v13 =	vsub.f32 v13, v14;
	_ =	sdelay $0x1  }
0x2c1: {  	v13 =	vmul.f32 $1.442695020e+00, v13;
	_ =	sdelay $0x1  }
0x2c2: {  	(erf) = vpow2.f32 v13;
	_ =	sdelay $0x8  }
0x2c3: {  	v13 =	vpop (erf)  }
0x2c4: {  	(xrf2) =	vadd.scan.msk.f32 $0xffff, v13;
	_ =	sdelay $0x9  }
0x2c5: {  	v14, _, _ =	vpop (xrf2)  }
0x2c6: {  	v14 =	vbroadcast v14, $0xF;
	_ =	sdelay $0x1  }
0x2c7: {  	(erf) = vrcp.f32 v14;
	_ =	sdelay $0x3  }
0x2c8: {  	v14 =	vadd.s32 $0x1C0, v23  }
0x2c9: {  	v15 =	vshll.u32 v14, $0x3  }
0x2ca: {  	v15 =	vand.u32 $0xFFFFFC00, v15  }
0x2cb: {  	v14 =	vand.u32 $0x7F, v14  }
0x2cc: {  	v16 =	vor.u32 $0x380, v11;
	v14 =	vor.u32 v15, v14  }
0x2cd: {  	v14 =	vor.u32 v10, v14;
	v15 =	vpop (erf)  }
0x2ce: {  	v13 =	vmul.f32 v15, v13;
	_ =	sdelay $0x1  }
0x2cf: {  	[tilespmem:$0x19860] =	vst v13  }
0x2d0: {  	v13 =	vld.idx.msk [tilespmem:v16+s29+$0x0], $0xffff  }
0x2d1: {  	v14 =	vld.idx.msk [tilespmem:v14+s14+$0x0], $0xffff;
	_ =	sdelay $0x4  }
0x2d2: {  	v13 =	vadd.f32 v14, v13;
	_ =	sdelay $0x1  }
0x2d3: {  	(xrf0) =	vmax.scan.msk.f32 $0xffff, v13;
	_ =	sdelay $0x5  }
0x2d4: {  	v14, _, _ =	vpop (xrf0)  }
0x2d5: {  	v14 =	vbroadcast v14, $0xF;
	_ =	sdelay $0x1  }
0x2d6: {  	v13 =	vsub.f32 v13, v14;
	_ =	sdelay $0x1  }
0x2d7: {  	v13 =	vmul.f32 $1.442695020e+00, v13;
	_ =	sdelay $0x1  }
0x2d8: {  	(erf) = vpow2.f32 v13;
	_ =	sdelay $0x8  }
0x2d9: {  	v13 =	vpop (erf)  }
0x2da: {  	(xrf2) =	vadd.scan.msk.f32 $0xffff, v13;
	_ =	sdelay $0x9  }
0x2db: {  	v14, _, _ =	vpop (xrf2)  }
0x2dc: {  	v14 =	vbroadcast v14, $0xF;
	_ =	sdelay $0x1  }
0x2dd: {  	(erf) = vrcp.f32 v14;
	_ =	sdelay $0x7  }
0x2de: {  	v14 =	vadd.s32 $0x1000, v11  }
0x2df: {  	v16 =	vadd.s32 $0x1000, v12;
	v15 =	vpop (erf)  }
0x2e0: {  	v13 =	vmul.f32 v15, v13;
	_ =	sdelay $0x1  }
0x2e1: {  	[tilespmem:$0x19870] =	vst v13  }
0x2e2: {  	v13 =	vld.idx.msk [tilespmem:v14+s29+$0x0], $0xffff  }
0x2e3: {  	v14 =	vld.idx.msk [tilespmem:v16+s14+$0x0], $0xffff;
	_ =	sdelay $0x4  }
0x2e4: {  	v13 =	vadd.f32 v14, v13;
	_ =	sdelay $0x1  }
0x2e5: {  	(xrf0) =	vmax.scan.msk.f32 $0xffff, v13;
	_ =	sdelay $0x5  }
0x2e6: {  	v14, _, _ =	vpop (xrf0)  }
0x2e7: {  	v14 =	vbroadcast v14, $0xF;
	_ =	sdelay $0x1  }
0x2e8: {  	v13 =	vsub.f32 v13, v14;
	_ =	sdelay $0x1  }
0x2e9: {  	v13 =	vmul.f32 $1.442695020e+00, v13;
	_ =	sdelay $0x1  }
0x2ea: {  	(erf) = vpow2.f32 v13;
	_ =	sdelay $0x8  }
0x2eb: {  	v13 =	vpop (erf)  }
0x2ec: {  	(xrf2) =	vadd.scan.msk.f32 $0xffff, v13;
	_ =	sdelay $0x9  }
0x2ed: {  	v14, _, _ =	vpop (xrf2)  }
0x2ee: {  	v14 =	vbroadcast v14, $0xF;
	_ =	sdelay $0x1  }
0x2ef: {  	(erf) = vrcp.f32 v14;
	_ =	sdelay $0x3  }
0x2f0: {  	v14 =	vadd.s32 $0x240, v23  }
0x2f1: {  	v15 =	vshll.u32 v14, $0x3  }
0x2f2: {  	v15 =	vand.u32 $0xFFFFFC00, v15  }
0x2f3: {  	v14 =	vand.u32 $0x7F, v14  }
0x2f4: {  	v16 =	vadd.s32 $0x1080, v11;
	v14 =	vor.u32 v15, v14  }
0x2f5: {  	v14 =	vor.u32 v10, v14;
	v15 =	vpop (erf)  }
0x2f6: {  	v13 =	vmul.f32 v15, v13;
	_ =	sdelay $0x1  }
0x2f7: {  	[tilespmem:$0x19880] =	vst v13  }
0x2f8: {  	v13 =	vld.idx.msk [tilespmem:v16+s29+$0x0], $0xffff  }
0x2f9: {  	v14 =	vld.idx.msk [tilespmem:v14+s14+$0x0], $0xffff;
	_ =	sdelay $0x4  }
0x2fa: {  	v13 =	vadd.f32 v14, v13;
	_ =	sdelay $0x1  }
0x2fb: {  	(xrf0) =	vmax.scan.msk.f32 $0xffff, v13;
	_ =	sdelay $0x5  }
0x2fc: {  	v14, _, _ =	vpop (xrf0)  }
0x2fd: {  	v14 =	vbroadcast v14, $0xF;
	_ =	sdelay $0x1  }
0x2fe: {  	v13 =	vsub.f32 v13, v14;
	_ =	sdelay $0x1  }
0x2ff: {  	v13 =	vmul.f32 $1.442695020e+00, v13;
	_ =	sdelay $0x1  }
0x300: {  	(erf) = vpow2.f32 v13;
	_ =	sdelay $0x8  }
0x301: {  	v13 =	vpop (erf)  }
0x302: {  	(xrf2) =	vadd.scan.msk.f32 $0xffff, v13;
	_ =	sdelay $0x9  }
0x303: {  	v14, _, _ =	vpop (xrf2)  }
0x304: {  	v14 =	vbroadcast v14, $0xF;
	_ =	sdelay $0x1  }
0x305: {  	(erf) = vrcp.f32 v14;
	_ =	sdelay $0x7  }
0x306: {  	v14 =	vadd.s32 $0x1100, v11  }
0x307: {  	v12 =	vadd.s32 $0x1400, v12;
	v15 =	vpop (erf)  }
0x308: {  	v13 =	vmul.f32 v15, v13;
	_ =	sdelay $0x1  }
0x309: {  	[tilespmem:$0x19890] =	vst v13  }
0x30a: {  	v13 =	vld.idx.msk [tilespmem:v14+s29+$0x0], $0xffff  }
0x30b: {  	v12 =	vld.idx.msk [tilespmem:v12+s14+$0x0], $0xffff;
	_ =	sdelay $0x4  }
0x30c: {  	v12 =	vadd.f32 v12, v13;
	_ =	sdelay $0x1  }
0x30d: {  	(xrf0) =	vmax.scan.msk.f32 $0xffff, v12;
	_ =	sdelay $0x5  }
0x30e: {  	v13, _, _ =	vpop (xrf0)  }
0x30f: {  	v13 =	vbroadcast v13, $0xF;
	_ =	sdelay $0x1  }
0x310: {  	v12 =	vsub.f32 v12, v13;
	_ =	sdelay $0x1  }
0x311: {  	v12 =	vmul.f32 $1.442695020e+00, v12;
	_ =	sdelay $0x1  }
0x312: {  	(erf) = vpow2.f32 v12;
	_ =	sdelay $0x8  }
0x313: {  	v12 =	vpop (erf)  }
0x314: {  	(xrf2) =	vadd.scan.msk.f32 $0xffff, v12;
	_ =	sdelay $0x9  }
0x315: {  	v13, _, _ =	vpop (xrf2)  }
0x316: {  	v13 =	vbroadcast v13, $0xF;
	_ =	sdelay $0x1  }
0x317: {  	(erf) = vrcp.f32 v13;
	_ =	sdelay $0x3  }
0x318: {  	v13 =	vadd.s32 $0x2C0, v23  }
0x319: {  	v14 =	vshll.u32 v13, $0x3  }
0x31a: {  	v14 =	vand.u32 $0xFFFFFC00, v14  }
0x31b: {  	v13 =	vand.u32 $0x7F, v13  }
0x31c: {  	v11 =	vadd.s32 $0x1180, v11;
	v13 =	vor.u32 v14, v13  }
0x31d: {  	v10 =	vor.u32 v10, v13;
	v14 =	vpop (erf)  }
0x31e: {  	v12 =	vmul.f32 v14, v12;
	_ =	sdelay $0x1  }
0x31f: {  	[tilespmem:$0x198A0] =	vst v12  }
0x320: {  	v11 =	vld.idx.msk [tilespmem:v11+s29+$0x0], $0xffff  }
0x321: {  	v10 =	vld.idx.msk [tilespmem:v10+s14+$0x0], $0xffff;
	_ =	sdelay $0x4  }
0x322: {  	v10 =	vadd.f32 v10, v11;
	_ =	sdelay $0x1  }
0x323: {  	(xrf0) =	vmax.scan.msk.f32 $0xffff, v10;
	_ =	sdelay $0x5  }
0x324: {  	v11, _, _ =	vpop (xrf0)  }
0x325: {  	v11 =	vbroadcast v11, $0xF;
	_ =	sdelay $0x1  }
0x326: {  	v10 =	vsub.f32 v10, v11;
	_ =	sdelay $0x1  }
0x327: {  	v10 =	vmul.f32 $1.442695020e+00, v10;
	_ =	sdelay $0x1  }
0x328: {  	(erf) = vpow2.f32 v10;
	_ =	sdelay $0x8  }
0x329: {  	v10 =	vpop (erf)  }
0x32a: {  	(xrf2) =	vadd.scan.msk.f32 $0xffff, v10;
	_ =	sdelay $0x9  }
0x32b: {  	v11, _, _ =	vpop (xrf2)  }
0x32c: {  	v11 =	vbroadcast v11, $0xF;
	_ =	sdelay $0x1  }
0x32d: {  	(erf) = vrcp.f32 v11;
	_ =	sdelay $0x4  }
0x32e: {  	v11 =	vbroadcast v23, $0x0  }
0x32f: {  	s28 =	simm.s32 $0x0  }
0x330: {  	v26 =	vmov s28;
	v12 =	vshrl.u32 v11, $0x3  }
0x331: {  	v18 =	vbroadcast v23, $0x6;
	v11 =	vshll.u32 v11, $0x7;
	v12 =	vmul.u32 $0x1800, v12  }
0x332: {  	v15 =	vbroadcast v23, $0x2;
	v13 =	vbroadcast v23, $0x1;
	v11 =	vand.u32 $0x380, v11;
	v14 =	vpop (erf)  }
0x333: {  	v16 =	vbroadcast v23, $0x4;
	v21 =	vmul.f32 v14, v10;
	v10 =	vor.u32 v11, v12  }
0x334: {  	v11 =	vshrl.u32 v13, $0x3;
	v12 =	vshll.u32 v13, $0x7;
	v13 =	vshrl.u32 v15, $0x3  }
0x335: {  	v14 =	vshll.u32 v15, $0x7;
	v11 =	vmul.u32 $0x1800, v11;
	v13 =	vmul.u32 $0x1800, v13  }
0x336: {  	v15 =	vbroadcast v23, $0x3;
	v12 =	vand.u32 $0x380, v12;
	v14 =	vand.u32 $0x380, v14  }
0x337: {  	v22 =	vbroadcast v23, $0x8;
	v12 =	vor.u32 v12, v11;
	v19 =	vor.u32 v14, v13  }
0x338: {  	v11 =	vshrl.u32 v15, $0x3;
	v13 =	vshll.u32 v15, $0x7;
	v14 =	vshrl.u32 v16, $0x3  }
0x339: {  	v11 =	vmul.u32 $0x1800, v11;
	v15 =	vmul.u32 $0x1800, v14;
	v14 =	vshll.u32 v16, $0x7  }
0x33a: {  	v16 =	vbroadcast v23, $0x5;
	v13 =	vand.u32 $0x380, v13;
	v17 =	vand.u32 $0x380, v14  }
0x33b: {  	v25 =	vbroadcast v23, $0xA;
	v14 =	vor.u32 v13, v11;
	v11 =	vor.u32 v17, v15  }
0x33c: {  	v13 =	vshrl.u32 v16, $0x3;
	v15 =	vshll.u32 v16, $0x7;
	v16 =	vshrl.u32 v18, $0x3  }
0x33d: {  	v13 =	vmul.u32 $0x1800, v13;
	v17 =	vmul.u32 $0x1800, v16;
	v16 =	vshll.u32 v18, $0x7  }
0x33e: {  	v18 =	vbroadcast v23, $0x7;
	v15 =	vand.u32 $0x380, v15;
	v20 =	vand.u32 $0x380, v16  }
0x33f: {  	v31 =	vbroadcast v23, $0xD;
	v16 =	vor.u32 v15, v13;
	v13 =	vor.u32 v20, v17  }
0x340: {  	v15 =	vshrl.u32 v18, $0x3;
	v17 =	vshll.u32 v18, $0x7;
	v18 =	vshrl.u32 v22, $0x3  }
0x341: {  	v20 =	vshll.u32 v22, $0x7;
	v15 =	vmul.u32 $0x1800, v15;
	v18 =	vmul.u32 $0x1800, v18  }
0x342: {  	v22 =	vbroadcast v23, $0x9;
	v17 =	vand.u32 $0x380, v17;
	v24 =	vand.u32 $0x380, v20  }
0x343: {  	v34 =	vbroadcast v23, $0xE;
	v20 =	vor.u32 v17, v15;
	v17 =	vor.u32 v24, v18  }
0x344: {  	v15 =	vshrl.u32 v22, $0x3;
	v18 =	vshll.u32 v22, $0x7;
	v22 =	vshrl.u32 v25, $0x3  }
0x345: {  	v24 =	vshll.u32 v25, $0x7;
	v15 =	vmul.u32 $0x1800, v15;
	v22 =	vmul.u32 $0x1800, v22  }
0x346: {  	v25 =	vbroadcast v23, $0xB;
	v18 =	vand.u32 $0x380, v18;
	v24 =	vand.u32 $0x380, v24  }
0x347: {  	v18 =	vor.u32 v18, v15;
	v15 =	vor.u32 v24, v22;
	v22 =	vshll.u32 v26, $0x3  }
0x348: {  	v33 =	vshrl.u32 v31, $0x3;
	v26 =	vor.u32 s28, v1;
	v28 =	vand.u32 $0x1C00, v22  }
0x349: {  	v24 =	vshrl.u32 v25, $0x3;
	v26 =	vand.u32 $0x7F, v26;
	v27 =	vadd.s32 v19, v28  }
0x34a: {  	v22 =	vbroadcast v23, $0xC;
	v30 =	vadd.s32 v10, v28;
	v27 =	vor.u32 v26, v27  }
0x34b: {  	v25 =	vshll.u32 v25, $0x7;
	v24 =	vmul.u32 $0x1800, v24;
	v30 =	vor.u32 v26, v30  }
0x34c: {  	s31 =	sand.u32 $0x70, s28;
	s2 =	sand.u32 $0x1C00, s28;
	v25 =	vand.u32 $0x380, v25;
	v29 =	vshrl.u32 v22, $0x3;
	v22 =	vshll.u32 v22, $0x7  }
0x34d: {  	s0 =	sor.u32 s31, s2;
	[tilespmem:$0x198B0] =	vst v21;
	v29 =	vmul.u32 $0x1800, v29;
	v32 =	vand.u32 $0x380, v22;
	v22 =	vadd.s32 v12, v28  }
0x34e: {  	v35 =	vor.u32 v26, v22;
	v22 =	vor.u32 v25, v24;
	v25 =	vshll.u32 v31, $0x7;
	v31 =	vld [tilespmem:s0+$0x16800]  }
0x34f: {  	s3 =	sand.u32 $0x3C0, s28;
	v36 =	vbroadcast v23, $0xF;
	v42 =	vadd.s32 v14, v28;
	v21 =	vor.u32 v32, v29;
	v29 =	vld.idx.msk [tilespmem:v27+s4+$0x0], $0xffff  }
0x350: {  	s2 =	sshrl.u32 s3, $0x2;
	v23 =	vadd.s32 v11, v28;
	v37 =	vadd.s32 v16, v28;
	v27 =	vshrl.u32 v34, $0x3;
	v30 =	vld.idx.msk [tilespmem:v30+s4+$0x0], $0xffff  }
0x351: {  	s16 =	sadd.s32 $0x16800, s0;
	v39 =	vadd.s32 v13, v28;
	v32 =	vor.u32 v26, v42;
	v43 =	vmul.u32 $0x1800, v27;
	v27 =	vld [tilespmem:s2+$0x19800]  }
0x352: {  	v46 =	vld [tilespmem:s16+$0x80];
	v40 =	vadd.s32 v20, v28;
	v48 =	vadd.s32 v17, v28;
	v52 =	vadd.s32 v18, v28  }
0x353: {  	v54 =	vadd.s32 v15, v28;
	v45 =	vor.u32 v26, v23;
	v37 =	vor.u32 v26, v37;
	v44 =	vld.idx.msk [tilespmem:v35+s4+$0x0], $0xffff  }
0x354: {  	v38 =	vld [tilespmem:s16+$0x100];
	v39 =	vor.u32 v26, v39;
	v47 =	vor.u32 v26, v40;
	v51 =	vor.u32 v26, v48  }
0x355: {  	v41 =	vld [tilespmem:s16+$0x180];
	v40 =	vor.u32 v26, v52;
	v57 =	vor.u32 v26, v54;
	v24 =	vmul.u32 $0x1800, v33  }
0x356: {  	v25 =	vand.u32 $0x380, v25;
	v32 =	vld.idx.msk [tilespmem:v32+s4+$0x0], $0xffff;
	v30 =	vadd.f32 v30, v31;
	v31 =	vbroadcast v27, $0x0  }
0x357: {  	v50 =	vld [tilespmem:s16+$0x200];
	v58 =	vadd.s32 v22, v28;
	v24 =	vor.u32 v25, v24;
	v60 =	vadd.s32 v21, v28  }
0x358: {  	v35 =	vld.idx.msk [tilespmem:v45+s4+$0x0], $0xffff;
	v49 =	vbroadcast v27, $0x1;
	v30 =	vmul.f32 v30, v31;
	v31 =	vadd.f32 v44, v46  }
0x359: {  	v42 =	vld [tilespmem:s16+$0x280];
	v34 =	vshll.u32 v34, $0x7;
	v63 =	vor.u32 v26, v60;
	v29 =	vadd.f32 v29, v38  }
0x35a: {  	v37 =	vld.idx.msk [tilespmem:v37+s4+$0x0], $0xffff;
	v53 =	vbroadcast v27, $0x2;
	v30 =	vadd.f32 $0.0e+00, v30;
	v31 =	vmul.f32 v31, v49  }
0x35b: {  	v55 =	vld [tilespmem:s16+$0x300];
	v25 =	vand.u32 $0x380, v34;
	v45 =	vadd.s32 v24, v28;
	v32 =	vadd.f32 v32, v41  }
0x35c: {  	s17 =	sor.u32 s28, s28;
	v39 =	vld.idx.msk [tilespmem:v39+s4+$0x0], $0xffff;
	v29 =	vmul.f32 v29, v53;
	v30 =	vadd.f32 v31, v30;
	v31 =	vbroadcast v27, $0x3  }
0x35d: {  	v56 =	vld.idx.msk [tilespmem:v47+s4+$0x0], $0xffff;
	s2 =	sor.u32 $0x380, s17;
	v23 =	vor.u32 v25, v43;
	v25 =	vshrl.u32 v36, $0x3;
	v34 =	vadd.f32 v35, v50  }
0x35e: {  	v59 =	vld [tilespmem:s2+$0x16800];
	v29 =	vadd.f32 v29, v30;
	v30 =	vmul.f32 v32, v31;
	v31 =	vbroadcast v27, $0x4  }
0x35f: {  	v61 =	vld [tilespmem:s0+$0x18000];
	v36 =	vshll.u32 v36, $0x7;
	v25 =	vmul.u32 $0x1800, v25;
	v37 =	vadd.f32 v37, v42  }
0x360: {  	v38 =	vld.idx.msk [tilespmem:v51+s4+$0x0], $0xffff;
	v29 =	vadd.f32 v30, v29;
	v30 =	vmul.f32 v34, v31;
	v31 =	vbroadcast v27, $0x5  }
0x361: {  	v62 =	vld.idx.msk [tilespmem:v40+s4+$0x0], $0xffff;
	v36 =	vand.u32 $0x380, v36;
	v33 =	vadd.f32 v39, v55;
	v41 =	vor.u32 v26, v58  }
0x362: {  	v46 =	vld [tilespmem:s0+$0x18080];
	v29 =	vadd.f32 v30, v29;
	v30 =	vmul.f32 v37, v31;
	v31 =	vbroadcast v27, $0x6  }
0x363: {  	v47 =	vld.idx.msk [tilespmem:v57+s4+$0x0], $0xffff;
	v48 =	vor.u32 v26, v45;
	v25 =	vor.u32 v36, v25;
	v32 =	vadd.f32 v56, v59  }
0x364: {  	v50 =	vld [tilespmem:s0+$0x18100];
	v29 =	vadd.f32 v30, v29;
	v30 =	vmul.f32 v33, v31;
	v31 =	vbroadcast v27, $0x7  }
0x365: {  	v53 =	vld [tilespmem:s0+$0x18180];
	v49 =	vadd.s32 v23, v28;
	v28 =	vadd.s32 v25, v28;
	v34 =	vadd.f32 v38, v61  }
0x366: {  	v51 =	vld.idx.msk [tilespmem:v41+s4+$0x0], $0xffff;
	v29 =	vadd.f32 v30, v29;
	v30 =	vmul.f32 v32, v31;
	v31 =	vbroadcast v27, $0x8  }
0x367: {  	v54 =	vld.idx.msk [tilespmem:v63+s4+$0x0], $0xffff;
	v52 =	vor.u32 v26, v49;
	v26 =	vor.u32 v26, v28;
	v37 =	vadd.f32 v62, v46  }
0x368: {  	v28 =	vadd.f32 v30, v29;
	v29 =	vmul.f32 v34, v31;
	v30 =	vbroadcast v27, $0x9;
	v31 =	vld [tilespmem:s0+$0x18200]  }
0x369: {  	v55 =	vld.idx.msk [tilespmem:v48+s4+$0x0], $0xffff;
	v33 =	vadd.f32 v47, v50  }
0x36a: {  	v56 =	vld [tilespmem:s0+$0x18280];
	v28 =	vadd.f32 v29, v28;
	v29 =	vmul.f32 v37, v30;
	v30 =	vbroadcast v27, $0xA  }
0x36b: {  	v58 =	vld [tilespmem:s0+$0x18300];
	v32 =	vadd.f32 v51, v53  }
0x36c: {  	v57 =	vld.idx.msk [tilespmem:v52+s4+$0x0], $0xffff;
	v28 =	vadd.f32 v29, v28;
	v29 =	vmul.f32 v33, v30;
	v30 =	vbroadcast v27, $0xB  }
0x36d: {  	v31 =	vadd.f32 v54, v31  }
0x36e: {  	v59 =	vld.idx.msk [tilespmem:v26+s4+$0x0], $0xffff;
	v26 =	vadd.f32 v29, v28;
	v28 =	vmul.f32 v32, v30;
	v29 =	vbroadcast v27, $0xC  }
0x36f: {  	v34 =	vadd.f32 v55, v56;
	v30 =	vld [tilespmem:s0+$0x18380]  }
0x370: {  	s30 =	simm.s32 $0x10;
	v26 =	vadd.f32 v28, v26;
	v28 =	vmul.f32 v31, v29;
	v29 =	vbroadcast v27, $0xD  }
0x371: {  	v60 =	vmov s30;
	v63 =	vbroadcast v27, $0xE;
	v61 =	vadd.f32 v57, v58  }
0x372: {  	v31 =	vshll.u32 v60, $0x3;
	v62 =	vadd.f32 v28, v26;
	v34 =	vmul.f32 v34, v29  }
0x373: {  	v27 =	vbroadcast v27, $0xF;
	v28 =	vor.u32 s30, v1;
	v26 =	vand.u32 $0x1C00, v31  }
0x374: {  	s2 =	simm.s32 $0x20;
	s0 =	simm.s32 $0x0;
	v31 =	vmul.f32 v61, v63;
	v29 =	vadd.f32 v59, v30;
	v30 =	vadd.f32 v34, v62  }
.LBB2_8:
0x375: {  	p0 =	sne.s32 s2, $0x2F0;
	v28 =	vand.u32 $0x7F, v28;
	v32 =	vadd.s32 v19, v26  }
0x376: {  	v32 =	vor.u32 v28, v32;
	v30 =	vadd.f32 v31, v30;
	v27 =	vmul.f32 v29, v27  }
0x377: {  	s3 =	sadd.s32 s28, s23;
	s28 =	smov.u32 s30;
	s30 =	smov.u32 s2;
	v29 =	vadd.s32 v10, v26  }
0x378: {  	s3 =	sand.u32 $0x3F80, s3;
	v29 =	vor.u32 v28, v29;
	v27 =	vadd.f32 v27, v30  }
0x379: {  	s0 =	sadd.s32 $0x80, s0;
	s3 =	sor.u32 s31, s3;
	v30 =	vadd.s32 v12, v26  }
0x37a: {  	s16 =	sand.u32 $0x1C00, s0;
	s31 =	sand.u32 $0x70, s28;
	v30 =	vor.u32 v28, v30;
	[tilespmem:s3+$0xD800] =	vst v27  }
0x37b: {  	s3 =	sor.u32 s31, s16;
	v31 =	vld.idx.msk [tilespmem:v32+s4+$0x0], $0xffff  }
0x37c: {  	s16 =	sand.u32 $0x3C0, s28;
	v27 =	vadd.s32 v14, v26;
	v32 =	vld [tilespmem:s3+$0x16800]  }
0x37d: {  	s16 =	sshrl.u32 s16, $0x2;
	v33 =	vor.u32 v28, v27;
	v29 =	vld.idx.msk [tilespmem:v29+s4+$0x0], $0xffff  }
0x37e: {  	v34 =	vadd.s32 v11, v26;
	v27 =	vld [tilespmem:s16+$0x19800]  }
0x37f: {  	v34 =	vor.u32 v28, v34;
	s16 =	sadd.s32 $0x16800, s3;
	v30 =	vld.idx.msk [tilespmem:v30+s4+$0x0], $0xffff  }
0x380: {  	v36 =	vadd.s32 v16, v26;
	v35 =	vld [tilespmem:s16+$0x80]  }
0x381: {  	v36 =	vor.u32 v28, v36;
	v37 =	vld [tilespmem:s16+$0x100]  }
0x382: {  	v38 =	vadd.s32 v13, v26;
	v39 =	vadd.s32 v20, v26;
	v33 =	vld.idx.msk [tilespmem:v33+s4+$0x0], $0xffff  }
0x383: {  	v38 =	vor.u32 v28, v38;
	v29 =	vadd.f32 v29, v32;
	v32 =	vbroadcast v27, $0x0;
	v40 =	vld [tilespmem:s16+$0x180]  }
0x384: {  	v41 =	vadd.s32 v17, v26;
	v39 =	vor.u32 v28, v39;
	v34 =	vld.idx.msk [tilespmem:v34+s4+$0x0], $0xffff  }
0x385: {  	v29 =	vmul.f32 v29, v32;
	v30 =	vadd.f32 v30, v35;
	v32 =	vbroadcast v27, $0x1;
	v35 =	vld [tilespmem:s16+$0x200]  }
0x386: {  	v31 =	vadd.f32 v31, v37;
	v36 =	vld.idx.msk [tilespmem:v36+s4+$0x0], $0xffff;
	v37 =	vor.u32 v28, v41;
	v41 =	vadd.s32 v18, v26  }
0x387: {  	v29 =	vadd.f32 $0.0e+00, v29;
	v30 =	vmul.f32 v30, v32;
	v32 =	vbroadcast v27, $0x2;
	v42 =	vld [tilespmem:s16+$0x280]  }
0x388: {  	v33 =	vadd.f32 v33, v40;
	v38 =	vld.idx.msk [tilespmem:v38+s4+$0x0], $0xffff;
	v40 =	vor.u32 v28, v41;
	v41 =	vadd.s32 v15, v26  }
0x389: {  	v29 =	vadd.f32 v30, v29;
	v30 =	vmul.f32 v31, v32;
	v31 =	vbroadcast v27, $0x3;
	v32 =	vld [tilespmem:s16+$0x300];
	s16 =	sor.u32 s0, s28  }
0x38a: {  	v34 =	vadd.f32 v34, v35;
	s16 =	sor.u32 $0x380, s16;
	v35 =	vld.idx.msk [tilespmem:v39+s4+$0x0], $0xffff;
	v39 =	vor.u32 v28, v41;
	v41 =	vadd.s32 v22, v26  }
0x38b: {  	v29 =	vadd.f32 v30, v29;
	v30 =	vmul.f32 v33, v31;
	v31 =	vbroadcast v27, $0x4;
	v33 =	vld [tilespmem:s16+$0x16800]  }
0x38c: {  	v41 =	vor.u32 v28, v41;
	v36 =	vadd.f32 v36, v42;
	v37 =	vld.idx.msk [tilespmem:v37+s4+$0x0], $0xffff;
	v42 =	vadd.s32 v21, v26  }
0x38d: {  	v29 =	vadd.f32 v30, v29;
	v30 =	vmul.f32 v34, v31;
	v31 =	vbroadcast v27, $0x5;
	v34 =	vld [tilespmem:s3+$0x18000]  }
0x38e: {  	v32 =	vadd.f32 v38, v32;
	v38 =	vld.idx.msk [tilespmem:v40+s4+$0x0], $0xffff;
	v40 =	vor.u32 v28, v42;
	v42 =	vadd.s32 v24, v26  }
0x38f: {  	v29 =	vadd.f32 v30, v29;
	v30 =	vmul.f32 v36, v31;
	v31 =	vbroadcast v27, $0x6;
	v36 =	vld [tilespmem:s3+$0x18080]  }
0x390: {  	v33 =	vadd.f32 v35, v33;
	v35 =	vld.idx.msk [tilespmem:v39+s4+$0x0], $0xffff;
	v39 =	vor.u32 v28, v42;
	v42 =	vadd.s32 v23, v26  }
0x391: {  	v29 =	vadd.f32 v30, v29;
	v30 =	vmul.f32 v32, v31;
	v31 =	vbroadcast v27, $0x7;
	v32 =	vld [tilespmem:s3+$0x18100]  }
0x392: {  	v26 =	vadd.s32 v25, v26;
	v34 =	vadd.f32 v37, v34;
	v37 =	vld.idx.msk [tilespmem:v41+s4+$0x0], $0xffff;
	v41 =	vor.u32 v28, v42  }
0x393: {  	v29 =	vadd.f32 v30, v29;
	v30 =	vmul.f32 v33, v31;
	v31 =	vbroadcast v27, $0x8;
	v33 =	vld [tilespmem:s3+$0x18180]  }
0x394: {  	v26 =	vor.u32 v28, v26;
	v36 =	vadd.f32 v38, v36;
	v38 =	vld.idx.msk [tilespmem:v40+s4+$0x0], $0xffff  }
0x395: {  	v28 =	vadd.f32 v30, v29;
	v29 =	vmul.f32 v34, v31;
	v30 =	vbroadcast v27, $0x9;
	v31 =	vld [tilespmem:s3+$0x18200]  }
0x396: {  	v32 =	vadd.f32 v35, v32;
	v34 =	vld.idx.msk [tilespmem:v39+s4+$0x0], $0xffff  }
0x397: {  	v28 =	vadd.f32 v29, v28;
	v29 =	vmul.f32 v36, v30;
	v30 =	vbroadcast v27, $0xA;
	v35 =	vld [tilespmem:s3+$0x18280]  }
0x398: {  	v33 =	vadd.f32 v37, v33;
	v36 =	vld.idx.msk [tilespmem:v41+s4+$0x0], $0xffff  }
0x399: {  	v28 =	vadd.f32 v29, v28;
	v29 =	vmul.f32 v32, v30;
	v30 =	vbroadcast v27, $0xB;
	v32 =	vld [tilespmem:s3+$0x18300]  }
0x39a: {  	v31 =	vadd.f32 v38, v31;
	v37 =	vld.idx.msk [tilespmem:v26+s4+$0x0], $0xffff  }
0x39b: {  	v26 =	vadd.f32 v29, v28;
	v28 =	vmul.f32 v33, v30;
	v29 =	vbroadcast v27, $0xC;
	v30 =	vld [tilespmem:s3+$0x18380]  }
0x39c: {  	v33 =	vmov s2;
	v34 =	vadd.f32 v34, v35  }
.Ltmp8:
0x39d: {  	v26 =	vadd.f32 v28, v26;
	v28 =	vmul.f32 v31, v29;
	v29 =	vbroadcast v27, $0xD;
	(pc) =	sbr.rel @p0 .LBB2_8-.Ltmp8, $4  }
0x39e: {  	v31 =	vshll.u32 v33, $0x3;
	v32 =	vadd.f32 v36, v32  }
0x39f: {  	v35 =	vbroadcast v27, $0xE;
	v33 =	vadd.f32 v28, v26;
	v34 =	vmul.f32 v34, v29  }
0x3a0: {  	v28 =	vor.u32 s2, v1;
	v26 =	vand.u32 $0x1C00, v31;
	v29 =	vadd.f32 v37, v30  }
0x3a1: {  	v27 =	vbroadcast v27, $0xF;
	s2 =	sadd.s32 $0x10, s2;
	v31 =	vmul.f32 v32, v35;
	v30 =	vadd.f32 v34, v33  }
0x3a2: {  	v28 =	vand.u32 $0x7F, v28;
	v19 =	vadd.s32 v19, v26  }
0x3a3: {  	v19 =	vor.u32 v28, v19;
	v30 =	vadd.f32 v31, v30;
	v27 =	vmul.f32 v29, v27  }
0x3a4: {  	v10 =	vadd.s32 v10, v26;
	s2 =	sadd.s32 s28, s23  }
0x3a5: {  	v10 =	vor.u32 v28, v10;
	s2 =	sand.u32 $0x3F80, s2;
	v27 =	vadd.f32 v27, v30  }
0x3a6: {  	v12 =	vadd.s32 v12, v26;
	s3 =	sadd.s32 $0x80, s0;
	s2 =	sor.u32 s31, s2  }
0x3a7: {  	s0 =	sand.u32 $0x70, s30;
	s16 =	sand.u32 $0x1C00, s3;
	v12 =	vor.u32 v28, v12;
	[tilespmem:s2+$0xD800] =	vst v27  }
0x3a8: {  	s31 =	sor.u32 s0, s16;
	v19 =	vld.idx.msk [tilespmem:v19+s4+$0x0], $0xffff  }
0x3a9: {  	s17 =	sand.u32 $0x3C0, s30;
	v14 =	vadd.s32 v14, v26;
	v27 =	vld [tilespmem:s31+$0x16800]  }
0x3aa: {  	v14 =	vor.u32 v28, v14;
	s16 =	sshrl.u32 s17, $0x2;
	v10 =	vld.idx.msk [tilespmem:v10+s4+$0x0], $0xffff  }
0x3ab: {  	v11 =	vadd.s32 v11, v26;
	v29 =	vld [tilespmem:s16+$0x19800]  }
0x3ac: {  	v11 =	vor.u32 v28, v11;
	s28 =	sadd.s32 $0x16800, s31;
	v12 =	vld.idx.msk [tilespmem:v12+s4+$0x0], $0xffff  }
0x3ad: {  	v16 =	vadd.s32 v16, v26;
	v54 =	vld [tilespmem:s28+$0x80]  }
0x3ae: {  	v16 =	vor.u32 v28, v16;
	v55 =	vld [tilespmem:s28+$0x100]  }
0x3af: {  	v13 =	vadd.s32 v13, v26;
	v14 =	vld.idx.msk [tilespmem:v14+s4+$0x0], $0xffff  }
0x3b0: {  	v13 =	vor.u32 v28, v13;
	v32 =	vld [tilespmem:s28+$0x180];
	v10 =	vadd.f32 v10, v27;
	v56 =	vbroadcast v29, $0x0  }
0x3b1: {  	v20 =	vadd.s32 v20, v26;
	v11 =	vld.idx.msk [tilespmem:v11+s4+$0x0], $0xffff  }
0x3b2: {  	v58 =	vld [tilespmem:s28+$0x200];
	v12 =	vadd.f32 v12, v54;
	v57 =	vbroadcast v29, $0x1;
	v10 =	vmul.f32 v10, v56  }
0x3b3: {  	v17 =	vadd.s32 v17, v26;
	v20 =	vor.u32 v28, v20;
	v16 =	vld.idx.msk [tilespmem:v16+s4+$0x0], $0xffff;
	v19 =	vadd.f32 v19, v55  }
0x3b4: {  	v60 =	vld [tilespmem:s28+$0x280];
	v59 =	vbroadcast v29, $0x2;
	v12 =	vmul.f32 v12, v57;
	v10 =	vadd.f32 $0.0e+00, v10  }
0x3b5: {  	v18 =	vadd.s32 v18, v26;
	v17 =	vor.u32 v28, v17;
	v13 =	vld.idx.msk [tilespmem:v13+s4+$0x0], $0xffff;
	v14 =	vadd.f32 v14, v32  }
0x3b6: {  	v63 =	vld [tilespmem:s28+$0x300];
	v62 =	vbroadcast v29, $0x3;
	v61 =	vmul.f32 v19, v59;
	v10 =	vadd.f32 v12, v10  }
0x3b7: {  	v15 =	vadd.s32 v15, v26;
	v18 =	vor.u32 v28, v18;
	s3 =	sor.u32 s3, s30;
	v11 =	vadd.f32 v11, v58  }
0x3b8: {  	s3 =	sor.u32 $0x380, s3;
	v20 =	vld.idx.msk [tilespmem:v20+s4+$0x0], $0xffff;
	v33 =	vbroadcast v29, $0x4;
	v32 =	vmul.f32 v14, v62;
	v10 =	vadd.f32 v61, v10  }
0x3b9: {  	v22 =	vadd.s32 v22, v26;
	v15 =	vor.u32 v28, v15;
	v34 =	vld [tilespmem:s3+$0x16800];
	v16 =	vadd.f32 v16, v60  }
0x3ba: {  	v17 =	vld.idx.msk [tilespmem:v17+s4+$0x0], $0xffff;
	v35 =	vbroadcast v29, $0x5;
	v11 =	vmul.f32 v11, v33;
	v10 =	vadd.f32 v32, v10  }
0x3bb: {  	v21 =	vadd.s32 v21, v26;
	v22 =	vor.u32 v28, v22;
	v36 =	vld [tilespmem:s31+$0x18000];
	v13 =	vadd.f32 v13, v63  }
0x3bc: {  	v18 =	vld.idx.msk [tilespmem:v18+s4+$0x0], $0xffff;
	v37 =	vbroadcast v29, $0x6;
	v10 =	vadd.f32 v11, v10;
	v11 =	vmul.f32 v16, v35  }
0x3bd: {  	v24 =	vadd.s32 v24, v26;
	v21 =	vor.u32 v28, v21;
	v38 =	vld [tilespmem:s31+$0x18080];
	v40 =	vbroadcast v29, $0x7  }
0x3be: {  	v15 =	vld.idx.msk [tilespmem:v15+s4+$0x0], $0xffff;
	v19 =	vadd.f32 v20, v34;
	v10 =	vadd.f32 v11, v10;
	v11 =	vmul.f32 v13, v37  }
0x3bf: {  	v23 =	vadd.s32 v23, v26;
	v39 =	vor.u32 v28, v24;
	v41 =	vld [tilespmem:s31+$0x18100];
	v45 =	vbroadcast v29, $0x8  }
0x3c0: {  	v42 =	vld.idx.msk [tilespmem:v22+s4+$0x0], $0xffff;
	v14 =	vadd.f32 v17, v36;
	v10 =	vadd.f32 v11, v10;
	v11 =	vmul.f32 v19, v40  }
0x3c1: {  	v44 =	vadd.s32 v25, v26;
	v43 =	vor.u32 v28, v23;
	v46 =	vld [tilespmem:s31+$0x18180];
	v49 =	vbroadcast v29, $0x9  }
0x3c2: {  	v47 =	vld.idx.msk [tilespmem:v21+s4+$0x0], $0xffff;
	v16 =	vadd.f32 v18, v38;
	v10 =	vadd.f32 v11, v10;
	v11 =	vmul.f32 v14, v45  }
0x3c3: {  	v48 =	vor.u32 v28, v44;
	v50 =	vld [tilespmem:s31+$0x18200];
	v52 =	vbroadcast v29, $0xA  }
0x3c4: {  	v51 =	vld.idx.msk [tilespmem:v39+s4+$0x0], $0xffff;
	v13 =	vadd.f32 v15, v41;
	v10 =	vadd.f32 v11, v10;
	v11 =	vmul.f32 v16, v49  }
0x3c5: {  	v53 =	vld [tilespmem:s31+$0x18280];
	v55 =	vbroadcast v29, $0xB  }
0x3c6: {  	v54 =	vld.idx.msk [tilespmem:v43+s4+$0x0], $0xffff;
	v17 =	vadd.f32 v42, v46;
	v10 =	vadd.f32 v11, v10;
	v11 =	vmul.f32 v13, v52  }
0x3c7: {  	v58 =	vbroadcast v29, $0xC;
	v56 =	vld [tilespmem:s31+$0x18300]  }
0x3c8: {  	v57 =	vld.idx.msk [tilespmem:v48+s4+$0x0], $0xffff;
	v14 =	vadd.f32 v47, v50;
	v10 =	vadd.f32 v11, v10;
	v11 =	vmul.f32 v17, v55  }
0x3c9: {  	v60 =	vbroadcast v29, $0xD;
	v59 =	vld [tilespmem:s31+$0x18380]  }
0x3ca: {  	v15 =	vadd.f32 v51, v53;
	v10 =	vadd.f32 v11, v10;
	v11 =	vmul.f32 v14, v58  }
0x3cb: {  	v61 =	vbroadcast v29, $0xE  }
0x3cc: {  	v13 =	vadd.f32 v54, v56;
	v10 =	vadd.f32 v11, v10;
	v11 =	vmul.f32 v15, v60  }
0x3cd: {  	v63 =	vbroadcast v29, $0xF  }
0x3ce: {  	v62 =	vadd.f32 v57, v59;
	v10 =	vadd.f32 v11, v10;
	v11 =	vmul.f32 v13, v61  }
0x3cf: {  	p0 =	sgt.u32 s26, $0x3D  }
.Ltmp9:
0x3d0: {  	v10 =	vadd.f32 v11, v10;
	v11 =	vmul.f32 v62, v63;
	(pc) =	sbr.rel @p0 .LBB2_11-.Ltmp9, $4  }
0x3d1: {  	s31 =	sadd.s32 s30, s23  }
0x3d2: {  	s2 =	sand.u32 $0x3F80, s31;
	v10 =	vadd.f32 v11, v10  }
0x3d3: {  	s0 =	sor.u32 s0, s2  }
0x3d4: {  	[tilespmem:s0+$0xD800] =	vst v10  }
0x3d5: {  	s0 =	sadd.s32 $0x2, s26  }
0x3d6: {  	s2 =	sadd.s32 s8, s0  }
0x3d7: {  	s3 =	sshrl.u32 s2, $0x9  }
0x3d8: {  	s3 =	smul.u32 $0x1800, s3  }
0x3d9: {  	s2 =	sand.u32 $0x1FF, s2  }
0x3da: {  	s2 =	sor.u32 s2, s3  }
0x3db: {  	v10 =	vmov s2  }
0x3dc: {  	v11 =	vshll.u32 v10, $0x2  }
0x3dd: {  	s0 =	sshll.u32 s0, $0x4;
	v11 =	vadd.s32 v0, v11  }
0x3de: {  	s0 =	sand.u32 $0x3FFFFFF0, s0;
	v10 =	vand.u32 $0x7, v10;
	v11 =	vand.u32 $0xFFFFFFE0, v11  }
0x3df: {  	v12 =	vld [tilespmem:s0+$0xF000];
	v10 =	vor.u32 v10, v11  }
0x3e0: {  	v11 =	vperm.xlane v10, v2;
	_ =	sdelay $0x1  }
0x3e1: {  	v11 =	vadd.s32 v4, v11;
	_ =	sdelay $0x1  }
0x3e2: {  	v13 =	vshrl.u32 v12, $0x3;
	v10 =	vperm.xlane v10, v3  }
0x3e3: {  	v13 =	vmul.u32 $0x30, v13  }
0x3e4: {  	v12 =	vand.u32 $0x7, v12;
	v10 =	vadd.s32 v4, v10  }
0x3e5: {  	v12 =	vor.u32 v12, v13;
	[tilespmem:s29], [sflag:$0x3] =	stream.indirect_vreg.gather [hbm4b:s6+s4], $0x80, v11, vm0, $0xb8;
	[tilespmem:$0x19900] =	vst v63  }
0x3e6: {  	s3 =	simm.s32 $0x15000;
	v13 =	vperm.xlane v12, v2  }
0x3e7: {  	[tilespmem:s3], [sflag:$0x3] =	stream.indirect_vreg.gather [hbm4b:s11+s4], $0x80, v11, vm0, $0xb8;
	[tilespmem:$0x19900] =	vst v63  }
0x3e8: {  	s16 =	simm.s32 $0x15800;
	v11 =	vadd.s32 v4, v13  }
0x3e9: {  	[tilespmem:s16], [sflag:$0x3] =	stream.indirect_vreg.gather [hbm4b:s6+s4], $0x80, v10, vm0, $0xb8;
	[tilespmem:$0x19900] =	vst v63  }
0x3ea: {  	s17 =	simm.s32 $0x16000  }
0x3eb: {  	[tilespmem:s17], [sflag:$0x3] =	stream.indirect_vreg.gather [hbm4b:s11+s4], $0x80, v10, vm0, $0xb8;
	[tilespmem:$0x19900] =	vst v63  }
0x3ec: {  	s26 =	simm.s32 $0x16800;
	v10 =	vperm.xlane v12, v3  }
0x3ed: {  	[tilespmem:s26], [sflag:$0x4] =	stream.indirect_vreg.gather [hbm4b:s5+s4], $0x80, v11, vm0, $0xb8;
	[tilespmem:$0x19900] =	vst v63  }
0x3ee: {  	s28 =	simm.s32 $0x17000;
	v10 =	vadd.s32 v4, v10  }
0x3ef: {  	[tilespmem:s28], [sflag:$0x4] =	stream.indirect_vreg.gather [hbm4b:s12+s4], $0x80, v11, vm0, $0xb8;
	[tilespmem:$0x19900] =	vst v63  }
0x3f0: {  	s30 =	simm.s32 $0x17800  }
0x3f1: {  	[tilespmem:s30], [sflag:$0x4] =	stream.indirect_vreg.gather [hbm4b:s13+s4], $0x80, v11, vm0, $0xb8;
	[tilespmem:$0x19900] =	vst v63  }
0x3f2: {  	s31 =	simm.s32 $0x18000  }
0x3f3: {  	[tilespmem:s31], [sflag:$0x4] =	stream.indirect_vreg.gather [hbm4b:s5+s4], $0x80, v10, vm0, $0xb8;
	[tilespmem:$0x19900] =	vst v63  }
.Ltmp10:
0x3f4: {  	_ = 	snop;
	(pc) =	sbr.rel .LBB2_11-.Ltmp10, $4  }
0x3f5: {  	_ = 	snop  }
0x3f6: {  	[tilespmem:s9], [sflag:$0x4] =	stream.indirect_vreg.gather [hbm4b:s12+s4], $0x80, v10, vm0, $0xb8;
	[tilespmem:$0x19900] =	vst v63  }
0x3f7: {  	_ = 	snop  }
0x3f8: {  	[tilespmem:s10], [sflag:$0x4] =	stream.indirect_vreg.gather [hbm4b:s13+s4], $0x80, v10, vm0, $0xb8;
	[tilespmem:$0x19900] =	vst v63  }
.LBB2_14:
0x3f9: {  	_ =	sfence.sel $0x180000  }
0x3fa: {  	[bflag:$0x0] =	sbarrier.arrive $0xFFFF  }
0x3fb: {  	_ =	strace $0x90000047  }
0x3fc: {  	s0 =	stileid.u32;
	[bflag:$0x2] =	sbarrier.arrive $0xFFFF  }
0x3fd: {  	p0 =	sne.s32 s0, $0x0;
	s0 =	rddreg [dreg:$0x3]  }
0x3fe: {  	s0 =	sadd.s32 @!p0 $0x100000, s0  }
0x3ff: {  	[sflag:s0] =	ssyncadd.tile.s32 @!p0 $0x1;
	_ =	shalt  }
.Lfunc_end2:
_tile_overlayer_lowered:
.L_overlay_start_2:
0x400: {  	(tag) =	ssettag $0x2  }
0x401: {  	s0 =	rddreg [dreg:$0x0];
	s2 =	stileid.u32  }
0x402: {  	s1 =	rddreg [dreg:$0x1];
	p0 =	sne.s32 s2, $0x0  }
0x403: {  	s3 =	rddreg [dreg:$0x2];
	[bflag:$0x3] =	sbarrier.arrive $0xFFFF;
	s2 =	simm.s32 @!p0 $0x1C05  }
0x404: {  	[timem:s3], [sflag:s2] =	dma.local @!p0 [hbm:s0], s1  }
0x405: {  	s0 =	simm.s32 @!p0 $0x5  }
0x406: {  	_ =	swait.ge @!p0 [sflag:s0], s1  }
0x407: {  	s1 =	ssub.s32 @!p0 $0x0, s1;
	[sflag:s0] =	ssyncset.done @!p0 $0x0  }
0x408: {  	[sflag:s0] =	ssyncadd.s32 @!p0 s1  }
0x409: {  	[bflag:$0x3] =	sbarrier.arrive $0xFFFF  }
0x40a: {  	_ =	shalt  }

</sc_bundles>
